<compile_context>
chip_gen: v7x
topology: tpu7x:2x2x1
jax: 0.10.2.dev20260603
libtpu: 0.0.44.dev20260713+nightly
codegen_flags: <defaults>
</compile_context>

<pallas_src>
import jax
import jax.numpy as jnp
from jax import lax
from jax.experimental import pallas as pl
from jax.experimental.pallas import tpu as pltpu
from jax.experimental.pallas import tpu_sc as plsc

N_NODES = 10000
N_PAD = 10240
N_EDGES = 320000
D = 128

NC = 2
NS = 16
NW = NC * NS
CHUNK = 128
NCHUNK = 78
EPW = NCHUNK * CHUNK
E_MAIN = EPW * NW
TAIL = (N_EDGES - E_MAIN) // NW
ROWS_PER_SUB = N_PAD // NS

_SC_PARAMS = pltpu.CompilerParams(needs_layout_passes=False)


def _make_agg():
    mesh = plsc.VectorSubcoreMesh(core_axis_name="c", subcore_axis_name="s")
    out_type = [jax.ShapeDtypeStruct((NC * N_PAD, D), jnp.float32)]
    scratch = [
        pltpu.VMEM((NCHUNK, CHUNK), jnp.int32),
        pltpu.VMEM((CHUNK,), jnp.int32),
        pltpu.VMEM((CHUNK,), jnp.int32),
        pltpu.VMEM((CHUNK,), jnp.int32),
        pltpu.VMEM((CHUNK,), jnp.int32),
        pltpu.VMEM((TAIL,), jnp.int32),
        pltpu.VMEM((TAIL,), jnp.int32),
        pltpu.VMEM((CHUNK, D), jnp.float32),
        pltpu.VMEM((CHUNK, D), jnp.float32),
        pltpu.VMEM_SHARED((N_PAD, D), jnp.float32),
        pltpu.SemaphoreType.DMA,
        pltpu.SemaphoreType.DMA,
        pltpu.SemaphoreType.DMA,
        pltpu.SemaphoreType.DMA,
    ]
    def body(pk_hbm, x_hbm, srcall_hbm, dstall_hbm, *refs):
        (acc_out, pk_v, srcb0, srcb1, dstb0, dstb1, tsrc_v,
         tdst_v, rows0, rows1, acc, semg0, semg1, sems0, sems1) = refs
        c = lax.axis_index("c")
        s = lax.axis_index("s")
        w = s * NC + c
        pltpu.sync_copy(pk_hbm.at[w], pk_v)
        toff = pl.multiple_of(E_MAIN + w * TAIL, TAIL)
        pltpu.sync_copy(srcall_hbm.at[pl.ds(toff, TAIL)], tsrc_v)
        pltpu.sync_copy(dstall_hbm.at[pl.ds(toff, TAIL)], tdst_v)

        def unpack_src(i, sb):
            for j in range(CHUNK // 16):
                v = pk_v[i, pl.ds(j * 16, 16)]
                sb[pl.ds(j * 16, 16)] = lax.shift_right_logical(v, 16)

        def unpack_dst(i, db):
            for j in range(CHUNK // 16):
                v = pk_v[i, pl.ds(j * 16, 16)]
                db[pl.ds(j * 16, 16)] = jnp.bitwise_and(v, 0xFFFF)

        z16 = jnp.zeros((16,), jnp.float32)

        def zrow_store(r, carry):
            for l in range(D // 16):
                rows0[r, pl.ds(l * 16, 16)] = z16
            return carry

        lax.fori_loop(0, CHUNK, zrow_store, 0)
        row0 = pl.multiple_of(s * ROWS_PER_SUB, ROWS_PER_SUB)
        zcopies = [
            pltpu.async_copy(
                rows0, acc.at[pl.ds(row0 + k * CHUNK, CHUNK)], semg0)
            for k in range(ROWS_PER_SUB // CHUNK)
        ]
        for zc in zcopies:
            zc.wait()
        plsc.subcore_barrier()

        unpack_src(0, srcb0)
        pltpu.async_copy(x_hbm.at[srcb0], rows0, semg0)
        unpack_src(1, srcb1)
        pltpu.async_copy(x_hbm.at[srcb1], rows1, semg1)
        bufs = ((rows0, semg0, srcb0), (rows1, semg1, srcb1))

        def outer(i0, carry):
            for b, (rv, sm, sb) in enumerate(bufs):
                i = i0 + b
                pltpu.make_async_copy(x_hbm.at[pl.ds(0, CHUNK)], rv, sm).wait()
                unpack_dst(i, dstb0)
                pltpu.sync_copy(rv, acc.at[dstb0], add=True)
                @pl.when(i + 2 < NCHUNK)
                def _():
                    unpack_src(i + 2, sb)
                    pltpu.async_copy(x_hbm.at[sb], rv, sm)
            return carry

        lax.fori_loop(0, NCHUNK // 2, lambda k, cr: outer(k * 2, cr), 0)
        pltpu.async_copy(x_hbm.at[tsrc_v], rows0.at[pl.ds(0, TAIL)], semg0)
        pltpu.make_async_copy(
            x_hbm.at[pl.ds(0, TAIL)], rows0.at[pl.ds(0, TAIL)], semg0).wait()
        pltpu.sync_copy(rows0.at[pl.ds(0, TAIL)], acc.at[tdst_v], add=True)
        plsc.subcore_barrier()
        ocopies = [
            pltpu.async_copy(
                acc.at[pl.ds(row0 + k * CHUNK, CHUNK)],
                acc_out.at[pl.ds(c * N_PAD + row0 + k * CHUNK, CHUNK)],
                semg1)
            for k in range(ROWS_PER_SUB // CHUNK)
        ]
        for oc in ocopies:
            oc.wait()

    return pl.kernel(body, out_type=out_type, mesh=mesh,
                     scratch_types=scratch, compiler_params=_SC_PARAMS)


_agg = _make_agg()


def _make_cnt():
    mesh = plsc.VectorSubcoreMesh(core_axis_name="c", subcore_axis_name="s")
    out_type = [jax.ShapeDtypeStruct((NW * N_PAD,), jnp.float32),
                jax.ShapeDtypeStruct((NW, NCHUNK, CHUNK), jnp.int32)]
    scratch = [
        pltpu.VMEM((EPW,), jnp.int32),
        pltpu.VMEM((EPW,), jnp.int32),
        pltpu.VMEM((NCHUNK, CHUNK), jnp.int32),
        pltpu.VMEM((TAIL,), jnp.int32),
        pltpu.VMEM((N_PAD,), jnp.float32),
    ]

    def body(srcall_hbm, dstall_hbm, cnt_out, pk_out, src_v, dst_v,
             pk_v, tdst_v, cnt_v):
        c = lax.axis_index("c")
        s_ = lax.axis_index("s")
        w = s_ * NC + c
        off = pl.multiple_of(w * EPW, EPW)
        pltpu.sync_copy(srcall_hbm.at[pl.ds(off, EPW)], src_v)
        pltpu.sync_copy(dstall_hbm.at[pl.ds(off, EPW)], dst_v)
        toff = pl.multiple_of(E_MAIN + w * TAIL, TAIL)
        pltpu.sync_copy(dstall_hbm.at[pl.ds(toff, TAIL)], tdst_v)
        z16 = jnp.zeros((16,), jnp.float32)
        ones = jnp.ones((16,), jnp.float32)

        def zcnt_store(r, carry):
            cnt_v[pl.ds(r * 16, 16)] = z16
            return carry

        lax.fori_loop(0, N_PAD // 16, zcnt_store, 0)

        def step(i, carry):
            for j in range(CHUNK // 16):
                vs = src_v[pl.ds(i * CHUNK + j * 16, 16)]
                vd = dst_v[pl.ds(i * CHUNK + j * 16, 16)]
                pk_v[i, pl.ds(j * 16, 16)] = jnp.bitwise_or(
                    lax.shift_left(vs, 16), vd)
                plsc.addupdate_scatter(cnt_v, [vd], ones)
            return carry

        lax.fori_loop(0, NCHUNK, step, 0)
        plsc.addupdate_scatter(cnt_v, [tdst_v[...]], ones)
        pltpu.sync_copy(cnt_v, cnt_out.at[pl.ds(w * N_PAD, N_PAD)])
        pltpu.sync_copy(pk_v, pk_out.at[w])

    return pl.kernel(body, out_type=out_type, mesh=mesh,
                     scratch_types=scratch, compiler_params=_SC_PARAMS)


_cnt = _make_cnt()

BLK = 2048


def _combine_body(acc_ref, cnt_ref, x_ref, wl_ref, bl_ref, wr_ref, o_ref):
    cnt = jnp.sum(cnt_ref[...], axis=0)
    tot = jnp.sum(acc_ref[...], axis=0)
    mean = tot / jnp.maximum(cnt, 1.0)[:, None]
    h = lax.dot_general(mean, wl_ref[...], (((1,), (1,)), ((), ())),
                        preferred_element_type=jnp.float32)
    h = h + lax.dot_general(x_ref[...], wr_ref[...], (((1,), (1,)), ((), ())),
                            preferred_element_type=jnp.float32)
    h = h + bl_ref[...]
    o_ref[...] = jnp.maximum(h, 0.0)


def _combine(acc, cnt, x, wl, bl, wr):
    grid = (N_PAD // BLK,)
    return pl.pallas_call(
        _combine_body,
        grid=grid,
        in_specs=[
            pl.BlockSpec((NC, BLK, D), lambda i: (0, i, 0)),
            pl.BlockSpec((NW, BLK), lambda i: (0, i)),
            pl.BlockSpec((BLK, D), lambda i: (i, 0)),
            pl.BlockSpec((D, D), lambda i: (0, 0)),
            pl.BlockSpec((1, D), lambda i: (0, 0)),
            pl.BlockSpec((D, D), lambda i: (0, 0)),
        ],
        out_specs=pl.BlockSpec((BLK, D), lambda i: (i, 0)),
        out_shape=jax.ShapeDtypeStruct((N_NODES, D), jnp.float32),
    )(acc, cnt, x, wl, bl, wr)


@jax.jit
def kernel(x, edge_index, Wl1, bl1, Wr1, Wl2, bl2, Wr2):
    src = edge_index[0].astype(jnp.int32)
    dst = edge_index[1].astype(jnp.int32)
    bl1r = bl1.reshape(1, D)
    bl2r = bl2.reshape(1, D)

    cnt, pkm = _cnt(src, dst)
    cnt = cnt.reshape(NW, N_PAD)
    (acc1,) = _agg(pkm, x, src, dst)
    h = _combine(acc1.reshape(NC, N_PAD, D), cnt, x, Wl1, bl1r, Wr1)
    (acc2,) = _agg(pkm, h, src, dst)
    return _combine(acc2.reshape(NC, N_PAD, D), cnt, h, Wl2, bl2r, Wr2)

# --- scband reference (transcript-rebuilt; emitter-appended) ---
"""Pipeline reference for scband-model-graph-sage-20744692040176 (READ-ONLY COPY).

The authoritative reference and input builder live on the scoring server;
editing this copy changes nothing except your own understanding.
"""

import jax, jax.numpy as jnp
import numpy as np

N_NODES = 10000
N_EDGES = 320000
D_IN = 128
D_HID = 128
D_OUT = 128


def _glorot(key, shape):
    fan_in, fan_out = shape[1], shape[0]
    limit = float(np.sqrt(6.0 / (fan_in + fan_out)))
    return jax.random.uniform(key, shape, minval=-limit, maxval=limit, dtype=jnp.float32)


def setup_inputs(seed: int = 0) -> dict:
    key = jax.random.key(seed)
    ks = jax.random.split(key, 8)
    x = jax.random.normal(ks[0], (N_NODES, D_IN), dtype=jnp.float32)
    edge_index = jax.random.randint(ks[1], (2, N_EDGES), 0, N_NODES, dtype=jnp.int64)
    # SAGEConv layer 1: lin_l (applied to aggregated neighbors, with bias), lin_r (root, no bias)
    Wl1 = _glorot(ks[2], (D_HID, D_IN))
    bl1 = jnp.zeros((D_HID,), dtype=jnp.float32)
    Wr1 = _glorot(ks[3], (D_HID, D_IN))
    # SAGEConv layer 2
    Wl2 = _glorot(ks[4], (D_OUT, D_HID))
    bl2 = jnp.zeros((D_OUT,), dtype=jnp.float32)
    Wr2 = _glorot(ks[5], (D_OUT, D_HID))
    return {"x": x, "edge_index": edge_index, "Wl1": Wl1, "bl1": bl1, "Wr1": Wr1,
            "Wl2": Wl2, "bl2": bl2, "Wr2": Wr2}


def _sage_conv(x, edge_index, Wl, bl, Wr, n_nodes):
    # PyG SAGEConv with mean aggregation:
    # out = lin_l(mean_{j in N(i)} x_j) + lin_r(x_i)
    src = edge_index[0]
    dst = edge_index[1]
    msgs = jnp.take(x, src, axis=0)                                   # gather  [E, d]
    summed = jax.ops.segment_sum(msgs, dst, num_segments=n_nodes)     # scatter-add [N, d]
    counts = jax.ops.segment_sum(jnp.ones((msgs.shape[0],), dtype=x.dtype), dst,
                                 num_segments=n_nodes)
    mean = summed / jnp.clip(counts, 1.0)[:, None]
    return mean @ Wl.T + bl + x @ Wr.T


def reference(x, edge_index, Wl1, bl1, Wr1, Wl2, bl2, Wr2):
    h = _sage_conv(x, edge_index, Wl1, bl1, Wr1, N_NODES)
    h = jax.nn.relu(h)
    h = _sage_conv(h, edge_index, Wl2, bl2, Wr2, N_NODES)
    h = jax.nn.relu(h)
    return h

if __name__ == "__main__":
    import jax
    _d = setup_inputs()
    print(jax.jit(kernel)(*tuple(_d.values())))

</pallas_src>

<mosaic_0001>
#map = affine_map<(d0, d1) -> (0)>
#map1 = affine_map<(d0, d1) -> (0, 0, 0)>
module attributes {stable_mosaic.version = 14 : i64} {
  func.func @body(%arg0: i32, %arg1: i32, %arg2: memref<320000xi32, #tpu.memory_space<hbm>>, %arg3: memref<320000xi32, #tpu.memory_space<hbm>>, %arg4: memref<327680xf32, #tpu.memory_space<hbm>>, %arg5: memref<32x78x128xi32, #tpu.memory_space<hbm>>, %arg6: memref<9984xi32, #tpu.memory_space<vmem>>, %arg7: memref<9984xi32, #tpu.memory_space<vmem>>, %arg8: memref<78x128xi32, #tpu.memory_space<vmem>>, %arg9: memref<16xi32, #tpu.memory_space<vmem>>, %arg10: memref<10240xf32, #tpu.memory_space<vmem>>) attributes {dimension_semantics = [#tpu.dimension_semantics<core_parallel>, #tpu.dimension_semantics<subcore_parallel>], iteration_bounds = array<i64: 2, 16>, scalar_prefetch = 0 : i64, scratch_operands = 5 : i64, tpu.core_type = #tpu.core_type<sc_vector_subcore>, window_params = [{transform_indices = #map}, {transform_indices = #map}, {transform_indices = #map}, {transform_indices = #map1}]} {
    %mul3A = arith.constant 2 : i32
    %mul3A_0 = arith.muli %arg1, %mul3A : i32
    %add3A = arith.addi %mul3A_0, %arg0 : i32
    %mul3A_1 = arith.constant 9984 : i32
    %mul3A_2 = arith.muli %add3A, %mul3A_1 : i32
    %multiple_of3A = tpu.assume_multiple %mul3A_2, 9984 : i32
    "tpu.region"() ({
      %run_scoped3A = tpu.sem_alloc : memref<!tpu.dma_semaphore, #tpu.memory_space<semaphore_mem>>
      %dma_start3A = tpu.memref_slice %arg2[%multiple_of3A] : memref<320000xi32, #tpu.memory_space<hbm>> -> memref<9984xi32, #tpu.memory_space<hbm>>
      %dma_start3A_25 = tpu.memref_slice %arg2[%multiple_of3A] : memref<320000xi32, #tpu.memory_space<hbm>> -> memref<9984xi32, #tpu.memory_space<hbm>>
      tpu.enqueue_dma source(%dma_start3A_25 : memref<9984xi32, #tpu.memory_space<hbm>>) target(%arg6 : memref<9984xi32, #tpu.memory_space<vmem>>) target_semaphore(%run_scoped3A : memref<!tpu.dma_semaphore, #tpu.memory_space<semaphore_mem>>)
      %dma_wait3A = tpu.memref_slice %arg2[%multiple_of3A] : memref<320000xi32, #tpu.memory_space<hbm>> -> memref<9984xi32, #tpu.memory_space<hbm>>
      %dma_wait3A_26 = tpu.memref_slice %arg2[%multiple_of3A] : memref<320000xi32, #tpu.memory_space<hbm>> -> memref<9984xi32, #tpu.memory_space<hbm>>
      tpu.wait_dma2 semaphore(%run_scoped3A : memref<!tpu.dma_semaphore, #tpu.memory_space<semaphore_mem>>) src(%dma_wait3A_26 : memref<9984xi32, #tpu.memory_space<hbm>>) dst(%arg6 : memref<9984xi32, #tpu.memory_space<vmem>>)
      tpu.yield
    }) : () -> ()
    "tpu.region"() ({
      %run_scoped3A = tpu.sem_alloc : memref<!tpu.dma_semaphore, #tpu.memory_space<semaphore_mem>>
      %dma_start3A = tpu.memref_slice %arg3[%multiple_of3A] : memref<320000xi32, #tpu.memory_space<hbm>> -> memref<9984xi32, #tpu.memory_space<hbm>>
      %dma_start3A_25 = tpu.memref_slice %arg3[%multiple_of3A] : memref<320000xi32, #tpu.memory_space<hbm>> -> memref<9984xi32, #tpu.memory_space<hbm>>
      tpu.enqueue_dma source(%dma_start3A_25 : memref<9984xi32, #tpu.memory_space<hbm>>) target(%arg7 : memref<9984xi32, #tpu.memory_space<vmem>>) target_semaphore(%run_scoped3A : memref<!tpu.dma_semaphore, #tpu.memory_space<semaphore_mem>>)
      %dma_wait3A = tpu.memref_slice %arg3[%multiple_of3A] : memref<320000xi32, #tpu.memory_space<hbm>> -> memref<9984xi32, #tpu.memory_space<hbm>>
      %dma_wait3A_26 = tpu.memref_slice %arg3[%multiple_of3A] : memref<320000xi32, #tpu.memory_space<hbm>> -> memref<9984xi32, #tpu.memory_space<hbm>>
      tpu.wait_dma2 semaphore(%run_scoped3A : memref<!tpu.dma_semaphore, #tpu.memory_space<semaphore_mem>>) src(%dma_wait3A_26 : memref<9984xi32, #tpu.memory_space<hbm>>) dst(%arg7 : memref<9984xi32, #tpu.memory_space<vmem>>)
      tpu.yield
    }) : () -> ()
    %mul3A_3 = arith.constant 16 : i32
    %mul3A_4 = arith.muli %add3A, %mul3A_3 : i32
    %add3A_5 = arith.constant 319488 : i32
    %add3A_6 = arith.addi %add3A_5, %mul3A_4 : i32
    %multiple_of3A_7 = tpu.assume_multiple %add3A_6, 16 : i32
    "tpu.region"() ({
      %run_scoped3A = tpu.sem_alloc : memref<!tpu.dma_semaphore, #tpu.memory_space<semaphore_mem>>
      %dma_start3A = tpu.memref_slice %arg3[%multiple_of3A_7] : memref<320000xi32, #tpu.memory_space<hbm>> -> memref<16xi32, #tpu.memory_space<hbm>>
      %dma_start3A_25 = tpu.memref_slice %arg3[%multiple_of3A_7] : memref<320000xi32, #tpu.memory_space<hbm>> -> memref<16xi32, #tpu.memory_space<hbm>>
      tpu.enqueue_dma source(%dma_start3A_25 : memref<16xi32, #tpu.memory_space<hbm>>) target(%arg9 : memref<16xi32, #tpu.memory_space<vmem>>) target_semaphore(%run_scoped3A : memref<!tpu.dma_semaphore, #tpu.memory_space<semaphore_mem>>)
      %dma_wait3A = tpu.memref_slice %arg3[%multiple_of3A_7] : memref<320000xi32, #tpu.memory_space<hbm>> -> memref<16xi32, #tpu.memory_space<hbm>>
      %dma_wait3A_26 = tpu.memref_slice %arg3[%multiple_of3A_7] : memref<320000xi32, #tpu.memory_space<hbm>> -> memref<16xi32, #tpu.memory_space<hbm>>
      tpu.wait_dma2 semaphore(%run_scoped3A : memref<!tpu.dma_semaphore, #tpu.memory_space<semaphore_mem>>) src(%dma_wait3A_26 : memref<16xi32, #tpu.memory_space<hbm>>) dst(%arg9 : memref<16xi32, #tpu.memory_space<vmem>>)
      tpu.yield
    }) : () -> ()
    %broadcast_in_dim3A = arith.constant 0.000000e+00 : f32
    %broadcast_in_dim3A_8 = vector.broadcast %broadcast_in_dim3A : f32 to vector<16xf32>
    %broadcast_in_dim3A_9 = arith.constant 1.000000e+00 : f32
    %broadcast_in_dim3A_10 = vector.broadcast %broadcast_in_dim3A_9 : f32 to vector<16xf32>
    %scan3A = arith.constant 0 : i32
    %scan3A_11 = arith.constant 0 : i32
    %scan3A_12 = arith.constant 640 : i32
    %scan3A_13 = arith.addi %scan3A_11, %scan3A_12 : i32
    %scan3A_14 = arith.constant 1 : i32
    scf.for %scan3A_25 = %scan3A_11 to %scan3A_13 step %scan3A_14  : i32 {
      %mul3A_26 = arith.constant 16 : i32
      %mul3A_27 = arith.muli %scan3A_25, %mul3A_26 : i32
      %swap3A = arith.index_cast %mul3A_27 : i32 to index
      %swap3A_28 = tpu.vector_load %arg10[%swap3A] {strides = array<i32>} : memref<10240xf32, #tpu.memory_space<vmem>>, vector<16xf32>,
      tpu.vector_store %arg10[%swap3A], %broadcast_in_dim3A_8 {strides = array<i32>} : memref<10240xf32, #tpu.memory_space<vmem>>, vector<16xf32>,
    }
    %scan3A_15 = arith.constant 640 : i32
    %scan3A_16 = arith.constant 0 : i32
    %scan3A_17 = arith.constant 0 : i32
    %scan3A_18 = arith.constant 78 : i32
    %scan3A_19 = arith.addi %scan3A_17, %scan3A_18 : i32
    %scan3A_20 = arith.constant 1 : i32
    scf.for %scan3A_25 = %scan3A_17 to %scan3A_19 step %scan3A_20  : i32 {
      %mul3A_26 = arith.constant 128 : i32
      %mul3A_27 = arith.muli %scan3A_25, %mul3A_26 : i32
      %add3A_28 = arith.constant 0 : i32
      %add3A_29 = arith.addi %mul3A_27, %add3A_28 : i32
      %get3A_30 = arith.index_cast %add3A_29 : i32 to index
      %get3A_31 = tpu.vector_load %arg6[%get3A_30] {strides = array<i32>} : memref<9984xi32, #tpu.memory_space<vmem>>, vector<16xi32>,
      %mul3A_32 = arith.constant 128 : i32
      %mul3A_33 = arith.muli %scan3A_25, %mul3A_32 : i32
      %add3A_34 = arith.constant 0 : i32
      %add3A_35 = arith.addi %mul3A_33, %add3A_34 : i32
      %get3A_36 = arith.index_cast %add3A_35 : i32 to index
      %get3A_37 = tpu.vector_load %arg7[%get3A_36] {strides = array<i32>} : memref<9984xi32, #tpu.memory_space<vmem>>, vector<16xi32>,
      %shift_left3A = arith.constant 16 : i32
      %shift_left3A_38 = vector.broadcast %shift_left3A : i32 to vector<16xi32>
      %shift_left3A_39 = arith.shli %get3A_31, %shift_left3A_38 : vector<16xi32>
      %or3A = arith.ori %shift_left3A_39, %get3A_37 : vector<16xi32>
      %swap3A = arith.index_cast %scan3A_25 : i32 to index
      %swap3A_40 = arith.constant 0 : index
      %swap3A_41 = tpu.vector_load %arg8[%swap3A, %swap3A_40] {strides = array<i32>} : memref<78x128xi32, #tpu.memory_space<vmem>>, vector<16xi32>,
      tpu.vector_store %arg8[%swap3A, %swap3A_40], %or3A {strides = array<i32>} : memref<78x128xi32, #tpu.memory_space<vmem>>, vector<16xi32>,
      tpu.vector_store_idx %arg10[%get3A_37], %broadcast_in_dim3A_10 {add = true} : memref<10240xf32, #tpu.memory_space<vmem>>[vector<16xi32>], vector<16xf32>,
      %mul3A_42 = arith.constant 128 : i32
      %mul3A_43 = arith.muli %scan3A_25, %mul3A_42 : i32
      %add3A_44 = arith.constant 16 : i32
      %add3A_45 = arith.addi %mul3A_43, %add3A_44 : i32
      %get3A_46 = arith.index_cast %add3A_45 : i32 to index
      %get3A_47 = tpu.vector_load %arg6[%get3A_46] {strides = array<i32>} : memref<9984xi32, #tpu.memory_space<vmem>>, vector<16xi32>,
      %mul3A_48 = arith.constant 128 : i32
      %mul3A_49 = arith.muli %scan3A_25, %mul3A_48 : i32
      %add3A_50 = arith.constant 16 : i32
      %add3A_51 = arith.addi %mul3A_49, %add3A_50 : i32
      %get3A_52 = arith.index_cast %add3A_51 : i32 to index
      %get3A_53 = tpu.vector_load %arg7[%get3A_52] {strides = array<i32>} : memref<9984xi32, #tpu.memory_space<vmem>>, vector<16xi32>,
      %shift_left3A_54 = arith.constant 16 : i32
      %shift_left3A_55 = vector.broadcast %shift_left3A_54 : i32 to vector<16xi32>
      %shift_left3A_56 = arith.shli %get3A_47, %shift_left3A_55 : vector<16xi32>
      %or3A_57 = arith.ori %shift_left3A_56, %get3A_53 : vector<16xi32>
      %swap3A_58 = arith.index_cast %scan3A_25 : i32 to index
      %swap3A_59 = arith.constant 16 : index
      %swap3A_60 = tpu.vector_load %arg8[%swap3A_58, %swap3A_59] {strides = array<i32>} : memref<78x128xi32, #tpu.memory_space<vmem>>, vector<16xi32>,
      tpu.vector_store %arg8[%swap3A_58, %swap3A_59], %or3A_57 {strides = array<i32>} : memref<78x128xi32, #tpu.memory_space<vmem>>, vector<16xi32>,
      tpu.vector_store_idx %arg10[%get3A_53], %broadcast_in_dim3A_10 {add = true} : memref<10240xf32, #tpu.memory_space<vmem>>[vector<16xi32>], vector<16xf32>,
      %mul3A_61 = arith.constant 128 : i32
      %mul3A_62 = arith.muli %scan3A_25, %mul3A_61 : i32
      %add3A_63 = arith.constant 32 : i32
      %add3A_64 = arith.addi %mul3A_62, %add3A_63 : i32
      %get3A_65 = arith.index_cast %add3A_64 : i32 to index
      %get3A_66 = tpu.vector_load %arg6[%get3A_65] {strides = array<i32>} : memref<9984xi32, #tpu.memory_space<vmem>>, vector<16xi32>,
      %mul3A_67 = arith.constant 128 : i32
      %mul3A_68 = arith.muli %scan3A_25, %mul3A_67 : i32
      %add3A_69 = arith.constant 32 : i32
      %add3A_70 = arith.addi %mul3A_68, %add3A_69 : i32
      %get3A_71 = arith.index_cast %add3A_70 : i32 to index
      %get3A_72 = tpu.vector_load %arg7[%get3A_71] {strides = array<i32>} : memref<9984xi32, #tpu.memory_space<vmem>>, vector<16xi32>,
      %shift_left3A_73 = arith.constant 16 : i32
      %shift_left3A_74 = vector.broadcast %shift_left3A_73 : i32 to vector<16xi32>
      %shift_left3A_75 = arith.shli %get3A_66, %shift_left3A_74 : vector<16xi32>
      %or3A_76 = arith.ori %shift_left3A_75, %get3A_72 : vector<16xi32>
      %swap3A_77 = arith.index_cast %scan3A_25 : i32 to index
      %swap3A_78 = arith.constant 32 : index
      %swap3A_79 = tpu.vector_load %arg8[%swap3A_77, %swap3A_78] {strides = array<i32>} : memref<78x128xi32, #tpu.memory_space<vmem>>, vector<16xi32>,
      tpu.vector_store %arg8[%swap3A_77, %swap3A_78], %or3A_76 {strides = array<i32>} : memref<78x128xi32, #tpu.memory_space<vmem>>, vector<16xi32>,
      tpu.vector_store_idx %arg10[%get3A_72], %broadcast_in_dim3A_10 {add = true} : memref<10240xf32, #tpu.memory_space<vmem>>[vector<16xi32>], vector<16xf32>,
      %mul3A_80 = arith.constant 128 : i32
      %mul3A_81 = arith.muli %scan3A_25, %mul3A_80 : i32
      %add3A_82 = arith.constant 48 : i32
      %add3A_83 = arith.addi %mul3A_81, %add3A_82 : i32
      %get3A_84 = arith.index_cast %add3A_83 : i32 to index
      %get3A_85 = tpu.vector_load %arg6[%get3A_84] {strides = array<i32>} : memref<9984xi32, #tpu.memory_space<vmem>>, vector<16xi32>,
      %mul3A_86 = arith.constant 128 : i32
      %mul3A_87 = arith.muli %scan3A_25, %mul3A_86 : i32
      %add3A_88 = arith.constant 48 : i32
      %add3A_89 = arith.addi %mul3A_87, %add3A_88 : i32
      %get3A_90 = arith.index_cast %add3A_89 : i32 to index
      %get3A_91 = tpu.vector_load %arg7[%get3A_90] {strides = array<i32>} : memref<9984xi32, #tpu.memory_space<vmem>>, vector<16xi32>,
      %shift_left3A_92 = arith.constant 16 : i32
      %shift_left3A_93 = vector.broadcast %shift_left3A_92 : i32 to vector<16xi32>
      %shift_left3A_94 = arith.shli %get3A_85, %shift_left3A_93 : vector<16xi32>
      %or3A_95 = arith.ori %shift_left3A_94, %get3A_91 : vector<16xi32>
      %swap3A_96 = arith.index_cast %scan3A_25 : i32 to index
      %swap3A_97 = arith.constant 48 : index
      %swap3A_98 = tpu.vector_load %arg8[%swap3A_96, %swap3A_97] {strides = array<i32>} : memref<78x128xi32, #tpu.memory_space<vmem>>, vector<16xi32>,
      tpu.vector_store %arg8[%swap3A_96, %swap3A_97], %or3A_95 {strides = array<i32>} : memref<78x128xi32, #tpu.memory_space<vmem>>, vector<16xi32>,
      tpu.vector_store_idx %arg10[%get3A_91], %broadcast_in_dim3A_10 {add = true} : memref<10240xf32, #tpu.memory_space<vmem>>[vector<16xi32>], vector<16xf32>,
      %mul3A_99 = arith.constant 128 : i32
      %mul3A_100 = arith.muli %scan3A_25, %mul3A_99 : i32
      %add3A_101 = arith.constant 64 : i32
      %add3A_102 = arith.addi %mul3A_100, %add3A_101 : i32
      %get3A_103 = arith.index_cast %add3A_102 : i32 to index
      %get3A_104 = tpu.vector_load %arg6[%get3A_103] {strides = array<i32>} : memref<9984xi32, #tpu.memory_space<vmem>>, vector<16xi32>,
      %mul3A_105 = arith.constant 128 : i32
      %mul3A_106 = arith.muli %scan3A_25, %mul3A_105 : i32
      %add3A_107 = arith.constant 64 : i32
      %add3A_108 = arith.addi %mul3A_106, %add3A_107 : i32
      %get3A_109 = arith.index_cast %add3A_108 : i32 to index
      %get3A_110 = tpu.vector_load %arg7[%get3A_109] {strides = array<i32>} : memref<9984xi32, #tpu.memory_space<vmem>>, vector<16xi32>,
      %shift_left3A_111 = arith.constant 16 : i32
      %shift_left3A_112 = vector.broadcast %shift_left3A_111 : i32 to vector<16xi32>
      %shift_left3A_113 = arith.shli %get3A_104, %shift_left3A_112 : vector<16xi32>
      %or3A_114 = arith.ori %shift_left3A_113, %get3A_110 : vector<16xi32>
      %swap3A_115 = arith.index_cast %scan3A_25 : i32 to index
      %swap3A_116 = arith.constant 64 : index
      %swap3A_117 = tpu.vector_load %arg8[%swap3A_115, %swap3A_116] {strides = array<i32>} : memref<78x128xi32, #tpu.memory_space<vmem>>, vector<16xi32>,
      tpu.vector_store %arg8[%swap3A_115, %swap3A_116], %or3A_114 {strides = array<i32>} : memref<78x128xi32, #tpu.memory_space<vmem>>, vector<16xi32>,
      tpu.vector_store_idx %arg10[%get3A_110], %broadcast_in_dim3A_10 {add = true} : memref<10240xf32, #tpu.memory_space<vmem>>[vector<16xi32>], vector<16xf32>,
      %mul3A_118 = arith.constant 128 : i32
      %mul3A_119 = arith.muli %scan3A_25, %mul3A_118 : i32
      %add3A_120 = arith.constant 80 : i32
      %add3A_121 = arith.addi %mul3A_119, %add3A_120 : i32
      %get3A_122 = arith.index_cast %add3A_121 : i32 to index
      %get3A_123 = tpu.vector_load %arg6[%get3A_122] {strides = array<i32>} : memref<9984xi32, #tpu.memory_space<vmem>>, vector<16xi32>,
      %mul3A_124 = arith.constant 128 : i32
      %mul3A_125 = arith.muli %scan3A_25, %mul3A_124 : i32
      %add3A_126 = arith.constant 80 : i32
      %add3A_127 = arith.addi %mul3A_125, %add3A_126 : i32
      %get3A_128 = arith.index_cast %add3A_127 : i32 to index
      %get3A_129 = tpu.vector_load %arg7[%get3A_128] {strides = array<i32>} : memref<9984xi32, #tpu.memory_space<vmem>>, vector<16xi32>,
      %shift_left3A_130 = arith.constant 16 : i32
      %shift_left3A_131 = vector.broadcast %shift_left3A_130 : i32 to vector<16xi32>
      %shift_left3A_132 = arith.shli %get3A_123, %shift_left3A_131 : vector<16xi32>
      %or3A_133 = arith.ori %shift_left3A_132, %get3A_129 : vector<16xi32>
      %swap3A_134 = arith.index_cast %scan3A_25 : i32 to index
      %swap3A_135 = arith.constant 80 : index
      %swap3A_136 = tpu.vector_load %arg8[%swap3A_134, %swap3A_135] {strides = array<i32>} : memref<78x128xi32, #tpu.memory_space<vmem>>, vector<16xi32>,
      tpu.vector_store %arg8[%swap3A_134, %swap3A_135], %or3A_133 {strides = array<i32>} : memref<78x128xi32, #tpu.memory_space<vmem>>, vector<16xi32>,
      tpu.vector_store_idx %arg10[%get3A_129], %broadcast_in_dim3A_10 {add = true} : memref<10240xf32, #tpu.memory_space<vmem>>[vector<16xi32>], vector<16xf32>,
      %mul3A_137 = arith.constant 128 : i32
      %mul3A_138 = arith.muli %scan3A_25, %mul3A_137 : i32
      %add3A_139 = arith.constant 96 : i32
      %add3A_140 = arith.addi %mul3A_138, %add3A_139 : i32
      %get3A_141 = arith.index_cast %add3A_140 : i32 to index
      %get3A_142 = tpu.vector_load %arg6[%get3A_141] {strides = array<i32>} : memref<9984xi32, #tpu.memory_space<vmem>>, vector<16xi32>,
      %mul3A_143 = arith.constant 128 : i32
      %mul3A_144 = arith.muli %scan3A_25, %mul3A_143 : i32
      %add3A_145 = arith.constant 96 : i32
      %add3A_146 = arith.addi %mul3A_144, %add3A_145 : i32
      %get3A_147 = arith.index_cast %add3A_146 : i32 to index
      %get3A_148 = tpu.vector_load %arg7[%get3A_147] {strides = array<i32>} : memref<9984xi32, #tpu.memory_space<vmem>>, vector<16xi32>,
      %shift_left3A_149 = arith.constant 16 : i32
      %shift_left3A_150 = vector.broadcast %shift_left3A_149 : i32 to vector<16xi32>
      %shift_left3A_151 = arith.shli %get3A_142, %shift_left3A_150 : vector<16xi32>
      %or3A_152 = arith.ori %shift_left3A_151, %get3A_148 : vector<16xi32>
      %swap3A_153 = arith.index_cast %scan3A_25 : i32 to index
      %swap3A_154 = arith.constant 96 : index
      %swap3A_155 = tpu.vector_load %arg8[%swap3A_153, %swap3A_154] {strides = array<i32>} : memref<78x128xi32, #tpu.memory_space<vmem>>, vector<16xi32>,
      tpu.vector_store %arg8[%swap3A_153, %swap3A_154], %or3A_152 {strides = array<i32>} : memref<78x128xi32, #tpu.memory_space<vmem>>, vector<16xi32>,
      tpu.vector_store_idx %arg10[%get3A_148], %broadcast_in_dim3A_10 {add = true} : memref<10240xf32, #tpu.memory_space<vmem>>[vector<16xi32>], vector<16xf32>,
      %mul3A_156 = arith.constant 128 : i32
      %mul3A_157 = arith.muli %scan3A_25, %mul3A_156 : i32
      %add3A_158 = arith.constant 112 : i32
      %add3A_159 = arith.addi %mul3A_157, %add3A_158 : i32
      %get3A_160 = arith.index_cast %add3A_159 : i32 to index
      %get3A_161 = tpu.vector_load %arg6[%get3A_160] {strides = array<i32>} : memref<9984xi32, #tpu.memory_space<vmem>>, vector<16xi32>,
      %mul3A_162 = arith.constant 128 : i32
      %mul3A_163 = arith.muli %scan3A_25, %mul3A_162 : i32
      %add3A_164 = arith.constant 112 : i32
      %add3A_165 = arith.addi %mul3A_163, %add3A_164 : i32
      %get3A_166 = arith.index_cast %add3A_165 : i32 to index
      %get3A_167 = tpu.vector_load %arg7[%get3A_166] {strides = array<i32>} : memref<9984xi32, #tpu.memory_space<vmem>>, vector<16xi32>,
      %shift_left3A_168 = arith.constant 16 : i32
      %shift_left3A_169 = vector.broadcast %shift_left3A_168 : i32 to vector<16xi32>
      %shift_left3A_170 = arith.shli %get3A_161, %shift_left3A_169 : vector<16xi32>
      %or3A_171 = arith.ori %shift_left3A_170, %get3A_167 : vector<16xi32>
      %swap3A_172 = arith.index_cast %scan3A_25 : i32 to index
      %swap3A_173 = arith.constant 112 : index
      %swap3A_174 = tpu.vector_load %arg8[%swap3A_172, %swap3A_173] {strides = array<i32>} : memref<78x128xi32, #tpu.memory_space<vmem>>, vector<16xi32>,
      tpu.vector_store %arg8[%swap3A_172, %swap3A_173], %or3A_171 {strides = array<i32>} : memref<78x128xi32, #tpu.memory_space<vmem>>, vector<16xi32>,
      tpu.vector_store_idx %arg10[%get3A_167], %broadcast_in_dim3A_10 {add = true} : memref<10240xf32, #tpu.memory_space<vmem>>[vector<16xi32>], vector<16xf32>,
    }
    %scan3A_21 = arith.constant 78 : i32
    %get3A = arith.constant 0 : index
    %get3A_22 = tpu.vector_load %arg9[%get3A] {strides = array<i32>} : memref<16xi32, #tpu.memory_space<vmem>>, vector<16xi32>,
    tpu.vector_store_idx %arg10[%get3A_22], %broadcast_in_dim3A_10 {add = true} : memref<10240xf32, #tpu.memory_space<vmem>>[vector<16xi32>], vector<16xf32>,
    %mul3A_23 = arith.constant 10240 : i32
    %mul3A_24 = arith.muli %add3A, %mul3A_23 : i32
    "tpu.region"() ({
      %run_scoped3A = tpu.sem_alloc : memref<!tpu.dma_semaphore, #tpu.memory_space<semaphore_mem>>
      %dma_start3A = tpu.memref_slice %arg4[%mul3A_24] : memref<327680xf32, #tpu.memory_space<hbm>> -> memref<10240xf32, #tpu.memory_space<hbm>>
      %dma_start3A_25 = tpu.memref_slice %arg4[%mul3A_24] : memref<327680xf32, #tpu.memory_space<hbm>> -> memref<10240xf32, #tpu.memory_space<hbm>>
      tpu.enqueue_dma source(%arg10 : memref<10240xf32, #tpu.memory_space<vmem>>) target(%dma_start3A_25 : memref<10240xf32, #tpu.memory_space<hbm>>) target_semaphore(%run_scoped3A : memref<!tpu.dma_semaphore, #tpu.memory_space<semaphore_mem>>)
      %dma_wait3A = tpu.memref_slice %arg4[%mul3A_24] : memref<327680xf32, #tpu.memory_space<hbm>> -> memref<10240xf32, #tpu.memory_space<hbm>>
      %dma_wait3A_26 = tpu.memref_slice %arg4[%mul3A_24] : memref<327680xf32, #tpu.memory_space<hbm>> -> memref<10240xf32, #tpu.memory_space<hbm>>
      tpu.wait_dma2 semaphore(%run_scoped3A : memref<!tpu.dma_semaphore, #tpu.memory_space<semaphore_mem>>) src(%arg10 : memref<10240xf32, #tpu.memory_space<vmem>>) dst(%dma_wait3A_26 : memref<10240xf32, #tpu.memory_space<hbm>>)
      tpu.yield
    }) : () -> ()
    "tpu.region"() ({
      %run_scoped3A = tpu.sem_alloc : memref<!tpu.dma_semaphore, #tpu.memory_space<semaphore_mem>>
      %dma_start3A = arith.constant 0 : i32
      %dma_start3A_25 = arith.constant 0 : i32
      %dma_start3A_26 = tpu.memref_slice %arg5[%add3A, %dma_start3A, %dma_start3A_25] : memref<32x78x128xi32, #tpu.memory_space<hbm>> -> memref<1x78x128xi32, #tpu.memory_space<hbm>>
      %dma_start3A_27 = tpu.memref_squeeze %dma_start3A_26 : memref<1x78x128xi32, #tpu.memory_space<hbm>> -> memref<78x128xi32, #tpu.memory_space<hbm>>
      %dma_start3A_28 = arith.constant 0 : i32
      %dma_start3A_29 = arith.constant 0 : i32
      %dma_start3A_30 = tpu.memref_slice %arg5[%add3A, %dma_start3A_28, %dma_start3A_29] : memref<32x78x128xi32, #tpu.memory_space<hbm>> -> memref<1x78x128xi32, #tpu.memory_space<hbm>>
      %dma_start3A_31 = tpu.memref_squeeze %dma_start3A_30 : memref<1x78x128xi32, #tpu.memory_space<hbm>> -> memref<78x128xi32, #tpu.memory_space<hbm>>
      tpu.enqueue_dma source(%arg8 : memref<78x128xi32, #tpu.memory_space<vmem>>) target(%dma_start3A_31 : memref<78x128xi32, #tpu.memory_space<hbm>>) target_semaphore(%run_scoped3A : memref<!tpu.dma_semaphore, #tpu.memory_space<semaphore_mem>>)
      %dma_wait3A = arith.constant 0 : i32
      %dma_wait3A_32 = arith.constant 0 : i32
      %dma_wait3A_33 = tpu.memref_slice %arg5[%add3A, %dma_wait3A, %dma_wait3A_32] : memref<32x78x128xi32, #tpu.memory_space<hbm>> -> memref<1x78x128xi32, #tpu.memory_space<hbm>>
      %dma_wait3A_34 = tpu.memref_squeeze %dma_wait3A_33 : memref<1x78x128xi32, #tpu.memory_space<hbm>> -> memref<78x128xi32, #tpu.memory_space<hbm>>
      %dma_wait3A_35 = arith.constant 0 : i32
      %dma_wait3A_36 = arith.constant 0 : i32
      %dma_wait3A_37 = tpu.memref_slice %arg5[%add3A, %dma_wait3A_35, %dma_wait3A_36] : memref<32x78x128xi32, #tpu.memory_space<hbm>> -> memref<1x78x128xi32, #tpu.memory_space<hbm>>
      %dma_wait3A_38 = tpu.memref_squeeze %dma_wait3A_37 : memref<1x78x128xi32, #tpu.memory_space<hbm>> -> memref<78x128xi32, #tpu.memory_space<hbm>>
      tpu.wait_dma2 semaphore(%run_scoped3A : memref<!tpu.dma_semaphore, #tpu.memory_space<semaphore_mem>>) src(%arg8 : memref<78x128xi32, #tpu.memory_space<vmem>>) dst(%dma_wait3A_38 : memref<78x128xi32, #tpu.memory_space<hbm>>)
      tpu.yield
    }) : () -> ()
    return
  }
}

#map = affine_map<(d0, d1) -> (0, 0, 0)>
#map1 = affine_map<(d0, d1) -> (0, 0)>
#map2 = affine_map<(d0, d1) -> (0)>
module attributes {stable_mosaic.version = 14 : i64} {
  func.func @body(%arg0: i32, %arg1: i32, %arg2: memref<32x78x128xi32, #tpu.memory_space<hbm>>, %arg3: memref<10000x128xf32, #tpu.memory_space<hbm>>, %arg4: memref<320000xi32, #tpu.memory_space<hbm>>, %arg5: memref<320000xi32, #tpu.memory_space<hbm>>, %arg6: memref<20480x128xf32, #tpu.memory_space<hbm>>, %arg7: memref<78x128xi32, #tpu.memory_space<vmem>>, %arg8: memref<128xi32, #tpu.memory_space<vmem>>, %arg9: memref<128xi32, #tpu.memory_space<vmem>>, %arg10: memref<128xi32, #tpu.memory_space<vmem>>, %arg11: memref<128xi32, #tpu.memory_space<vmem>>, %arg12: memref<16xi32, #tpu.memory_space<vmem>>, %arg13: memref<16xi32, #tpu.memory_space<vmem>>, %arg14: memref<128x128xf32, #tpu.memory_space<vmem>>, %arg15: memref<128x128xf32, #tpu.memory_space<vmem>>, %arg16: memref<10240x128xf32, #tpu.memory_space<vmem_shared>>, %arg17: memref<!tpu.dma_semaphore, #tpu.memory_space<semaphore_mem>>, %arg18: memref<!tpu.dma_semaphore, #tpu.memory_space<semaphore_mem>>, %arg19: memref<!tpu.dma_semaphore, #tpu.memory_space<semaphore_mem>>, %arg20: memref<!tpu.dma_semaphore, #tpu.memory_space<semaphore_mem>>) attributes {dimension_semantics = [#tpu.dimension_semantics<core_parallel>, #tpu.dimension_semantics<subcore_parallel>], iteration_bounds = array<i64: 2, 16>, scalar_prefetch = 0 : i64, scratch_operands = 14 : i64, tpu.core_type = #tpu.core_type<sc_vector_subcore>, window_params = [{transform_indices = #map}, {transform_indices = #map1}, {transform_indices = #map2}, {transform_indices = #map2}, {transform_indices = #map1}]} {
    %mul3A = arith.constant 2 : i32
    %mul3A_0 = arith.muli %arg1, %mul3A : i32
    %add3A = arith.addi %mul3A_0, %arg0 : i32
    "tpu.region"() ({
      %run_scoped3A = tpu.sem_alloc : memref<!tpu.dma_semaphore, #tpu.memory_space<semaphore_mem>>
      %dma_start3A_309 = arith.constant 0 : i32
      %dma_start3A_310 = arith.constant 0 : i32
      %dma_start3A_311 = tpu.memref_slice %arg2[%add3A, %dma_start3A_309, %dma_start3A_310] : memref<32x78x128xi32, #tpu.memory_space<hbm>> -> memref<1x78x128xi32, #tpu.memory_space<hbm>>
      %dma_start3A_312 = tpu.memref_squeeze %dma_start3A_311 : memref<1x78x128xi32, #tpu.memory_space<hbm>> -> memref<78x128xi32, #tpu.memory_space<hbm>>
      %dma_start3A_313 = arith.constant 0 : i32
      %dma_start3A_314 = arith.constant 0 : i32
      %dma_start3A_315 = tpu.memref_slice %arg2[%add3A, %dma_start3A_313, %dma_start3A_314] : memref<32x78x128xi32, #tpu.memory_space<hbm>> -> memref<1x78x128xi32, #tpu.memory_space<hbm>>
      %dma_start3A_316 = tpu.memref_squeeze %dma_start3A_315 : memref<1x78x128xi32, #tpu.memory_space<hbm>> -> memref<78x128xi32, #tpu.memory_space<hbm>>
      tpu.enqueue_dma source(%dma_start3A_316 : memref<78x128xi32, #tpu.memory_space<hbm>>) target(%arg7 : memref<78x128xi32, #tpu.memory_space<vmem>>) target_semaphore(%run_scoped3A : memref<!tpu.dma_semaphore, #tpu.memory_space<semaphore_mem>>)
      %dma_wait3A_317 = arith.constant 0 : i32
      %dma_wait3A_318 = arith.constant 0 : i32
      %dma_wait3A_319 = tpu.memref_slice %arg2[%add3A, %dma_wait3A_317, %dma_wait3A_318] : memref<32x78x128xi32, #tpu.memory_space<hbm>> -> memref<1x78x128xi32, #tpu.memory_space<hbm>>
      %dma_wait3A_320 = tpu.memref_squeeze %dma_wait3A_319 : memref<1x78x128xi32, #tpu.memory_space<hbm>> -> memref<78x128xi32, #tpu.memory_space<hbm>>
      %dma_wait3A_321 = arith.constant 0 : i32
      %dma_wait3A_322 = arith.constant 0 : i32
      %dma_wait3A_323 = tpu.memref_slice %arg2[%add3A, %dma_wait3A_321, %dma_wait3A_322] : memref<32x78x128xi32, #tpu.memory_space<hbm>> -> memref<1x78x128xi32, #tpu.memory_space<hbm>>
      %dma_wait3A_324 = tpu.memref_squeeze %dma_wait3A_323 : memref<1x78x128xi32, #tpu.memory_space<hbm>> -> memref<78x128xi32, #tpu.memory_space<hbm>>
      tpu.wait_dma2 semaphore(%run_scoped3A : memref<!tpu.dma_semaphore, #tpu.memory_space<semaphore_mem>>) src(%dma_wait3A_324 : memref<78x128xi32, #tpu.memory_space<hbm>>) dst(%arg7 : memref<78x128xi32, #tpu.memory_space<vmem>>)
      tpu.yield
    }) : () -> ()
    %mul3A_1 = arith.constant 16 : i32
    %mul3A_2 = arith.muli %add3A, %mul3A_1 : i32
    %add3A_3 = arith.constant 319488 : i32
    %add3A_4 = arith.addi %add3A_3, %mul3A_2 : i32
    %multiple_of3A = tpu.assume_multiple %add3A_4, 16 : i32
    "tpu.region"() ({
      %run_scoped3A = tpu.sem_alloc : memref<!tpu.dma_semaphore, #tpu.memory_space<semaphore_mem>>
      %dma_start3A_309 = tpu.memref_slice %arg4[%multiple_of3A] : memref<320000xi32, #tpu.memory_space<hbm>> -> memref<16xi32, #tpu.memory_space<hbm>>
      %dma_start3A_310 = tpu.memref_slice %arg4[%multiple_of3A] : memref<320000xi32, #tpu.memory_space<hbm>> -> memref<16xi32, #tpu.memory_space<hbm>>
      tpu.enqueue_dma source(%dma_start3A_310 : memref<16xi32, #tpu.memory_space<hbm>>) target(%arg12 : memref<16xi32, #tpu.memory_space<vmem>>) target_semaphore(%run_scoped3A : memref<!tpu.dma_semaphore, #tpu.memory_space<semaphore_mem>>)
      %dma_wait3A_311 = tpu.memref_slice %arg4[%multiple_of3A] : memref<320000xi32, #tpu.memory_space<hbm>> -> memref<16xi32, #tpu.memory_space<hbm>>
      %dma_wait3A_312 = tpu.memref_slice %arg4[%multiple_of3A] : memref<320000xi32, #tpu.memory_space<hbm>> -> memref<16xi32, #tpu.memory_space<hbm>>
      tpu.wait_dma2 semaphore(%run_scoped3A : memref<!tpu.dma_semaphore, #tpu.memory_space<semaphore_mem>>) src(%dma_wait3A_312 : memref<16xi32, #tpu.memory_space<hbm>>) dst(%arg12 : memref<16xi32, #tpu.memory_space<vmem>>)
      tpu.yield
    }) : () -> ()
    "tpu.region"() ({
      %run_scoped3A = tpu.sem_alloc : memref<!tpu.dma_semaphore, #tpu.memory_space<semaphore_mem>>
      %dma_start3A_309 = tpu.memref_slice %arg5[%multiple_of3A] : memref<320000xi32, #tpu.memory_space<hbm>> -> memref<16xi32, #tpu.memory_space<hbm>>
      %dma_start3A_310 = tpu.memref_slice %arg5[%multiple_of3A] : memref<320000xi32, #tpu.memory_space<hbm>> -> memref<16xi32, #tpu.memory_space<hbm>>
      tpu.enqueue_dma source(%dma_start3A_310 : memref<16xi32, #tpu.memory_space<hbm>>) target(%arg13 : memref<16xi32, #tpu.memory_space<vmem>>) target_semaphore(%run_scoped3A : memref<!tpu.dma_semaphore, #tpu.memory_space<semaphore_mem>>)
      %dma_wait3A_311 = tpu.memref_slice %arg5[%multiple_of3A] : memref<320000xi32, #tpu.memory_space<hbm>> -> memref<16xi32, #tpu.memory_space<hbm>>
      %dma_wait3A_312 = tpu.memref_slice %arg5[%multiple_of3A] : memref<320000xi32, #tpu.memory_space<hbm>> -> memref<16xi32, #tpu.memory_space<hbm>>
      tpu.wait_dma2 semaphore(%run_scoped3A : memref<!tpu.dma_semaphore, #tpu.memory_space<semaphore_mem>>) src(%dma_wait3A_312 : memref<16xi32, #tpu.memory_space<hbm>>) dst(%arg13 : memref<16xi32, #tpu.memory_space<vmem>>)
      tpu.yield
    }) : () -> ()
    %broadcast_in_dim3A = arith.constant 0.000000e+00 : f32
    %broadcast_in_dim3A_5 = vector.broadcast %broadcast_in_dim3A : f32 to vector<16xf32>
    %scan3A = arith.constant 0 : i32
    %scan3A_6 = arith.constant 0 : i32
    %scan3A_7 = arith.constant 128 : i32
    %scan3A_8 = arith.addi %scan3A_6, %scan3A_7 : i32
    %scan3A_9 = arith.constant 1 : i32
    scf.for %scan3A_309 = %scan3A_6 to %scan3A_8 step %scan3A_9  : i32 {
      %swap3A_310 = arith.index_cast %scan3A_309 : i32 to index
      %swap3A_311 = arith.constant 0 : index
      %swap3A_312 = tpu.vector_load %arg14[%swap3A_310, %swap3A_311] {strides = array<i32>} : memref<128x128xf32, #tpu.memory_space<vmem>>, vector<16xf32>,
      tpu.vector_store %arg14[%swap3A_310, %swap3A_311], %broadcast_in_dim3A_5 {strides = array<i32>} : memref<128x128xf32, #tpu.memory_space<vmem>>, vector<16xf32>,
      %swap3A_313 = arith.index_cast %scan3A_309 : i32 to index
      %swap3A_314 = arith.constant 16 : index
      %swap3A_315 = tpu.vector_load %arg14[%swap3A_313, %swap3A_314] {strides = array<i32>} : memref<128x128xf32, #tpu.memory_space<vmem>>, vector<16xf32>,
      tpu.vector_store %arg14[%swap3A_313, %swap3A_314], %broadcast_in_dim3A_5 {strides = array<i32>} : memref<128x128xf32, #tpu.memory_space<vmem>>, vector<16xf32>,
      %swap3A_316 = arith.index_cast %scan3A_309 : i32 to index
      %swap3A_317 = arith.constant 32 : index
      %swap3A_318 = tpu.vector_load %arg14[%swap3A_316, %swap3A_317] {strides = array<i32>} : memref<128x128xf32, #tpu.memory_space<vmem>>, vector<16xf32>,
      tpu.vector_store %arg14[%swap3A_316, %swap3A_317], %broadcast_in_dim3A_5 {strides = array<i32>} : memref<128x128xf32, #tpu.memory_space<vmem>>, vector<16xf32>,
      %swap3A_319 = arith.index_cast %scan3A_309 : i32 to index
      %swap3A_320 = arith.constant 48 : index
      %swap3A_321 = tpu.vector_load %arg14[%swap3A_319, %swap3A_320] {strides = array<i32>} : memref<128x128xf32, #tpu.memory_space<vmem>>, vector<16xf32>,
      tpu.vector_store %arg14[%swap3A_319, %swap3A_320], %broadcast_in_dim3A_5 {strides = array<i32>} : memref<128x128xf32, #tpu.memory_space<vmem>>, vector<16xf32>,
      %swap3A_322 = arith.index_cast %scan3A_309 : i32 to index
      %swap3A_323 = arith.constant 64 : index
      %swap3A_324 = tpu.vector_load %arg14[%swap3A_322, %swap3A_323] {strides = array<i32>} : memref<128x128xf32, #tpu.memory_space<vmem>>, vector<16xf32>,
      tpu.vector_store %arg14[%swap3A_322, %swap3A_323], %broadcast_in_dim3A_5 {strides = array<i32>} : memref<128x128xf32, #tpu.memory_space<vmem>>, vector<16xf32>,
      %swap3A_325 = arith.index_cast %scan3A_309 : i32 to index
      %swap3A_326 = arith.constant 80 : index
      %swap3A_327 = tpu.vector_load %arg14[%swap3A_325, %swap3A_326] {strides = array<i32>} : memref<128x128xf32, #tpu.memory_space<vmem>>, vector<16xf32>,
      tpu.vector_store %arg14[%swap3A_325, %swap3A_326], %broadcast_in_dim3A_5 {strides = array<i32>} : memref<128x128xf32, #tpu.memory_space<vmem>>, vector<16xf32>,
      %swap3A_328 = arith.index_cast %scan3A_309 : i32 to index
      %swap3A_329 = arith.constant 96 : index
      %swap3A_330 = tpu.vector_load %arg14[%swap3A_328, %swap3A_329] {strides = array<i32>} : memref<128x128xf32, #tpu.memory_space<vmem>>, vector<16xf32>,
      tpu.vector_store %arg14[%swap3A_328, %swap3A_329], %broadcast_in_dim3A_5 {strides = array<i32>} : memref<128x128xf32, #tpu.memory_space<vmem>>, vector<16xf32>,
      %swap3A_331 = arith.index_cast %scan3A_309 : i32 to index
      %swap3A_332 = arith.constant 112 : index
      %swap3A_333 = tpu.vector_load %arg14[%swap3A_331, %swap3A_332] {strides = array<i32>} : memref<128x128xf32, #tpu.memory_space<vmem>>, vector<16xf32>,
      tpu.vector_store %arg14[%swap3A_331, %swap3A_332], %broadcast_in_dim3A_5 {strides = array<i32>} : memref<128x128xf32, #tpu.memory_space<vmem>>, vector<16xf32>,
    }
    %scan3A_10 = arith.constant 128 : i32
    %mul3A_11 = arith.constant 640 : i32
    %mul3A_12 = arith.muli %arg1, %mul3A_11 : i32
    %multiple_of3A_13 = tpu.assume_multiple %mul3A_12, 640 : i32
    %add3A_14 = arith.constant 0 : i32
    %add3A_15 = arith.addi %multiple_of3A_13, %add3A_14 : i32
    %dma_start3A = arith.constant 0 : i32
    %dma_start3A_16 = tpu.memref_slice %arg16[%add3A_15, %dma_start3A] : memref<10240x128xf32, #tpu.memory_space<vmem_shared>> -> memref<128x128xf32, #tpu.memory_space<vmem_shared>>
    %dma_start3A_17 = arith.constant 0 : i32
    %dma_start3A_18 = tpu.memref_slice %arg16[%add3A_15, %dma_start3A_17] : memref<10240x128xf32, #tpu.memory_space<vmem_shared>> -> memref<128x128xf32, #tpu.memory_space<vmem_shared>>
    tpu.enqueue_dma source(%arg14 : memref<128x128xf32, #tpu.memory_space<vmem>>) target(%dma_start3A_18 : memref<128x128xf32, #tpu.memory_space<vmem_shared>>) target_semaphore(%arg17 : memref<!tpu.dma_semaphore, #tpu.memory_space<semaphore_mem>>)
    %add3A_19 = arith.constant 128 : i32
    %add3A_20 = arith.addi %multiple_of3A_13, %add3A_19 : i32
    %dma_start3A_21 = arith.constant 0 : i32
    %dma_start3A_22 = tpu.memref_slice %arg16[%add3A_20, %dma_start3A_21] : memref<10240x128xf32, #tpu.memory_space<vmem_shared>> -> memref<128x128xf32, #tpu.memory_space<vmem_shared>>
    %dma_start3A_23 = arith.constant 0 : i32
    %dma_start3A_24 = tpu.memref_slice %arg16[%add3A_20, %dma_start3A_23] : memref<10240x128xf32, #tpu.memory_space<vmem_shared>> -> memref<128x128xf32, #tpu.memory_space<vmem_shared>>
    tpu.enqueue_dma source(%arg14 : memref<128x128xf32, #tpu.memory_space<vmem>>) target(%dma_start3A_24 : memref<128x128xf32, #tpu.memory_space<vmem_shared>>) target_semaphore(%arg17 : memref<!tpu.dma_semaphore, #tpu.memory_space<semaphore_mem>>)
    %add3A_25 = arith.constant 256 : i32
    %add3A_26 = arith.addi %multiple_of3A_13, %add3A_25 : i32
    %dma_start3A_27 = arith.constant 0 : i32
    %dma_start3A_28 = tpu.memref_slice %arg16[%add3A_26, %dma_start3A_27] : memref<10240x128xf32, #tpu.memory_space<vmem_shared>> -> memref<128x128xf32, #tpu.memory_space<vmem_shared>>
    %dma_start3A_29 = arith.constant 0 : i32
    %dma_start3A_30 = tpu.memref_slice %arg16[%add3A_26, %dma_start3A_29] : memref<10240x128xf32, #tpu.memory_space<vmem_shared>> -> memref<128x128xf32, #tpu.memory_space<vmem_shared>>
    tpu.enqueue_dma source(%arg14 : memref<128x128xf32, #tpu.memory_space<vmem>>) target(%dma_start3A_30 : memref<128x128xf32, #tpu.memory_space<vmem_shared>>) target_semaphore(%arg17 : memref<!tpu.dma_semaphore, #tpu.memory_space<semaphore_mem>>)
    %add3A_31 = arith.constant 384 : i32
    %add3A_32 = arith.addi %multiple_of3A_13, %add3A_31 : i32
    %dma_start3A_33 = arith.constant 0 : i32
    %dma_start3A_34 = tpu.memref_slice %arg16[%add3A_32, %dma_start3A_33] : memref<10240x128xf32, #tpu.memory_space<vmem_shared>> -> memref<128x128xf32, #tpu.memory_space<vmem_shared>>
    %dma_start3A_35 = arith.constant 0 : i32
    %dma_start3A_36 = tpu.memref_slice %arg16[%add3A_32, %dma_start3A_35] : memref<10240x128xf32, #tpu.memory_space<vmem_shared>> -> memref<128x128xf32, #tpu.memory_space<vmem_shared>>
    tpu.enqueue_dma source(%arg14 : memref<128x128xf32, #tpu.memory_space<vmem>>) target(%dma_start3A_36 : memref<128x128xf32, #tpu.memory_space<vmem_shared>>) target_semaphore(%arg17 : memref<!tpu.dma_semaphore, #tpu.memory_space<semaphore_mem>>)
    %add3A_37 = arith.constant 512 : i32
    %add3A_38 = arith.addi %multiple_of3A_13, %add3A_37 : i32
    %dma_start3A_39 = arith.constant 0 : i32
    %dma_start3A_40 = tpu.memref_slice %arg16[%add3A_38, %dma_start3A_39] : memref<10240x128xf32, #tpu.memory_space<vmem_shared>> -> memref<128x128xf32, #tpu.memory_space<vmem_shared>>
    %dma_start3A_41 = arith.constant 0 : i32
    %dma_start3A_42 = tpu.memref_slice %arg16[%add3A_38, %dma_start3A_41] : memref<10240x128xf32, #tpu.memory_space<vmem_shared>> -> memref<128x128xf32, #tpu.memory_space<vmem_shared>>
    tpu.enqueue_dma source(%arg14 : memref<128x128xf32, #tpu.memory_space<vmem>>) target(%dma_start3A_42 : memref<128x128xf32, #tpu.memory_space<vmem_shared>>) target_semaphore(%arg17 : memref<!tpu.dma_semaphore, #tpu.memory_space<semaphore_mem>>)
    %dma_wait3A = arith.constant 0 : i32
    %dma_wait3A_43 = tpu.memref_slice %arg16[%add3A_15, %dma_wait3A] : memref<10240x128xf32, #tpu.memory_space<vmem_shared>> -> memref<128x128xf32, #tpu.memory_space<vmem_shared>>
    %dma_wait3A_44 = arith.constant 0 : i32
    %dma_wait3A_45 = tpu.memref_slice %arg16[%add3A_15, %dma_wait3A_44] : memref<10240x128xf32, #tpu.memory_space<vmem_shared>> -> memref<128x128xf32, #tpu.memory_space<vmem_shared>>
    tpu.wait_dma2 semaphore(%arg17 : memref<!tpu.dma_semaphore, #tpu.memory_space<semaphore_mem>>) src(%arg14 : memref<128x128xf32, #tpu.memory_space<vmem>>) dst(%dma_wait3A_45 : memref<128x128xf32, #tpu.memory_space<vmem_shared>>)
    %dma_wait3A_46 = arith.constant 0 : i32
    %dma_wait3A_47 = tpu.memref_slice %arg16[%add3A_20, %dma_wait3A_46] : memref<10240x128xf32, #tpu.memory_space<vmem_shared>> -> memref<128x128xf32, #tpu.memory_space<vmem_shared>>
    %dma_wait3A_48 = arith.constant 0 : i32
    %dma_wait3A_49 = tpu.memref_slice %arg16[%add3A_20, %dma_wait3A_48] : memref<10240x128xf32, #tpu.memory_space<vmem_shared>> -> memref<128x128xf32, #tpu.memory_space<vmem_shared>>
    tpu.wait_dma2 semaphore(%arg17 : memref<!tpu.dma_semaphore, #tpu.memory_space<semaphore_mem>>) src(%arg14 : memref<128x128xf32, #tpu.memory_space<vmem>>) dst(%dma_wait3A_49 : memref<128x128xf32, #tpu.memory_space<vmem_shared>>)
    %dma_wait3A_50 = arith.constant 0 : i32
    %dma_wait3A_51 = tpu.memref_slice %arg16[%add3A_26, %dma_wait3A_50] : memref<10240x128xf32, #tpu.memory_space<vmem_shared>> -> memref<128x128xf32, #tpu.memory_space<vmem_shared>>
    %dma_wait3A_52 = arith.constant 0 : i32
    %dma_wait3A_53 = tpu.memref_slice %arg16[%add3A_26, %dma_wait3A_52] : memref<10240x128xf32, #tpu.memory_space<vmem_shared>> -> memref<128x128xf32, #tpu.memory_space<vmem_shared>>
    tpu.wait_dma2 semaphore(%arg17 : memref<!tpu.dma_semaphore, #tpu.memory_space<semaphore_mem>>) src(%arg14 : memref<128x128xf32, #tpu.memory_space<vmem>>) dst(%dma_wait3A_53 : memref<128x128xf32, #tpu.memory_space<vmem_shared>>)
    %dma_wait3A_54 = arith.constant 0 : i32
    %dma_wait3A_55 = tpu.memref_slice %arg16[%add3A_32, %dma_wait3A_54] : memref<10240x128xf32, #tpu.memory_space<vmem_shared>> -> memref<128x128xf32, #tpu.memory_space<vmem_shared>>
    %dma_wait3A_56 = arith.constant 0 : i32
    %dma_wait3A_57 = tpu.memref_slice %arg16[%add3A_32, %dma_wait3A_56] : memref<10240x128xf32, #tpu.memory_space<vmem_shared>> -> memref<128x128xf32, #tpu.memory_space<vmem_shared>>
    tpu.wait_dma2 semaphore(%arg17 : memref<!tpu.dma_semaphore, #tpu.memory_space<semaphore_mem>>) src(%arg14 : memref<128x128xf32, #tpu.memory_space<vmem>>) dst(%dma_wait3A_57 : memref<128x128xf32, #tpu.memory_space<vmem_shared>>)
    %dma_wait3A_58 = arith.constant 0 : i32
    %dma_wait3A_59 = tpu.memref_slice %arg16[%add3A_38, %dma_wait3A_58] : memref<10240x128xf32, #tpu.memory_space<vmem_shared>> -> memref<128x128xf32, #tpu.memory_space<vmem_shared>>
    %dma_wait3A_60 = arith.constant 0 : i32
    %dma_wait3A_61 = tpu.memref_slice %arg16[%add3A_38, %dma_wait3A_60] : memref<10240x128xf32, #tpu.memory_space<vmem_shared>> -> memref<128x128xf32, #tpu.memory_space<vmem_shared>>
    tpu.wait_dma2 semaphore(%arg17 : memref<!tpu.dma_semaphore, #tpu.memory_space<semaphore_mem>>) src(%arg14 : memref<128x128xf32, #tpu.memory_space<vmem>>) dst(%dma_wait3A_61 : memref<128x128xf32, #tpu.memory_space<vmem_shared>>)
    %barrier3A = arith.constant 0 : index
    tpu.barrier barrier_id(%barrier3A)
    %get3A = arith.constant 0 : i32
    %get3A_62 = arith.index_cast %get3A : i32 to index
    %get3A_63 = arith.constant 0 : index
    %get3A_64 = tpu.vector_load %arg7[%get3A_62, %get3A_63] {strides = array<i32>} : memref<78x128xi32, #tpu.memory_space<vmem>>, vector<16xi32>,
    %shift_right_logical3A = arith.constant 16 : i32
    %shift_right_logical3A_65 = vector.broadcast %shift_right_logical3A : i32 to vector<16xi32>
    %shift_right_logical3A_66 = arith.shrui %get3A_64, %shift_right_logical3A_65 : vector<16xi32>
    %swap3A = arith.constant 0 : index
    %swap3A_67 = tpu.vector_load %arg8[%swap3A] {strides = array<i32>} : memref<128xi32, #tpu.memory_space<vmem>>, vector<16xi32>,
    tpu.vector_store %arg8[%swap3A], %shift_right_logical3A_66 {strides = array<i32>} : memref<128xi32, #tpu.memory_space<vmem>>, vector<16xi32>,
    %get3A_68 = arith.constant 0 : i32
    %get3A_69 = arith.index_cast %get3A_68 : i32 to index
    %get3A_70 = arith.constant 16 : index
    %get3A_71 = tpu.vector_load %arg7[%get3A_69, %get3A_70] {strides = array<i32>} : memref<78x128xi32, #tpu.memory_space<vmem>>, vector<16xi32>,
    %shift_right_logical3A_72 = arith.constant 16 : i32
    %shift_right_logical3A_73 = vector.broadcast %shift_right_logical3A_72 : i32 to vector<16xi32>
    %shift_right_logical3A_74 = arith.shrui %get3A_71, %shift_right_logical3A_73 : vector<16xi32>
    %swap3A_75 = arith.constant 16 : index
    %swap3A_76 = tpu.vector_load %arg8[%swap3A_75] {strides = array<i32>} : memref<128xi32, #tpu.memory_space<vmem>>, vector<16xi32>,
    tpu.vector_store %arg8[%swap3A_75], %shift_right_logical3A_74 {strides = array<i32>} : memref<128xi32, #tpu.memory_space<vmem>>, vector<16xi32>,
    %get3A_77 = arith.constant 0 : i32
    %get3A_78 = arith.index_cast %get3A_77 : i32 to index
    %get3A_79 = arith.constant 32 : index
    %get3A_80 = tpu.vector_load %arg7[%get3A_78, %get3A_79] {strides = array<i32>} : memref<78x128xi32, #tpu.memory_space<vmem>>, vector<16xi32>,
    %shift_right_logical3A_81 = arith.constant 16 : i32
    %shift_right_logical3A_82 = vector.broadcast %shift_right_logical3A_81 : i32 to vector<16xi32>
    %shift_right_logical3A_83 = arith.shrui %get3A_80, %shift_right_logical3A_82 : vector<16xi32>
    %swap3A_84 = arith.constant 32 : index
    %swap3A_85 = tpu.vector_load %arg8[%swap3A_84] {strides = array<i32>} : memref<128xi32, #tpu.memory_space<vmem>>, vector<16xi32>,
    tpu.vector_store %arg8[%swap3A_84], %shift_right_logical3A_83 {strides = array<i32>} : memref<128xi32, #tpu.memory_space<vmem>>, vector<16xi32>,
    %get3A_86 = arith.constant 0 : i32
    %get3A_87 = arith.index_cast %get3A_86 : i32 to index
    %get3A_88 = arith.constant 48 : index
    %get3A_89 = tpu.vector_load %arg7[%get3A_87, %get3A_88] {strides = array<i32>} : memref<78x128xi32, #tpu.memory_space<vmem>>, vector<16xi32>,
    %shift_right_logical3A_90 = arith.constant 16 : i32
    %shift_right_logical3A_91 = vector.broadcast %shift_right_logical3A_90 : i32 to vector<16xi32>
    %shift_right_logical3A_92 = arith.shrui %get3A_89, %shift_right_logical3A_91 : vector<16xi32>
    %swap3A_93 = arith.constant 48 : index
    %swap3A_94 = tpu.vector_load %arg8[%swap3A_93] {strides = array<i32>} : memref<128xi32, #tpu.memory_space<vmem>>, vector<16xi32>,
    tpu.vector_store %arg8[%swap3A_93], %shift_right_logical3A_92 {strides = array<i32>} : memref<128xi32, #tpu.memory_space<vmem>>, vector<16xi32>,
    %get3A_95 = arith.constant 0 : i32
    %get3A_96 = arith.index_cast %get3A_95 : i32 to index
    %get3A_97 = arith.constant 64 : index
    %get3A_98 = tpu.vector_load %arg7[%get3A_96, %get3A_97] {strides = array<i32>} : memref<78x128xi32, #tpu.memory_space<vmem>>, vector<16xi32>,
    %shift_right_logical3A_99 = arith.constant 16 : i32
    %shift_right_logical3A_100 = vector.broadcast %shift_right_logical3A_99 : i32 to vector<16xi32>
    %shift_right_logical3A_101 = arith.shrui %get3A_98, %shift_right_logical3A_100 : vector<16xi32>
    %swap3A_102 = arith.constant 64 : index
    %swap3A_103 = tpu.vector_load %arg8[%swap3A_102] {strides = array<i32>} : memref<128xi32, #tpu.memory_space<vmem>>, vector<16xi32>,
    tpu.vector_store %arg8[%swap3A_102], %shift_right_logical3A_101 {strides = array<i32>} : memref<128xi32, #tpu.memory_space<vmem>>, vector<16xi32>,
    %get3A_104 = arith.constant 0 : i32
    %get3A_105 = arith.index_cast %get3A_104 : i32 to index
    %get3A_106 = arith.constant 80 : index
    %get3A_107 = tpu.vector_load %arg7[%get3A_105, %get3A_106] {strides = array<i32>} : memref<78x128xi32, #tpu.memory_space<vmem>>, vector<16xi32>,
    %shift_right_logical3A_108 = arith.constant 16 : i32
    %shift_right_logical3A_109 = vector.broadcast %shift_right_logical3A_108 : i32 to vector<16xi32>
    %shift_right_logical3A_110 = arith.shrui %get3A_107, %shift_right_logical3A_109 : vector<16xi32>
    %swap3A_111 = arith.constant 80 : index
    %swap3A_112 = tpu.vector_load %arg8[%swap3A_111] {strides = array<i32>} : memref<128xi32, #tpu.memory_space<vmem>>, vector<16xi32>,
    tpu.vector_store %arg8[%swap3A_111], %shift_right_logical3A_110 {strides = array<i32>} : memref<128xi32, #tpu.memory_space<vmem>>, vector<16xi32>,
    %get3A_113 = arith.constant 0 : i32
    %get3A_114 = arith.index_cast %get3A_113 : i32 to index
    %get3A_115 = arith.constant 96 : index
    %get3A_116 = tpu.vector_load %arg7[%get3A_114, %get3A_115] {strides = array<i32>} : memref<78x128xi32, #tpu.memory_space<vmem>>, vector<16xi32>,
    %shift_right_logical3A_117 = arith.constant 16 : i32
    %shift_right_logical3A_118 = vector.broadcast %shift_right_logical3A_117 : i32 to vector<16xi32>
    %shift_right_logical3A_119 = arith.shrui %get3A_116, %shift_right_logical3A_118 : vector<16xi32>
    %swap3A_120 = arith.constant 96 : index
    %swap3A_121 = tpu.vector_load %arg8[%swap3A_120] {strides = array<i32>} : memref<128xi32, #tpu.memory_space<vmem>>, vector<16xi32>,
    tpu.vector_store %arg8[%swap3A_120], %shift_right_logical3A_119 {strides = array<i32>} : memref<128xi32, #tpu.memory_space<vmem>>, vector<16xi32>,
    %get3A_122 = arith.constant 0 : i32
    %get3A_123 = arith.index_cast %get3A_122 : i32 to index
    %get3A_124 = arith.constant 112 : index
    %get3A_125 = tpu.vector_load %arg7[%get3A_123, %get3A_124] {strides = array<i32>} : memref<78x128xi32, #tpu.memory_space<vmem>>, vector<16xi32>,
    %shift_right_logical3A_126 = arith.constant 16 : i32
    %shift_right_logical3A_127 = vector.broadcast %shift_right_logical3A_126 : i32 to vector<16xi32>
    %shift_right_logical3A_128 = arith.shrui %get3A_125, %shift_right_logical3A_127 : vector<16xi32>
    %swap3A_129 = arith.constant 112 : index
    %swap3A_130 = tpu.vector_load %arg8[%swap3A_129] {strides = array<i32>} : memref<128xi32, #tpu.memory_space<vmem>>, vector<16xi32>,
    tpu.vector_store %arg8[%swap3A_129], %shift_right_logical3A_128 {strides = array<i32>} : memref<128xi32, #tpu.memory_space<vmem>>, vector<16xi32>,
    %dma_start3A_131 = arith.constant 0 : i32
    %dma_start3A_132 = arith.constant 0 : i32
    %dma_start3A_133 = tpu.memref_slice %arg3[%dma_start3A_131, %dma_start3A_132] : memref<10000x128xf32, #tpu.memory_space<hbm>> -> memref<10000x128xf32, #tpu.memory_space<hbm>>
    tpu.enqueue_indirect_dma source(%dma_start3A_133 : memref<10000x128xf32, #tpu.memory_space<hbm>>) target(%arg14 : memref<128x128xf32, #tpu.memory_space<vmem>>) offsets(%arg8 : memref<128xi32, #tpu.memory_space<vmem>>) semaphore(%arg17 : memref<!tpu.dma_semaphore, #tpu.memory_space<semaphore_mem>>)
    %get3A_134 = arith.constant 1 : i32
    %get3A_135 = arith.index_cast %get3A_134 : i32 to index
    %get3A_136 = arith.constant 0 : index
    %get3A_137 = tpu.vector_load %arg7[%get3A_135, %get3A_136] {strides = array<i32>} : memref<78x128xi32, #tpu.memory_space<vmem>>, vector<16xi32>,
    %shift_right_logical3A_138 = arith.constant 16 : i32
    %shift_right_logical3A_139 = vector.broadcast %shift_right_logical3A_138 : i32 to vector<16xi32>
    %shift_right_logical3A_140 = arith.shrui %get3A_137, %shift_right_logical3A_139 : vector<16xi32>
    %swap3A_141 = arith.constant 0 : index
    %swap3A_142 = tpu.vector_load %arg9[%swap3A_141] {strides = array<i32>} : memref<128xi32, #tpu.memory_space<vmem>>, vector<16xi32>,
    tpu.vector_store %arg9[%swap3A_141], %shift_right_logical3A_140 {strides = array<i32>} : memref<128xi32, #tpu.memory_space<vmem>>, vector<16xi32>,
    %get3A_143 = arith.constant 1 : i32
    %get3A_144 = arith.index_cast %get3A_143 : i32 to index
    %get3A_145 = arith.constant 16 : index
    %get3A_146 = tpu.vector_load %arg7[%get3A_144, %get3A_145] {strides = array<i32>} : memref<78x128xi32, #tpu.memory_space<vmem>>, vector<16xi32>,
    %shift_right_logical3A_147 = arith.constant 16 : i32
    %shift_right_logical3A_148 = vector.broadcast %shift_right_logical3A_147 : i32 to vector<16xi32>
    %shift_right_logical3A_149 = arith.shrui %get3A_146, %shift_right_logical3A_148 : vector<16xi32>
    %swap3A_150 = arith.constant 16 : index
    %swap3A_151 = tpu.vector_load %arg9[%swap3A_150] {strides = array<i32>} : memref<128xi32, #tpu.memory_space<vmem>>, vector<16xi32>,
    tpu.vector_store %arg9[%swap3A_150], %shift_right_logical3A_149 {strides = array<i32>} : memref<128xi32, #tpu.memory_space<vmem>>, vector<16xi32>,
    %get3A_152 = arith.constant 1 : i32
    %get3A_153 = arith.index_cast %get3A_152 : i32 to index
    %get3A_154 = arith.constant 32 : index
    %get3A_155 = tpu.vector_load %arg7[%get3A_153, %get3A_154] {strides = array<i32>} : memref<78x128xi32, #tpu.memory_space<vmem>>, vector<16xi32>,
    %shift_right_logical3A_156 = arith.constant 16 : i32
    %shift_right_logical3A_157 = vector.broadcast %shift_right_logical3A_156 : i32 to vector<16xi32>
    %shift_right_logical3A_158 = arith.shrui %get3A_155, %shift_right_logical3A_157 : vector<16xi32>
    %swap3A_159 = arith.constant 32 : index
    %swap3A_160 = tpu.vector_load %arg9[%swap3A_159] {strides = array<i32>} : memref<128xi32, #tpu.memory_space<vmem>>, vector<16xi32>,
    tpu.vector_store %arg9[%swap3A_159], %shift_right_logical3A_158 {strides = array<i32>} : memref<128xi32, #tpu.memory_space<vmem>>, vector<16xi32>,
    %get3A_161 = arith.constant 1 : i32
    %get3A_162 = arith.index_cast %get3A_161 : i32 to index
    %get3A_163 = arith.constant 48 : index
    %get3A_164 = tpu.vector_load %arg7[%get3A_162, %get3A_163] {strides = array<i32>} : memref<78x128xi32, #tpu.memory_space<vmem>>, vector<16xi32>,
    %shift_right_logical3A_165 = arith.constant 16 : i32
    %shift_right_logical3A_166 = vector.broadcast %shift_right_logical3A_165 : i32 to vector<16xi32>
    %shift_right_logical3A_167 = arith.shrui %get3A_164, %shift_right_logical3A_166 : vector<16xi32>
    %swap3A_168 = arith.constant 48 : index
    %swap3A_169 = tpu.vector_load %arg9[%swap3A_168] {strides = array<i32>} : memref<128xi32, #tpu.memory_space<vmem>>, vector<16xi32>,
    tpu.vector_store %arg9[%swap3A_168], %shift_right_logical3A_167 {strides = array<i32>} : memref<128xi32, #tpu.memory_space<vmem>>, vector<16xi32>,
    %get3A_170 = arith.constant 1 : i32
    %get3A_171 = arith.index_cast %get3A_170 : i32 to index
    %get3A_172 = arith.constant 64 : index
    %get3A_173 = tpu.vector_load %arg7[%get3A_171, %get3A_172] {strides = array<i32>} : memref<78x128xi32, #tpu.memory_space<vmem>>, vector<16xi32>,
    %shift_right_logical3A_174 = arith.constant 16 : i32
    %shift_right_logical3A_175 = vector.broadcast %shift_right_logical3A_174 : i32 to vector<16xi32>
    %shift_right_logical3A_176 = arith.shrui %get3A_173, %shift_right_logical3A_175 : vector<16xi32>
    %swap3A_177 = arith.constant 64 : index
    %swap3A_178 = tpu.vector_load %arg9[%swap3A_177] {strides = array<i32>} : memref<128xi32, #tpu.memory_space<vmem>>, vector<16xi32>,
    tpu.vector_store %arg9[%swap3A_177], %shift_right_logical3A_176 {strides = array<i32>} : memref<128xi32, #tpu.memory_space<vmem>>, vector<16xi32>,
    %get3A_179 = arith.constant 1 : i32
    %get3A_180 = arith.index_cast %get3A_179 : i32 to index
    %get3A_181 = arith.constant 80 : index
    %get3A_182 = tpu.vector_load %arg7[%get3A_180, %get3A_181] {strides = array<i32>} : memref<78x128xi32, #tpu.memory_space<vmem>>, vector<16xi32>,
    %shift_right_logical3A_183 = arith.constant 16 : i32
    %shift_right_logical3A_184 = vector.broadcast %shift_right_logical3A_183 : i32 to vector<16xi32>
    %shift_right_logical3A_185 = arith.shrui %get3A_182, %shift_right_logical3A_184 : vector<16xi32>
    %swap3A_186 = arith.constant 80 : index
    %swap3A_187 = tpu.vector_load %arg9[%swap3A_186] {strides = array<i32>} : memref<128xi32, #tpu.memory_space<vmem>>, vector<16xi32>,
    tpu.vector_store %arg9[%swap3A_186], %shift_right_logical3A_185 {strides = array<i32>} : memref<128xi32, #tpu.memory_space<vmem>>, vector<16xi32>,
    %get3A_188 = arith.constant 1 : i32
    %get3A_189 = arith.index_cast %get3A_188 : i32 to index
    %get3A_190 = arith.constant 96 : index
    %get3A_191 = tpu.vector_load %arg7[%get3A_189, %get3A_190] {strides = array<i32>} : memref<78x128xi32, #tpu.memory_space<vmem>>, vector<16xi32>,
    %shift_right_logical3A_192 = arith.constant 16 : i32
    %shift_right_logical3A_193 = vector.broadcast %shift_right_logical3A_192 : i32 to vector<16xi32>
    %shift_right_logical3A_194 = arith.shrui %get3A_191, %shift_right_logical3A_193 : vector<16xi32>
    %swap3A_195 = arith.constant 96 : index
    %swap3A_196 = tpu.vector_load %arg9[%swap3A_195] {strides = array<i32>} : memref<128xi32, #tpu.memory_space<vmem>>, vector<16xi32>,
    tpu.vector_store %arg9[%swap3A_195], %shift_right_logical3A_194 {strides = array<i32>} : memref<128xi32, #tpu.memory_space<vmem>>, vector<16xi32>,
    %get3A_197 = arith.constant 1 : i32
    %get3A_198 = arith.index_cast %get3A_197 : i32 to index
    %get3A_199 = arith.constant 112 : index
    %get3A_200 = tpu.vector_load %arg7[%get3A_198, %get3A_199] {strides = array<i32>} : memref<78x128xi32, #tpu.memory_space<vmem>>, vector<16xi32>,
    %shift_right_logical3A_201 = arith.constant 16 : i32
    %shift_right_logical3A_202 = vector.broadcast %shift_right_logical3A_201 : i32 to vector<16xi32>
    %shift_right_logical3A_203 = arith.shrui %get3A_200, %shift_right_logical3A_202 : vector<16xi32>
    %swap3A_204 = arith.constant 112 : index
    %swap3A_205 = tpu.vector_load %arg9[%swap3A_204] {strides = array<i32>} : memref<128xi32, #tpu.memory_space<vmem>>, vector<16xi32>,
    tpu.vector_store %arg9[%swap3A_204], %shift_right_logical3A_203 {strides = array<i32>} : memref<128xi32, #tpu.memory_space<vmem>>, vector<16xi32>,
    %dma_start3A_206 = arith.constant 0 : i32
    %dma_start3A_207 = arith.constant 0 : i32
    %dma_start3A_208 = tpu.memref_slice %arg3[%dma_start3A_206, %dma_start3A_207] : memref<10000x128xf32, #tpu.memory_space<hbm>> -> memref<10000x128xf32, #tpu.memory_space<hbm>>
    tpu.enqueue_indirect_dma source(%dma_start3A_208 : memref<10000x128xf32, #tpu.memory_space<hbm>>) target(%arg15 : memref<128x128xf32, #tpu.memory_space<vmem>>) offsets(%arg9 : memref<128xi32, #tpu.memory_space<vmem>>) semaphore(%arg18 : memref<!tpu.dma_semaphore, #tpu.memory_space<semaphore_mem>>)
    %scan3A_209 = arith.constant 0 : i32
    %scan3A_210 = arith.constant 0 : i32
    %scan3A_211 = arith.constant 39 : i32
    %scan3A_212 = arith.addi %scan3A_210, %scan3A_211 : i32
    %scan3A_213 = arith.constant 1 : i32
    scf.for %scan3A_309 = %scan3A_210 to %scan3A_212 step %scan3A_213  : i32 {
      %mul3A_310 = arith.constant 2 : i32
      %mul3A_311 = arith.muli %scan3A_309, %mul3A_310 : i32
      %add3A_312 = arith.constant 0 : i32
      %add3A_313 = arith.addi %mul3A_311, %add3A_312 : i32
      %dma_wait3A_314 = arith.constant 0 : i32
      %dma_wait3A_315 = arith.constant 0 : i32
      %dma_wait3A_316 = tpu.memref_slice %arg3[%dma_wait3A_314, %dma_wait3A_315] : memref<10000x128xf32, #tpu.memory_space<hbm>> -> memref<128x128xf32, #tpu.memory_space<hbm>>
      %dma_wait3A_317 = arith.constant 0 : i32
      %dma_wait3A_318 = arith.constant 0 : i32
      %dma_wait3A_319 = tpu.memref_slice %arg3[%dma_wait3A_317, %dma_wait3A_318] : memref<10000x128xf32, #tpu.memory_space<hbm>> -> memref<128x128xf32, #tpu.memory_space<hbm>>
      tpu.wait_dma2 semaphore(%arg17 : memref<!tpu.dma_semaphore, #tpu.memory_space<semaphore_mem>>) src(%dma_wait3A_319 : memref<128x128xf32, #tpu.memory_space<hbm>>) dst(%arg14 : memref<128x128xf32, #tpu.memory_space<vmem>>)
      %get3A_320 = arith.index_cast %add3A_313 : i32 to index
      %get3A_321 = arith.constant 0 : index
      %get3A_322 = tpu.vector_load %arg7[%get3A_320, %get3A_321] {strides = array<i32>} : memref<78x128xi32, #tpu.memory_space<vmem>>, vector<16xi32>,
      %and3A = arith.constant 65535 : i32
      %and3A_323 = vector.broadcast %and3A : i32 to vector<16xi32>
      %and3A_324 = arith.andi %get3A_322, %and3A_323 : vector<16xi32>
      %swap3A_325 = arith.constant 0 : index
      %swap3A_326 = tpu.vector_load %arg10[%swap3A_325] {strides = array<i32>} : memref<128xi32, #tpu.memory_space<vmem>>, vector<16xi32>,
      tpu.vector_store %arg10[%swap3A_325], %and3A_324 {strides = array<i32>} : memref<128xi32, #tpu.memory_space<vmem>>, vector<16xi32>,
      %get3A_327 = arith.index_cast %add3A_313 : i32 to index
      %get3A_328 = arith.constant 16 : index
      %get3A_329 = tpu.vector_load %arg7[%get3A_327, %get3A_328] {strides = array<i32>} : memref<78x128xi32, #tpu.memory_space<vmem>>, vector<16xi32>,
      %and3A_330 = arith.constant 65535 : i32
      %and3A_331 = vector.broadcast %and3A_330 : i32 to vector<16xi32>
      %and3A_332 = arith.andi %get3A_329, %and3A_331 : vector<16xi32>
      %swap3A_333 = arith.constant 16 : index
      %swap3A_334 = tpu.vector_load %arg10[%swap3A_333] {strides = array<i32>} : memref<128xi32, #tpu.memory_space<vmem>>, vector<16xi32>,
      tpu.vector_store %arg10[%swap3A_333], %and3A_332 {strides = array<i32>} : memref<128xi32, #tpu.memory_space<vmem>>, vector<16xi32>,
      %get3A_335 = arith.index_cast %add3A_313 : i32 to index
      %get3A_336 = arith.constant 32 : index
      %get3A_337 = tpu.vector_load %arg7[%get3A_335, %get3A_336] {strides = array<i32>} : memref<78x128xi32, #tpu.memory_space<vmem>>, vector<16xi32>,
      %and3A_338 = arith.constant 65535 : i32
      %and3A_339 = vector.broadcast %and3A_338 : i32 to vector<16xi32>
      %and3A_340 = arith.andi %get3A_337, %and3A_339 : vector<16xi32>
      %swap3A_341 = arith.constant 32 : index
      %swap3A_342 = tpu.vector_load %arg10[%swap3A_341] {strides = array<i32>} : memref<128xi32, #tpu.memory_space<vmem>>, vector<16xi32>,
      tpu.vector_store %arg10[%swap3A_341], %and3A_340 {strides = array<i32>} : memref<128xi32, #tpu.memory_space<vmem>>, vector<16xi32>,
      %get3A_343 = arith.index_cast %add3A_313 : i32 to index
      %get3A_344 = arith.constant 48 : index
      %get3A_345 = tpu.vector_load %arg7[%get3A_343, %get3A_344] {strides = array<i32>} : memref<78x128xi32, #tpu.memory_space<vmem>>, vector<16xi32>,
      %and3A_346 = arith.constant 65535 : i32
      %and3A_347 = vector.broadcast %and3A_346 : i32 to vector<16xi32>
      %and3A_348 = arith.andi %get3A_345, %and3A_347 : vector<16xi32>
      %swap3A_349 = arith.constant 48 : index
      %swap3A_350 = tpu.vector_load %arg10[%swap3A_349] {strides = array<i32>} : memref<128xi32, #tpu.memory_space<vmem>>, vector<16xi32>,
      tpu.vector_store %arg10[%swap3A_349], %and3A_348 {strides = array<i32>} : memref<128xi32, #tpu.memory_space<vmem>>, vector<16xi32>,
      %get3A_351 = arith.index_cast %add3A_313 : i32 to index
      %get3A_352 = arith.constant 64 : index
      %get3A_353 = tpu.vector_load %arg7[%get3A_351, %get3A_352] {strides = array<i32>} : memref<78x128xi32, #tpu.memory_space<vmem>>, vector<16xi32>,
      %and3A_354 = arith.constant 65535 : i32
      %and3A_355 = vector.broadcast %and3A_354 : i32 to vector<16xi32>
      %and3A_356 = arith.andi %get3A_353, %and3A_355 : vector<16xi32>
      %swap3A_357 = arith.constant 64 : index
      %swap3A_358 = tpu.vector_load %arg10[%swap3A_357] {strides = array<i32>} : memref<128xi32, #tpu.memory_space<vmem>>, vector<16xi32>,
      tpu.vector_store %arg10[%swap3A_357], %and3A_356 {strides = array<i32>} : memref<128xi32, #tpu.memory_space<vmem>>, vector<16xi32>,
      %get3A_359 = arith.index_cast %add3A_313 : i32 to index
      %get3A_360 = arith.constant 80 : index
      %get3A_361 = tpu.vector_load %arg7[%get3A_359, %get3A_360] {strides = array<i32>} : memref<78x128xi32, #tpu.memory_space<vmem>>, vector<16xi32>,
      %and3A_362 = arith.constant 65535 : i32
      %and3A_363 = vector.broadcast %and3A_362 : i32 to vector<16xi32>
      %and3A_364 = arith.andi %get3A_361, %and3A_363 : vector<16xi32>
      %swap3A_365 = arith.constant 80 : index
      %swap3A_366 = tpu.vector_load %arg10[%swap3A_365] {strides = array<i32>} : memref<128xi32, #tpu.memory_space<vmem>>, vector<16xi32>,
      tpu.vector_store %arg10[%swap3A_365], %and3A_364 {strides = array<i32>} : memref<128xi32, #tpu.memory_space<vmem>>, vector<16xi32>,
      %get3A_367 = arith.index_cast %add3A_313 : i32 to index
      %get3A_368 = arith.constant 96 : index
      %get3A_369 = tpu.vector_load %arg7[%get3A_367, %get3A_368] {strides = array<i32>} : memref<78x128xi32, #tpu.memory_space<vmem>>, vector<16xi32>,
      %and3A_370 = arith.constant 65535 : i32
      %and3A_371 = vector.broadcast %and3A_370 : i32 to vector<16xi32>
      %and3A_372 = arith.andi %get3A_369, %and3A_371 : vector<16xi32>
      %swap3A_373 = arith.constant 96 : index
      %swap3A_374 = tpu.vector_load %arg10[%swap3A_373] {strides = array<i32>} : memref<128xi32, #tpu.memory_space<vmem>>, vector<16xi32>,
      tpu.vector_store %arg10[%swap3A_373], %and3A_372 {strides = array<i32>} : memref<128xi32, #tpu.memory_space<vmem>>, vector<16xi32>,
      %get3A_375 = arith.index_cast %add3A_313 : i32 to index
      %get3A_376 = arith.constant 112 : index
      %get3A_377 = tpu.vector_load %arg7[%get3A_375, %get3A_376] {strides = array<i32>} : memref<78x128xi32, #tpu.memory_space<vmem>>, vector<16xi32>,
      %and3A_378 = arith.constant 65535 : i32
      %and3A_379 = vector.broadcast %and3A_378 : i32 to vector<16xi32>
      %and3A_380 = arith.andi %get3A_377, %and3A_379 : vector<16xi32>
      %swap3A_381 = arith.constant 112 : index
      %swap3A_382 = tpu.vector_load %arg10[%swap3A_381] {strides = array<i32>} : memref<128xi32, #tpu.memory_space<vmem>>, vector<16xi32>,
      tpu.vector_store %arg10[%swap3A_381], %and3A_380 {strides = array<i32>} : memref<128xi32, #tpu.memory_space<vmem>>, vector<16xi32>,
      "tpu.region"() ({
        %run_scoped3A = tpu.sem_alloc : memref<!tpu.dma_semaphore, #tpu.memory_space<semaphore_mem>>
        %dma_start3A_466 = arith.constant 0 : i32
        %dma_start3A_467 = arith.constant 0 : i32
        %dma_start3A_468 = tpu.memref_slice %arg16[%dma_start3A_466, %dma_start3A_467] : memref<10240x128xf32, #tpu.memory_space<vmem_shared>> -> memref<10240x128xf32, #tpu.memory_space<vmem_shared>>
        tpu.enqueue_indirect_dma source(%arg14 : memref<128x128xf32, #tpu.memory_space<vmem>>) target(%dma_start3A_468 : memref<10240x128xf32, #tpu.memory_space<vmem_shared>>) offsets(%arg10 : memref<128xi32, #tpu.memory_space<vmem>>) semaphore(%run_scoped3A : memref<!tpu.dma_semaphore, #tpu.memory_space<semaphore_mem>>) {add = true}
        %dma_wait3A_469 = arith.constant 0 : i32
        %dma_wait3A_470 = arith.constant 0 : i32
        %dma_wait3A_471 = tpu.memref_slice %arg16[%dma_wait3A_469, %dma_wait3A_470] : memref<10240x128xf32, #tpu.memory_space<vmem_shared>> -> memref<10240x128xf32, #tpu.memory_space<vmem_shared>>
        tpu.wait_indirect_dma semaphore(%run_scoped3A : memref<!tpu.dma_semaphore, #tpu.memory_space<semaphore_mem>>) src(%arg14 : memref<128x128xf32, #tpu.memory_space<vmem>>) dst(%dma_wait3A_471 : memref<10240x128xf32, #tpu.memory_space<vmem_shared>>)
        tpu.yield
      }) : () -> ()
      %add3A_383 = arith.constant 2 : i32
      %add3A_384 = arith.addi %add3A_313, %add3A_383 : i32
      %lt3A = arith.constant 78 : i32
      %lt3A_385 = arith.cmpi slt, %add3A_384, %lt3A : i32
      %convert_element_type3A = arith.extui %lt3A_385 : i1 to i32
      %cond3A = arith.constant 0 : i32
      %cond3A_386 = arith.cmpi ne, %convert_element_type3A, %cond3A : i32
      scf.if %cond3A_386 {
        %add3A_466 = arith.constant 2 : i32
        %add3A_467 = arith.addi %add3A_313, %add3A_466 : i32
        %get3A_468 = arith.index_cast %add3A_467 : i32 to index
        %get3A_469 = arith.constant 0 : index
        %get3A_470 = tpu.vector_load %arg7[%get3A_468, %get3A_469] {strides = array<i32>} : memref<78x128xi32, #tpu.memory_space<vmem>>, vector<16xi32>,
        %shift_right_logical3A_471 = arith.constant 16 : i32
        %shift_right_logical3A_472 = vector.broadcast %shift_right_logical3A_471 : i32 to vector<16xi32>
        %shift_right_logical3A_473 = arith.shrui %get3A_470, %shift_right_logical3A_472 : vector<16xi32>
        %swap3A_474 = arith.constant 0 : index
        %swap3A_475 = tpu.vector_load %arg8[%swap3A_474] {strides = array<i32>} : memref<128xi32, #tpu.memory_space<vmem>>, vector<16xi32>,
        tpu.vector_store %arg8[%swap3A_474], %shift_right_logical3A_473 {strides = array<i32>} : memref<128xi32, #tpu.memory_space<vmem>>, vector<16xi32>,
        %get3A_476 = arith.index_cast %add3A_467 : i32 to index
        %get3A_477 = arith.constant 16 : index
        %get3A_478 = tpu.vector_load %arg7[%get3A_476, %get3A_477] {strides = array<i32>} : memref<78x128xi32, #tpu.memory_space<vmem>>, vector<16xi32>,
        %shift_right_logical3A_479 = arith.constant 16 : i32
        %shift_right_logical3A_480 = vector.broadcast %shift_right_logical3A_479 : i32 to vector<16xi32>
        %shift_right_logical3A_481 = arith.shrui %get3A_478, %shift_right_logical3A_480 : vector<16xi32>
        %swap3A_482 = arith.constant 16 : index
        %swap3A_483 = tpu.vector_load %arg8[%swap3A_482] {strides = array<i32>} : memref<128xi32, #tpu.memory_space<vmem>>, vector<16xi32>,
        tpu.vector_store %arg8[%swap3A_482], %shift_right_logical3A_481 {strides = array<i32>} : memref<128xi32, #tpu.memory_space<vmem>>, vector<16xi32>,
        %get3A_484 = arith.index_cast %add3A_467 : i32 to index
        %get3A_485 = arith.constant 32 : index
        %get3A_486 = tpu.vector_load %arg7[%get3A_484, %get3A_485] {strides = array<i32>} : memref<78x128xi32, #tpu.memory_space<vmem>>, vector<16xi32>,
        %shift_right_logical3A_487 = arith.constant 16 : i32
        %shift_right_logical3A_488 = vector.broadcast %shift_right_logical3A_487 : i32 to vector<16xi32>
        %shift_right_logical3A_489 = arith.shrui %get3A_486, %shift_right_logical3A_488 : vector<16xi32>
        %swap3A_490 = arith.constant 32 : index
        %swap3A_491 = tpu.vector_load %arg8[%swap3A_490] {strides = array<i32>} : memref<128xi32, #tpu.memory_space<vmem>>, vector<16xi32>,
        tpu.vector_store %arg8[%swap3A_490], %shift_right_logical3A_489 {strides = array<i32>} : memref<128xi32, #tpu.memory_space<vmem>>, vector<16xi32>,
        %get3A_492 = arith.index_cast %add3A_467 : i32 to index
        %get3A_493 = arith.constant 48 : index
        %get3A_494 = tpu.vector_load %arg7[%get3A_492, %get3A_493] {strides = array<i32>} : memref<78x128xi32, #tpu.memory_space<vmem>>, vector<16xi32>,
        %shift_right_logical3A_495 = arith.constant 16 : i32
        %shift_right_logical3A_496 = vector.broadcast %shift_right_logical3A_495 : i32 to vector<16xi32>
        %shift_right_logical3A_497 = arith.shrui %get3A_494, %shift_right_logical3A_496 : vector<16xi32>
        %swap3A_498 = arith.constant 48 : index
        %swap3A_499 = tpu.vector_load %arg8[%swap3A_498] {strides = array<i32>} : memref<128xi32, #tpu.memory_space<vmem>>, vector<16xi32>,
        tpu.vector_store %arg8[%swap3A_498], %shift_right_logical3A_497 {strides = array<i32>} : memref<128xi32, #tpu.memory_space<vmem>>, vector<16xi32>,
        %get3A_500 = arith.index_cast %add3A_467 : i32 to index
        %get3A_501 = arith.constant 64 : index
        %get3A_502 = tpu.vector_load %arg7[%get3A_500, %get3A_501] {strides = array<i32>} : memref<78x128xi32, #tpu.memory_space<vmem>>, vector<16xi32>,
        %shift_right_logical3A_503 = arith.constant 16 : i32
        %shift_right_logical3A_504 = vector.broadcast %shift_right_logical3A_503 : i32 to vector<16xi32>
        %shift_right_logical3A_505 = arith.shrui %get3A_502, %shift_right_logical3A_504 : vector<16xi32>
        %swap3A_506 = arith.constant 64 : index
        %swap3A_507 = tpu.vector_load %arg8[%swap3A_506] {strides = array<i32>} : memref<128xi32, #tpu.memory_space<vmem>>, vector<16xi32>,
        tpu.vector_store %arg8[%swap3A_506], %shift_right_logical3A_505 {strides = array<i32>} : memref<128xi32, #tpu.memory_space<vmem>>, vector<16xi32>,
        %get3A_508 = arith.index_cast %add3A_467 : i32 to index
        %get3A_509 = arith.constant 80 : index
        %get3A_510 = tpu.vector_load %arg7[%get3A_508, %get3A_509] {strides = array<i32>} : memref<78x128xi32, #tpu.memory_space<vmem>>, vector<16xi32>,
        %shift_right_logical3A_511 = arith.constant 16 : i32
        %shift_right_logical3A_512 = vector.broadcast %shift_right_logical3A_511 : i32 to vector<16xi32>
        %shift_right_logical3A_513 = arith.shrui %get3A_510, %shift_right_logical3A_512 : vector<16xi32>
        %swap3A_514 = arith.constant 80 : index
        %swap3A_515 = tpu.vector_load %arg8[%swap3A_514] {strides = array<i32>} : memref<128xi32, #tpu.memory_space<vmem>>, vector<16xi32>,
        tpu.vector_store %arg8[%swap3A_514], %shift_right_logical3A_513 {strides = array<i32>} : memref<128xi32, #tpu.memory_space<vmem>>, vector<16xi32>,
        %get3A_516 = arith.index_cast %add3A_467 : i32 to index
        %get3A_517 = arith.constant 96 : index
        %get3A_518 = tpu.vector_load %arg7[%get3A_516, %get3A_517] {strides = array<i32>} : memref<78x128xi32, #tpu.memory_space<vmem>>, vector<16xi32>,
        %shift_right_logical3A_519 = arith.constant 16 : i32
        %shift_right_logical3A_520 = vector.broadcast %shift_right_logical3A_519 : i32 to vector<16xi32>
        %shift_right_logical3A_521 = arith.shrui %get3A_518, %shift_right_logical3A_520 : vector<16xi32>
        %swap3A_522 = arith.constant 96 : index
        %swap3A_523 = tpu.vector_load %arg8[%swap3A_522] {strides = array<i32>} : memref<128xi32, #tpu.memory_space<vmem>>, vector<16xi32>,
        tpu.vector_store %arg8[%swap3A_522], %shift_right_logical3A_521 {strides = array<i32>} : memref<128xi32, #tpu.memory_space<vmem>>, vector<16xi32>,
        %get3A_524 = arith.index_cast %add3A_467 : i32 to index
        %get3A_525 = arith.constant 112 : index
        %get3A_526 = tpu.vector_load %arg7[%get3A_524, %get3A_525] {strides = array<i32>} : memref<78x128xi32, #tpu.memory_space<vmem>>, vector<16xi32>,
        %shift_right_logical3A_527 = arith.constant 16 : i32
        %shift_right_logical3A_528 = vector.broadcast %shift_right_logical3A_527 : i32 to vector<16xi32>
        %shift_right_logical3A_529 = arith.shrui %get3A_526, %shift_right_logical3A_528 : vector<16xi32>
        %swap3A_530 = arith.constant 112 : index
        %swap3A_531 = tpu.vector_load %arg8[%swap3A_530] {strides = array<i32>} : memref<128xi32, #tpu.memory_space<vmem>>, vector<16xi32>,
        tpu.vector_store %arg8[%swap3A_530], %shift_right_logical3A_529 {strides = array<i32>} : memref<128xi32, #tpu.memory_space<vmem>>, vector<16xi32>,
        %dma_start3A_532 = arith.constant 0 : i32
        %dma_start3A_533 = arith.constant 0 : i32
        %dma_start3A_534 = tpu.memref_slice %arg3[%dma_start3A_532, %dma_start3A_533] : memref<10000x128xf32, #tpu.memory_space<hbm>> -> memref<10000x128xf32, #tpu.memory_space<hbm>>
        tpu.enqueue_indirect_dma source(%dma_start3A_534 : memref<10000x128xf32, #tpu.memory_space<hbm>>) target(%arg14 : memref<128x128xf32, #tpu.memory_space<vmem>>) offsets(%arg8 : memref<128xi32, #tpu.memory_space<vmem>>) semaphore(%arg17 : memref<!tpu.dma_semaphore, #tpu.memory_space<semaphore_mem>>)
      } else {
      }
      %add3A_387 = arith.constant 1 : i32
      %add3A_388 = arith.addi %mul3A_311, %add3A_387 : i32
      %dma_wait3A_389 = arith.constant 0 : i32
      %dma_wait3A_390 = arith.constant 0 : i32
      %dma_wait3A_391 = tpu.memref_slice %arg3[%dma_wait3A_389, %dma_wait3A_390] : memref<10000x128xf32, #tpu.memory_space<hbm>> -> memref<128x128xf32, #tpu.memory_space<hbm>>
      %dma_wait3A_392 = arith.constant 0 : i32
      %dma_wait3A_393 = arith.constant 0 : i32
      %dma_wait3A_394 = tpu.memref_slice %arg3[%dma_wait3A_392, %dma_wait3A_393] : memref<10000x128xf32, #tpu.memory_space<hbm>> -> memref<128x128xf32, #tpu.memory_space<hbm>>
      tpu.wait_dma2 semaphore(%arg18 : memref<!tpu.dma_semaphore, #tpu.memory_space<semaphore_mem>>) src(%dma_wait3A_394 : memref<128x128xf32, #tpu.memory_space<hbm>>) dst(%arg15 : memref<128x128xf32, #tpu.memory_space<vmem>>)
      %get3A_395 = arith.index_cast %add3A_388 : i32 to index
      %get3A_396 = arith.constant 0 : index
      %get3A_397 = tpu.vector_load %arg7[%get3A_395, %get3A_396] {strides = array<i32>} : memref<78x128xi32, #tpu.memory_space<vmem>>, vector<16xi32>,
      %and3A_398 = arith.constant 65535 : i32
      %and3A_399 = vector.broadcast %and3A_398 : i32 to vector<16xi32>
      %and3A_400 = arith.andi %get3A_397, %and3A_399 : vector<16xi32>
      %swap3A_401 = arith.constant 0 : index
      %swap3A_402 = tpu.vector_load %arg10[%swap3A_401] {strides = array<i32>} : memref<128xi32, #tpu.memory_space<vmem>>, vector<16xi32>,
      tpu.vector_store %arg10[%swap3A_401], %and3A_400 {strides = array<i32>} : memref<128xi32, #tpu.memory_space<vmem>>, vector<16xi32>,
      %get3A_403 = arith.index_cast %add3A_388 : i32 to index
      %get3A_404 = arith.constant 16 : index
      %get3A_405 = tpu.vector_load %arg7[%get3A_403, %get3A_404] {strides = array<i32>} : memref<78x128xi32, #tpu.memory_space<vmem>>, vector<16xi32>,
      %and3A_406 = arith.constant 65535 : i32
      %and3A_407 = vector.broadcast %and3A_406 : i32 to vector<16xi32>
      %and3A_408 = arith.andi %get3A_405, %and3A_407 : vector<16xi32>
      %swap3A_409 = arith.constant 16 : index
      %swap3A_410 = tpu.vector_load %arg10[%swap3A_409] {strides = array<i32>} : memref<128xi32, #tpu.memory_space<vmem>>, vector<16xi32>,
      tpu.vector_store %arg10[%swap3A_409], %and3A_408 {strides = array<i32>} : memref<128xi32, #tpu.memory_space<vmem>>, vector<16xi32>,
      %get3A_411 = arith.index_cast %add3A_388 : i32 to index
      %get3A_412 = arith.constant 32 : index
      %get3A_413 = tpu.vector_load %arg7[%get3A_411, %get3A_412] {strides = array<i32>} : memref<78x128xi32, #tpu.memory_space<vmem>>, vector<16xi32>,
      %and3A_414 = arith.constant 65535 : i32
      %and3A_415 = vector.broadcast %and3A_414 : i32 to vector<16xi32>
      %and3A_416 = arith.andi %get3A_413, %and3A_415 : vector<16xi32>
      %swap3A_417 = arith.constant 32 : index
      %swap3A_418 = tpu.vector_load %arg10[%swap3A_417] {strides = array<i32>} : memref<128xi32, #tpu.memory_space<vmem>>, vector<16xi32>,
      tpu.vector_store %arg10[%swap3A_417], %and3A_416 {strides = array<i32>} : memref<128xi32, #tpu.memory_space<vmem>>, vector<16xi32>,
      %get3A_419 = arith.index_cast %add3A_388 : i32 to index
      %get3A_420 = arith.constant 48 : index
      %get3A_421 = tpu.vector_load %arg7[%get3A_419, %get3A_420] {strides = array<i32>} : memref<78x128xi32, #tpu.memory_space<vmem>>, vector<16xi32>,
      %and3A_422 = arith.constant 65535 : i32
      %and3A_423 = vector.broadcast %and3A_422 : i32 to vector<16xi32>
      %and3A_424 = arith.andi %get3A_421, %and3A_423 : vector<16xi32>
      %swap3A_425 = arith.constant 48 : index
      %swap3A_426 = tpu.vector_load %arg10[%swap3A_425] {strides = array<i32>} : memref<128xi32, #tpu.memory_space<vmem>>, vector<16xi32>,
      tpu.vector_store %arg10[%swap3A_425], %and3A_424 {strides = array<i32>} : memref<128xi32, #tpu.memory_space<vmem>>, vector<16xi32>,
      %get3A_427 = arith.index_cast %add3A_388 : i32 to index
      %get3A_428 = arith.constant 64 : index
      %get3A_429 = tpu.vector_load %arg7[%get3A_427, %get3A_428] {strides = array<i32>} : memref<78x128xi32, #tpu.memory_space<vmem>>, vector<16xi32>,
      %and3A_430 = arith.constant 65535 : i32
      %and3A_431 = vector.broadcast %and3A_430 : i32 to vector<16xi32>
      %and3A_432 = arith.andi %get3A_429, %and3A_431 : vector<16xi32>
      %swap3A_433 = arith.constant 64 : index
      %swap3A_434 = tpu.vector_load %arg10[%swap3A_433] {strides = array<i32>} : memref<128xi32, #tpu.memory_space<vmem>>, vector<16xi32>,
      tpu.vector_store %arg10[%swap3A_433], %and3A_432 {strides = array<i32>} : memref<128xi32, #tpu.memory_space<vmem>>, vector<16xi32>,
      %get3A_435 = arith.index_cast %add3A_388 : i32 to index
      %get3A_436 = arith.constant 80 : index
      %get3A_437 = tpu.vector_load %arg7[%get3A_435, %get3A_436] {strides = array<i32>} : memref<78x128xi32, #tpu.memory_space<vmem>>, vector<16xi32>,
      %and3A_438 = arith.constant 65535 : i32
      %and3A_439 = vector.broadcast %and3A_438 : i32 to vector<16xi32>
      %and3A_440 = arith.andi %get3A_437, %and3A_439 : vector<16xi32>
      %swap3A_441 = arith.constant 80 : index
      %swap3A_442 = tpu.vector_load %arg10[%swap3A_441] {strides = array<i32>} : memref<128xi32, #tpu.memory_space<vmem>>, vector<16xi32>,
      tpu.vector_store %arg10[%swap3A_441], %and3A_440 {strides = array<i32>} : memref<128xi32, #tpu.memory_space<vmem>>, vector<16xi32>,
      %get3A_443 = arith.index_cast %add3A_388 : i32 to index
      %get3A_444 = arith.constant 96 : index
      %get3A_445 = tpu.vector_load %arg7[%get3A_443, %get3A_444] {strides = array<i32>} : memref<78x128xi32, #tpu.memory_space<vmem>>, vector<16xi32>,
      %and3A_446 = arith.constant 65535 : i32
      %and3A_447 = vector.broadcast %and3A_446 : i32 to vector<16xi32>
      %and3A_448 = arith.andi %get3A_445, %and3A_447 : vector<16xi32>
      %swap3A_449 = arith.constant 96 : index
      %swap3A_450 = tpu.vector_load %arg10[%swap3A_449] {strides = array<i32>} : memref<128xi32, #tpu.memory_space<vmem>>, vector<16xi32>,
      tpu.vector_store %arg10[%swap3A_449], %and3A_448 {strides = array<i32>} : memref<128xi32, #tpu.memory_space<vmem>>, vector<16xi32>,
      %get3A_451 = arith.index_cast %add3A_388 : i32 to index
      %get3A_452 = arith.constant 112 : index
      %get3A_453 = tpu.vector_load %arg7[%get3A_451, %get3A_452] {strides = array<i32>} : memref<78x128xi32, #tpu.memory_space<vmem>>, vector<16xi32>,
      %and3A_454 = arith.constant 65535 : i32
      %and3A_455 = vector.broadcast %and3A_454 : i32 to vector<16xi32>
      %and3A_456 = arith.andi %get3A_453, %and3A_455 : vector<16xi32>
      %swap3A_457 = arith.constant 112 : index
      %swap3A_458 = tpu.vector_load %arg10[%swap3A_457] {strides = array<i32>} : memref<128xi32, #tpu.memory_space<vmem>>, vector<16xi32>,
      tpu.vector_store %arg10[%swap3A_457], %and3A_456 {strides = array<i32>} : memref<128xi32, #tpu.memory_space<vmem>>, vector<16xi32>,
      "tpu.region"() ({
        %run_scoped3A = tpu.sem_alloc : memref<!tpu.dma_semaphore, #tpu.memory_space<semaphore_mem>>
        %dma_start3A_466 = arith.constant 0 : i32
        %dma_start3A_467 = arith.constant 0 : i32
        %dma_start3A_468 = tpu.memref_slice %arg16[%dma_start3A_466, %dma_start3A_467] : memref<10240x128xf32, #tpu.memory_space<vmem_shared>> -> memref<10240x128xf32, #tpu.memory_space<vmem_shared>>
        tpu.enqueue_indirect_dma source(%arg15 : memref<128x128xf32, #tpu.memory_space<vmem>>) target(%dma_start3A_468 : memref<10240x128xf32, #tpu.memory_space<vmem_shared>>) offsets(%arg10 : memref<128xi32, #tpu.memory_space<vmem>>) semaphore(%run_scoped3A : memref<!tpu.dma_semaphore, #tpu.memory_space<semaphore_mem>>) {add = true}
        %dma_wait3A_469 = arith.constant 0 : i32
        %dma_wait3A_470 = arith.constant 0 : i32
        %dma_wait3A_471 = tpu.memref_slice %arg16[%dma_wait3A_469, %dma_wait3A_470] : memref<10240x128xf32, #tpu.memory_space<vmem_shared>> -> memref<10240x128xf32, #tpu.memory_space<vmem_shared>>
        tpu.wait_indirect_dma semaphore(%run_scoped3A : memref<!tpu.dma_semaphore, #tpu.memory_space<semaphore_mem>>) src(%arg15 : memref<128x128xf32, #tpu.memory_space<vmem>>) dst(%dma_wait3A_471 : memref<10240x128xf32, #tpu.memory_space<vmem_shared>>)
        tpu.yield
      }) : () -> ()
      %add3A_459 = arith.constant 2 : i32
      %add3A_460 = arith.addi %add3A_388, %add3A_459 : i32
      %lt3A_461 = arith.constant 78 : i32
      %lt3A_462 = arith.cmpi slt, %add3A_460, %lt3A_461 : i32
      %convert_element_type3A_463 = arith.extui %lt3A_462 : i1 to i32
      %cond3A_464 = arith.constant 0 : i32
      %cond3A_465 = arith.cmpi ne, %convert_element_type3A_463, %cond3A_464 : i32
      scf.if %cond3A_465 {
        %add3A_466 = arith.constant 2 : i32
        %add3A_467 = arith.addi %add3A_388, %add3A_466 : i32
        %get3A_468 = arith.index_cast %add3A_467 : i32 to index
        %get3A_469 = arith.constant 0 : index
        %get3A_470 = tpu.vector_load %arg7[%get3A_468, %get3A_469] {strides = array<i32>} : memref<78x128xi32, #tpu.memory_space<vmem>>, vector<16xi32>,
        %shift_right_logical3A_471 = arith.constant 16 : i32
        %shift_right_logical3A_472 = vector.broadcast %shift_right_logical3A_471 : i32 to vector<16xi32>
        %shift_right_logical3A_473 = arith.shrui %get3A_470, %shift_right_logical3A_472 : vector<16xi32>
        %swap3A_474 = arith.constant 0 : index
        %swap3A_475 = tpu.vector_load %arg9[%swap3A_474] {strides = array<i32>} : memref<128xi32, #tpu.memory_space<vmem>>, vector<16xi32>,
        tpu.vector_store %arg9[%swap3A_474], %shift_right_logical3A_473 {strides = array<i32>} : memref<128xi32, #tpu.memory_space<vmem>>, vector<16xi32>,
        %get3A_476 = arith.index_cast %add3A_467 : i32 to index
        %get3A_477 = arith.constant 16 : index
        %get3A_478 = tpu.vector_load %arg7[%get3A_476, %get3A_477] {strides = array<i32>} : memref<78x128xi32, #tpu.memory_space<vmem>>, vector<16xi32>,
        %shift_right_logical3A_479 = arith.constant 16 : i32
        %shift_right_logical3A_480 = vector.broadcast %shift_right_logical3A_479 : i32 to vector<16xi32>
        %shift_right_logical3A_481 = arith.shrui %get3A_478, %shift_right_logical3A_480 : vector<16xi32>
        %swap3A_482 = arith.constant 16 : index
        %swap3A_483 = tpu.vector_load %arg9[%swap3A_482] {strides = array<i32>} : memref<128xi32, #tpu.memory_space<vmem>>, vector<16xi32>,
        tpu.vector_store %arg9[%swap3A_482], %shift_right_logical3A_481 {strides = array<i32>} : memref<128xi32, #tpu.memory_space<vmem>>, vector<16xi32>,
        %get3A_484 = arith.index_cast %add3A_467 : i32 to index
        %get3A_485 = arith.constant 32 : index
        %get3A_486 = tpu.vector_load %arg7[%get3A_484, %get3A_485] {strides = array<i32>} : memref<78x128xi32, #tpu.memory_space<vmem>>, vector<16xi32>,
        %shift_right_logical3A_487 = arith.constant 16 : i32
        %shift_right_logical3A_488 = vector.broadcast %shift_right_logical3A_487 : i32 to vector<16xi32>
        %shift_right_logical3A_489 = arith.shrui %get3A_486, %shift_right_logical3A_488 : vector<16xi32>
        %swap3A_490 = arith.constant 32 : index
        %swap3A_491 = tpu.vector_load %arg9[%swap3A_490] {strides = array<i32>} : memref<128xi32, #tpu.memory_space<vmem>>, vector<16xi32>,
        tpu.vector_store %arg9[%swap3A_490], %shift_right_logical3A_489 {strides = array<i32>} : memref<128xi32, #tpu.memory_space<vmem>>, vector<16xi32>,
        %get3A_492 = arith.index_cast %add3A_467 : i32 to index
        %get3A_493 = arith.constant 48 : index
        %get3A_494 = tpu.vector_load %arg7[%get3A_492, %get3A_493] {strides = array<i32>} : memref<78x128xi32, #tpu.memory_space<vmem>>, vector<16xi32>,
        %shift_right_logical3A_495 = arith.constant 16 : i32
        %shift_right_logical3A_496 = vector.broadcast %shift_right_logical3A_495 : i32 to vector<16xi32>
        %shift_right_logical3A_497 = arith.shrui %get3A_494, %shift_right_logical3A_496 : vector<16xi32>
        %swap3A_498 = arith.constant 48 : index
        %swap3A_499 = tpu.vector_load %arg9[%swap3A_498] {strides = array<i32>} : memref<128xi32, #tpu.memory_space<vmem>>, vector<16xi32>,
        tpu.vector_store %arg9[%swap3A_498], %shift_right_logical3A_497 {strides = array<i32>} : memref<128xi32, #tpu.memory_space<vmem>>, vector<16xi32>,
        %get3A_500 = arith.index_cast %add3A_467 : i32 to index
        %get3A_501 = arith.constant 64 : index
        %get3A_502 = tpu.vector_load %arg7[%get3A_500, %get3A_501] {strides = array<i32>} : memref<78x128xi32, #tpu.memory_space<vmem>>, vector<16xi32>,
        %shift_right_logical3A_503 = arith.constant 16 : i32
        %shift_right_logical3A_504 = vector.broadcast %shift_right_logical3A_503 : i32 to vector<16xi32>
        %shift_right_logical3A_505 = arith.shrui %get3A_502, %shift_right_logical3A_504 : vector<16xi32>
        %swap3A_506 = arith.constant 64 : index
        %swap3A_507 = tpu.vector_load %arg9[%swap3A_506] {strides = array<i32>} : memref<128xi32, #tpu.memory_space<vmem>>, vector<16xi32>,
        tpu.vector_store %arg9[%swap3A_506], %shift_right_logical3A_505 {strides = array<i32>} : memref<128xi32, #tpu.memory_space<vmem>>, vector<16xi32>,
        %get3A_508 = arith.index_cast %add3A_467 : i32 to index
        %get3A_509 = arith.constant 80 : index
        %get3A_510 = tpu.vector_load %arg7[%get3A_508, %get3A_509] {strides = array<i32>} : memref<78x128xi32, #tpu.memory_space<vmem>>, vector<16xi32>,
        %shift_right_logical3A_511 = arith.constant 16 : i32
        %shift_right_logical3A_512 = vector.broadcast %shift_right_logical3A_511 : i32 to vector<16xi32>
        %shift_right_logical3A_513 = arith.shrui %get3A_510, %shift_right_logical3A_512 : vector<16xi32>
        %swap3A_514 = arith.constant 80 : index
        %swap3A_515 = tpu.vector_load %arg9[%swap3A_514] {strides = array<i32>} : memref<128xi32, #tpu.memory_space<vmem>>, vector<16xi32>,
        tpu.vector_store %arg9[%swap3A_514], %shift_right_logical3A_513 {strides = array<i32>} : memref<128xi32, #tpu.memory_space<vmem>>, vector<16xi32>,
        %get3A_516 = arith.index_cast %add3A_467 : i32 to index
        %get3A_517 = arith.constant 96 : index
        %get3A_518 = tpu.vector_load %arg7[%get3A_516, %get3A_517] {strides = array<i32>} : memref<78x128xi32, #tpu.memory_space<vmem>>, vector<16xi32>,
        %shift_right_logical3A_519 = arith.constant 16 : i32
        %shift_right_logical3A_520 = vector.broadcast %shift_right_logical3A_519 : i32 to vector<16xi32>
        %shift_right_logical3A_521 = arith.shrui %get3A_518, %shift_right_logical3A_520 : vector<16xi32>
        %swap3A_522 = arith.constant 96 : index
        %swap3A_523 = tpu.vector_load %arg9[%swap3A_522] {strides = array<i32>} : memref<128xi32, #tpu.memory_space<vmem>>, vector<16xi32>,
        tpu.vector_store %arg9[%swap3A_522], %shift_right_logical3A_521 {strides = array<i32>} : memref<128xi32, #tpu.memory_space<vmem>>, vector<16xi32>,
        %get3A_524 = arith.index_cast %add3A_467 : i32 to index
        %get3A_525 = arith.constant 112 : index
        %get3A_526 = tpu.vector_load %arg7[%get3A_524, %get3A_525] {strides = array<i32>} : memref<78x128xi32, #tpu.memory_space<vmem>>, vector<16xi32>,
        %shift_right_logical3A_527 = arith.constant 16 : i32
        %shift_right_logical3A_528 = vector.broadcast %shift_right_logical3A_527 : i32 to vector<16xi32>
        %shift_right_logical3A_529 = arith.shrui %get3A_526, %shift_right_logical3A_528 : vector<16xi32>
        %swap3A_530 = arith.constant 112 : index
        %swap3A_531 = tpu.vector_load %arg9[%swap3A_530] {strides = array<i32>} : memref<128xi32, #tpu.memory_space<vmem>>, vector<16xi32>,
        tpu.vector_store %arg9[%swap3A_530], %shift_right_logical3A_529 {strides = array<i32>} : memref<128xi32, #tpu.memory_space<vmem>>, vector<16xi32>,
        %dma_start3A_532 = arith.constant 0 : i32
        %dma_start3A_533 = arith.constant 0 : i32
        %dma_start3A_534 = tpu.memref_slice %arg3[%dma_start3A_532, %dma_start3A_533] : memref<10000x128xf32, #tpu.memory_space<hbm>> -> memref<10000x128xf32, #tpu.memory_space<hbm>>
        tpu.enqueue_indirect_dma source(%dma_start3A_534 : memref<10000x128xf32, #tpu.memory_space<hbm>>) target(%arg15 : memref<128x128xf32, #tpu.memory_space<vmem>>) offsets(%arg9 : memref<128xi32, #tpu.memory_space<vmem>>) semaphore(%arg18 : memref<!tpu.dma_semaphore, #tpu.memory_space<semaphore_mem>>)
      } else {
      }
    }
    %scan3A_214 = arith.constant 39 : i32
    %dma_start3A_215 = arith.constant 0 : i32
    %dma_start3A_216 = arith.constant 0 : i32
    %dma_start3A_217 = tpu.memref_slice %arg14[%dma_start3A_215, %dma_start3A_216] : memref<128x128xf32, #tpu.memory_space<vmem>> -> memref<16x128xf32, #tpu.memory_space<vmem>>
    %dma_start3A_218 = arith.constant 0 : i32
    %dma_start3A_219 = arith.constant 0 : i32
    %dma_start3A_220 = tpu.memref_slice %arg3[%dma_start3A_218, %dma_start3A_219] : memref<10000x128xf32, #tpu.memory_space<hbm>> -> memref<10000x128xf32, #tpu.memory_space<hbm>>
    tpu.enqueue_indirect_dma source(%dma_start3A_220 : memref<10000x128xf32, #tpu.memory_space<hbm>>) target(%dma_start3A_217 : memref<16x128xf32, #tpu.memory_space<vmem>>) offsets(%arg12 : memref<16xi32, #tpu.memory_space<vmem>>) semaphore(%arg17 : memref<!tpu.dma_semaphore, #tpu.memory_space<semaphore_mem>>)
    %dma_wait3A_221 = arith.constant 0 : i32
    %dma_wait3A_222 = arith.constant 0 : i32
    %dma_wait3A_223 = tpu.memref_slice %arg14[%dma_wait3A_221, %dma_wait3A_222] : memref<128x128xf32, #tpu.memory_space<vmem>> -> memref<16x128xf32, #tpu.memory_space<vmem>>
    %dma_wait3A_224 = arith.constant 0 : i32
    %dma_wait3A_225 = arith.constant 0 : i32
    %dma_wait3A_226 = tpu.memref_slice %arg3[%dma_wait3A_224, %dma_wait3A_225] : memref<10000x128xf32, #tpu.memory_space<hbm>> -> memref<16x128xf32, #tpu.memory_space<hbm>>
    %dma_wait3A_227 = arith.constant 0 : i32
    %dma_wait3A_228 = arith.constant 0 : i32
    %dma_wait3A_229 = tpu.memref_slice %arg14[%dma_wait3A_227, %dma_wait3A_228] : memref<128x128xf32, #tpu.memory_space<vmem>> -> memref<16x128xf32, #tpu.memory_space<vmem>>
    %dma_wait3A_230 = arith.constant 0 : i32
    %dma_wait3A_231 = arith.constant 0 : i32
    %dma_wait3A_232 = tpu.memref_slice %arg3[%dma_wait3A_230, %dma_wait3A_231] : memref<10000x128xf32, #tpu.memory_space<hbm>> -> memref<16x128xf32, #tpu.memory_space<hbm>>
    tpu.wait_dma2 semaphore(%arg17 : memref<!tpu.dma_semaphore, #tpu.memory_space<semaphore_mem>>) src(%dma_wait3A_232 : memref<16x128xf32, #tpu.memory_space<hbm>>) dst(%dma_wait3A_229 : memref<16x128xf32, #tpu.memory_space<vmem>>)
    "tpu.region"() ({
      %run_scoped3A = tpu.sem_alloc : memref<!tpu.dma_semaphore, #tpu.memory_space<semaphore_mem>>
      %dma_start3A_309 = arith.constant 0 : i32
      %dma_start3A_310 = arith.constant 0 : i32
      %dma_start3A_311 = tpu.memref_slice %arg14[%dma_start3A_309, %dma_start3A_310] : memref<128x128xf32, #tpu.memory_space<vmem>> -> memref<16x128xf32, #tpu.memory_space<vmem>>
      %dma_start3A_312 = arith.constant 0 : i32
      %dma_start3A_313 = arith.constant 0 : i32
      %dma_start3A_314 = tpu.memref_slice %arg16[%dma_start3A_312, %dma_start3A_313] : memref<10240x128xf32, #tpu.memory_space<vmem_shared>> -> memref<10240x128xf32, #tpu.memory_space<vmem_shared>>
      tpu.enqueue_indirect_dma source(%dma_start3A_311 : memref<16x128xf32, #tpu.memory_space<vmem>>) target(%dma_start3A_314 : memref<10240x128xf32, #tpu.memory_space<vmem_shared>>) offsets(%arg13 : memref<16xi32, #tpu.memory_space<vmem>>) semaphore(%run_scoped3A : memref<!tpu.dma_semaphore, #tpu.memory_space<semaphore_mem>>) {add = true}
      %dma_wait3A_315 = arith.constant 0 : i32
      %dma_wait3A_316 = arith.constant 0 : i32
      %dma_wait3A_317 = tpu.memref_slice %arg14[%dma_wait3A_315, %dma_wait3A_316] : memref<128x128xf32, #tpu.memory_space<vmem>> -> memref<16x128xf32, #tpu.memory_space<vmem>>
      %dma_wait3A_318 = arith.constant 0 : i32
      %dma_wait3A_319 = arith.constant 0 : i32
      %dma_wait3A_320 = tpu.memref_slice %arg16[%dma_wait3A_318, %dma_wait3A_319] : memref<10240x128xf32, #tpu.memory_space<vmem_shared>> -> memref<10240x128xf32, #tpu.memory_space<vmem_shared>>
      tpu.wait_indirect_dma semaphore(%run_scoped3A : memref<!tpu.dma_semaphore, #tpu.memory_space<semaphore_mem>>) src(%dma_wait3A_317 : memref<16x128xf32, #tpu.memory_space<vmem>>) dst(%dma_wait3A_320 : memref<10240x128xf32, #tpu.memory_space<vmem_shared>>)
      tpu.yield
    }) : () -> ()
    %barrier3A_233 = arith.constant 0 : index
    tpu.barrier barrier_id(%barrier3A_233)
    %add3A_234 = arith.constant 0 : i32
    %add3A_235 = arith.addi %multiple_of3A_13, %add3A_234 : i32
    %mul3A_236 = arith.constant 10240 : i32
    %mul3A_237 = arith.muli %arg0, %mul3A_236 : i32
    %add3A_238 = arith.addi %mul3A_237, %multiple_of3A_13 : i32
    %add3A_239 = arith.constant 0 : i32
    %add3A_240 = arith.addi %add3A_238, %add3A_239 : i32
    %dma_start3A_241 = arith.constant 0 : i32
    %dma_start3A_242 = tpu.memref_slice %arg6[%add3A_240, %dma_start3A_241] : memref<20480x128xf32, #tpu.memory_space<hbm>> -> memref<128x128xf32, #tpu.memory_space<hbm>>
    %dma_start3A_243 = arith.constant 0 : i32
    %dma_start3A_244 = tpu.memref_slice %arg16[%add3A_235, %dma_start3A_243] : memref<10240x128xf32, #tpu.memory_space<vmem_shared>> -> memref<128x128xf32, #tpu.memory_space<vmem_shared>>
    tpu.enqueue_dma source(%dma_start3A_244 : memref<128x128xf32, #tpu.memory_space<vmem_shared>>) target(%dma_start3A_242 : memref<128x128xf32, #tpu.memory_space<hbm>>) target_semaphore(%arg18 : memref<!tpu.dma_semaphore, #tpu.memory_space<semaphore_mem>>)
    %add3A_245 = arith.constant 128 : i32
    %add3A_246 = arith.addi %multiple_of3A_13, %add3A_245 : i32
    %mul3A_247 = arith.constant 10240 : i32
    %mul3A_248 = arith.muli %arg0, %mul3A_247 : i32
    %add3A_249 = arith.addi %mul3A_248, %multiple_of3A_13 : i32
    %add3A_250 = arith.constant 128 : i32
    %add3A_251 = arith.addi %add3A_249, %add3A_250 : i32
    %dma_start3A_252 = arith.constant 0 : i32
    %dma_start3A_253 = tpu.memref_slice %arg6[%add3A_251, %dma_start3A_252] : memref<20480x128xf32, #tpu.memory_space<hbm>> -> memref<128x128xf32, #tpu.memory_space<hbm>>
    %dma_start3A_254 = arith.constant 0 : i32
    %dma_start3A_255 = tpu.memref_slice %arg16[%add3A_246, %dma_start3A_254] : memref<10240x128xf32, #tpu.memory_space<vmem_shared>> -> memref<128x128xf32, #tpu.memory_space<vmem_shared>>
    tpu.enqueue_dma source(%dma_start3A_255 : memref<128x128xf32, #tpu.memory_space<vmem_shared>>) target(%dma_start3A_253 : memref<128x128xf32, #tpu.memory_space<hbm>>) target_semaphore(%arg18 : memref<!tpu.dma_semaphore, #tpu.memory_space<semaphore_mem>>)
    %add3A_256 = arith.constant 256 : i32
    %add3A_257 = arith.addi %multiple_of3A_13, %add3A_256 : i32
    %mul3A_258 = arith.constant 10240 : i32
    %mul3A_259 = arith.muli %arg0, %mul3A_258 : i32
    %add3A_260 = arith.addi %mul3A_259, %multiple_of3A_13 : i32
    %add3A_261 = arith.constant 256 : i32
    %add3A_262 = arith.addi %add3A_260, %add3A_261 : i32
    %dma_start3A_263 = arith.constant 0 : i32
    %dma_start3A_264 = tpu.memref_slice %arg6[%add3A_262, %dma_start3A_263] : memref<20480x128xf32, #tpu.memory_space<hbm>> -> memref<128x128xf32, #tpu.memory_space<hbm>>
    %dma_start3A_265 = arith.constant 0 : i32
    %dma_start3A_266 = tpu.memref_slice %arg16[%add3A_257, %dma_start3A_265] : memref<10240x128xf32, #tpu.memory_space<vmem_shared>> -> memref<128x128xf32, #tpu.memory_space<vmem_shared>>
    tpu.enqueue_dma source(%dma_start3A_266 : memref<128x128xf32, #tpu.memory_space<vmem_shared>>) target(%dma_start3A_264 : memref<128x128xf32, #tpu.memory_space<hbm>>) target_semaphore(%arg18 : memref<!tpu.dma_semaphore, #tpu.memory_space<semaphore_mem>>)
    %add3A_267 = arith.constant 384 : i32
    %add3A_268 = arith.addi %multiple_of3A_13, %add3A_267 : i32
    %mul3A_269 = arith.constant 10240 : i32
    %mul3A_270 = arith.muli %arg0, %mul3A_269 : i32
    %add3A_271 = arith.addi %mul3A_270, %multiple_of3A_13 : i32
    %add3A_272 = arith.constant 384 : i32
    %add3A_273 = arith.addi %add3A_271, %add3A_272 : i32
    %dma_start3A_274 = arith.constant 0 : i32
    %dma_start3A_275 = tpu.memref_slice %arg6[%add3A_273, %dma_start3A_274] : memref<20480x128xf32, #tpu.memory_space<hbm>> -> memref<128x128xf32, #tpu.memory_space<hbm>>
    %dma_start3A_276 = arith.constant 0 : i32
    %dma_start3A_277 = tpu.memref_slice %arg16[%add3A_268, %dma_start3A_276] : memref<10240x128xf32, #tpu.memory_space<vmem_shared>> -> memref<128x128xf32, #tpu.memory_space<vmem_shared>>
    tpu.enqueue_dma source(%dma_start3A_277 : memref<128x128xf32, #tpu.memory_space<vmem_shared>>) target(%dma_start3A_275 : memref<128x128xf32, #tpu.memory_space<hbm>>) target_semaphore(%arg18 : memref<!tpu.dma_semaphore, #tpu.memory_space<semaphore_mem>>)
    %add3A_278 = arith.constant 512 : i32
    %add3A_279 = arith.addi %multiple_of3A_13, %add3A_278 : i32
    %mul3A_280 = arith.constant 10240 : i32
    %mul3A_281 = arith.muli %arg0, %mul3A_280 : i32
    %add3A_282 = arith.addi %mul3A_281, %multiple_of3A_13 : i32
    %add3A_283 = arith.constant 512 : i32
    %add3A_284 = arith.addi %add3A_282, %add3A_283 : i32
    %dma_start3A_285 = arith.constant 0 : i32
    %dma_start3A_286 = tpu.memref_slice %arg6[%add3A_284, %dma_start3A_285] : memref<20480x128xf32, #tpu.memory_space<hbm>> -> memref<128x128xf32, #tpu.memory_space<hbm>>
    %dma_start3A_287 = arith.constant 0 : i32
    %dma_start3A_288 = tpu.memref_slice %arg16[%add3A_279, %dma_start3A_287] : memref<10240x128xf32, #tpu.memory_space<vmem_shared>> -> memref<128x128xf32, #tpu.memory_space<vmem_shared>>
    tpu.enqueue_dma source(%dma_start3A_288 : memref<128x128xf32, #tpu.memory_space<vmem_shared>>) target(%dma_start3A_286 : memref<128x128xf32, #tpu.memory_space<hbm>>) target_semaphore(%arg18 : memref<!tpu.dma_semaphore, #tpu.memory_space<semaphore_mem>>)
    %dma_wait3A_289 = arith.constant 0 : i32
    %dma_wait3A_290 = tpu.memref_slice %arg6[%add3A_240, %dma_wait3A_289] : memref<20480x128xf32, #tpu.memory_space<hbm>> -> memref<128x128xf32, #tpu.memory_space<hbm>>
    %dma_wait3A_291 = arith.constant 0 : i32
    %dma_wait3A_292 = tpu.memref_slice %arg16[%add3A_235, %dma_wait3A_291] : memref<10240x128xf32, #tpu.memory_space<vmem_shared>> -> memref<128x128xf32, #tpu.memory_space<vmem_shared>>
    tpu.wait_dma2 semaphore(%arg18 : memref<!tpu.dma_semaphore, #tpu.memory_space<semaphore_mem>>) src(%dma_wait3A_292 : memref<128x128xf32, #tpu.memory_space<vmem_shared>>) dst(%dma_wait3A_290 : memref<128x128xf32, #tpu.memory_space<hbm>>)
    %dma_wait3A_293 = arith.constant 0 : i32
    %dma_wait3A_294 = tpu.memref_slice %arg6[%add3A_251, %dma_wait3A_293] : memref<20480x128xf32, #tpu.memory_space<hbm>> -> memref<128x128xf32, #tpu.memory_space<hbm>>
    %dma_wait3A_295 = arith.constant 0 : i32
    %dma_wait3A_296 = tpu.memref_slice %arg16[%add3A_246, %dma_wait3A_295] : memref<10240x128xf32, #tpu.memory_space<vmem_shared>> -> memref<128x128xf32, #tpu.memory_space<vmem_shared>>
    tpu.wait_dma2 semaphore(%arg18 : memref<!tpu.dma_semaphore, #tpu.memory_space<semaphore_mem>>) src(%dma_wait3A_296 : memref<128x128xf32, #tpu.memory_space<vmem_shared>>) dst(%dma_wait3A_294 : memref<128x128xf32, #tpu.memory_space<hbm>>)
    %dma_wait3A_297 = arith.constant 0 : i32
    %dma_wait3A_298 = tpu.memref_slice %arg6[%add3A_262, %dma_wait3A_297] : memref<20480x128xf32, #tpu.memory_space<hbm>> -> memref<128x128xf32, #tpu.memory_space<hbm>>
    %dma_wait3A_299 = arith.constant 0 : i32
    %dma_wait3A_300 = tpu.memref_slice %arg16[%add3A_257, %dma_wait3A_299] : memref<10240x128xf32, #tpu.memory_space<vmem_shared>> -> memref<128x128xf32, #tpu.memory_space<vmem_shared>>
    tpu.wait_dma2 semaphore(%arg18 : memref<!tpu.dma_semaphore, #tpu.memory_space<semaphore_mem>>) src(%dma_wait3A_300 : memref<128x128xf32, #tpu.memory_space<vmem_shared>>) dst(%dma_wait3A_298 : memref<128x128xf32, #tpu.memory_space<hbm>>)
    %dma_wait3A_301 = arith.constant 0 : i32
    %dma_wait3A_302 = tpu.memref_slice %arg6[%add3A_273, %dma_wait3A_301] : memref<20480x128xf32, #tpu.memory_space<hbm>> -> memref<128x128xf32, #tpu.memory_space<hbm>>
    %dma_wait3A_303 = arith.constant 0 : i32
    %dma_wait3A_304 = tpu.memref_slice %arg16[%add3A_268, %dma_wait3A_303] : memref<10240x128xf32, #tpu.memory_space<vmem_shared>> -> memref<128x128xf32, #tpu.memory_space<vmem_shared>>
    tpu.wait_dma2 semaphore(%arg18 : memref<!tpu.dma_semaphore, #tpu.memory_space<semaphore_mem>>) src(%dma_wait3A_304 : memref<128x128xf32, #tpu.memory_space<vmem_shared>>) dst(%dma_wait3A_302 : memref<128x128xf32, #tpu.memory_space<hbm>>)
    %dma_wait3A_305 = arith.constant 0 : i32
    %dma_wait3A_306 = tpu.memref_slice %arg6[%add3A_284, %dma_wait3A_305] : memref<20480x128xf32, #tpu.memory_space<hbm>> -> memref<128x128xf32, #tpu.memory_space<hbm>>
    %dma_wait3A_307 = arith.constant 0 : i32
    %dma_wait3A_308 = tpu.memref_slice %arg16[%add3A_279, %dma_wait3A_307] : memref<10240x128xf32, #tpu.memory_space<vmem_shared>> -> memref<128x128xf32, #tpu.memory_space<vmem_shared>>
    tpu.wait_dma2 semaphore(%arg18 : memref<!tpu.dma_semaphore, #tpu.memory_space<semaphore_mem>>) src(%dma_wait3A_308 : memref<128x128xf32, #tpu.memory_space<vmem_shared>>) dst(%dma_wait3A_306 : memref<128x128xf32, #tpu.memory_space<hbm>>)
    return
  }
}

#map = affine_map<(d0, d1) -> (0, 0, 0)>
#map1 = affine_map<(d0, d1) -> (0, 0)>
#map2 = affine_map<(d0, d1) -> (0)>
module attributes {stable_mosaic.version = 14 : i64} {
  func.func @body(%arg0: i32, %arg1: i32, %arg2: memref<32x78x128xi32, #tpu.memory_space<hbm>>, %arg3: memref<10000x128xf32, #tpu.memory_space<hbm>>, %arg4: memref<320000xi32, #tpu.memory_space<hbm>>, %arg5: memref<320000xi32, #tpu.memory_space<hbm>>, %arg6: memref<20480x128xf32, #tpu.memory_space<hbm>>, %arg7: memref<78x128xi32, #tpu.memory_space<vmem>>, %arg8: memref<128xi32, #tpu.memory_space<vmem>>, %arg9: memref<128xi32, #tpu.memory_space<vmem>>, %arg10: memref<128xi32, #tpu.memory_space<vmem>>, %arg11: memref<128xi32, #tpu.memory_space<vmem>>, %arg12: memref<16xi32, #tpu.memory_space<vmem>>, %arg13: memref<16xi32, #tpu.memory_space<vmem>>, %arg14: memref<128x128xf32, #tpu.memory_space<vmem>>, %arg15: memref<128x128xf32, #tpu.memory_space<vmem>>, %arg16: memref<10240x128xf32, #tpu.memory_space<vmem_shared>>, %arg17: memref<!tpu.dma_semaphore, #tpu.memory_space<semaphore_mem>>, %arg18: memref<!tpu.dma_semaphore, #tpu.memory_space<semaphore_mem>>, %arg19: memref<!tpu.dma_semaphore, #tpu.memory_space<semaphore_mem>>, %arg20: memref<!tpu.dma_semaphore, #tpu.memory_space<semaphore_mem>>) attributes {dimension_semantics = [#tpu.dimension_semantics<core_parallel>, #tpu.dimension_semantics<subcore_parallel>], iteration_bounds = array<i64: 2, 16>, scalar_prefetch = 0 : i64, scratch_operands = 14 : i64, tpu.core_type = #tpu.core_type<sc_vector_subcore>, window_params = [{transform_indices = #map}, {transform_indices = #map1}, {transform_indices = #map2}, {transform_indices = #map2}, {transform_indices = #map1}]} {
    %mul3A = arith.constant 2 : i32
    %mul3A_0 = arith.muli %arg1, %mul3A : i32
    %add3A = arith.addi %mul3A_0, %arg0 : i32
    "tpu.region"() ({
      %run_scoped3A = tpu.sem_alloc : memref<!tpu.dma_semaphore, #tpu.memory_space<semaphore_mem>>
      %dma_start3A_309 = arith.constant 0 : i32
      %dma_start3A_310 = arith.constant 0 : i32
      %dma_start3A_311 = tpu.memref_slice %arg2[%add3A, %dma_start3A_309, %dma_start3A_310] : memref<32x78x128xi32, #tpu.memory_space<hbm>> -> memref<1x78x128xi32, #tpu.memory_space<hbm>>
      %dma_start3A_312 = tpu.memref_squeeze %dma_start3A_311 : memref<1x78x128xi32, #tpu.memory_space<hbm>> -> memref<78x128xi32, #tpu.memory_space<hbm>>
      %dma_start3A_313 = arith.constant 0 : i32
      %dma_start3A_314 = arith.constant 0 : i32
      %dma_start3A_315 = tpu.memref_slice %arg2[%add3A, %dma_start3A_313, %dma_start3A_314] : memref<32x78x128xi32, #tpu.memory_space<hbm>> -> memref<1x78x128xi32, #tpu.memory_space<hbm>>
      %dma_start3A_316 = tpu.memref_squeeze %dma_start3A_315 : memref<1x78x128xi32, #tpu.memory_space<hbm>> -> memref<78x128xi32, #tpu.memory_space<hbm>>
      tpu.enqueue_dma source(%dma_start3A_316 : memref<78x128xi32, #tpu.memory_space<hbm>>) target(%arg7 : memref<78x128xi32, #tpu.memory_space<vmem>>) target_semaphore(%run_scoped3A : memref<!tpu.dma_semaphore, #tpu.memory_space<semaphore_mem>>)
      %dma_wait3A_317 = arith.constant 0 : i32
      %dma_wait3A_318 = arith.constant 0 : i32
      %dma_wait3A_319 = tpu.memref_slice %arg2[%add3A, %dma_wait3A_317, %dma_wait3A_318] : memref<32x78x128xi32, #tpu.memory_space<hbm>> -> memref<1x78x128xi32, #tpu.memory_space<hbm>>
      %dma_wait3A_320 = tpu.memref_squeeze %dma_wait3A_319 : memref<1x78x128xi32, #tpu.memory_space<hbm>> -> memref<78x128xi32, #tpu.memory_space<hbm>>
      %dma_wait3A_321 = arith.constant 0 : i32
      %dma_wait3A_322 = arith.constant 0 : i32
      %dma_wait3A_323 = tpu.memref_slice %arg2[%add3A, %dma_wait3A_321, %dma_wait3A_322] : memref<32x78x128xi32, #tpu.memory_space<hbm>> -> memref<1x78x128xi32, #tpu.memory_space<hbm>>
      %dma_wait3A_324 = tpu.memref_squeeze %dma_wait3A_323 : memref<1x78x128xi32, #tpu.memory_space<hbm>> -> memref<78x128xi32, #tpu.memory_space<hbm>>
      tpu.wait_dma2 semaphore(%run_scoped3A : memref<!tpu.dma_semaphore, #tpu.memory_space<semaphore_mem>>) src(%dma_wait3A_324 : memref<78x128xi32, #tpu.memory_space<hbm>>) dst(%arg7 : memref<78x128xi32, #tpu.memory_space<vmem>>)
      tpu.yield
    }) : () -> ()
    %mul3A_1 = arith.constant 16 : i32
    %mul3A_2 = arith.muli %add3A, %mul3A_1 : i32
    %add3A_3 = arith.constant 319488 : i32
    %add3A_4 = arith.addi %add3A_3, %mul3A_2 : i32
    %multiple_of3A = tpu.assume_multiple %add3A_4, 16 : i32
    "tpu.region"() ({
      %run_scoped3A = tpu.sem_alloc : memref<!tpu.dma_semaphore, #tpu.memory_space<semaphore_mem>>
      %dma_start3A_309 = tpu.memref_slice %arg4[%multiple_of3A] : memref<320000xi32, #tpu.memory_space<hbm>> -> memref<16xi32, #tpu.memory_space<hbm>>
      %dma_start3A_310 = tpu.memref_slice %arg4[%multiple_of3A] : memref<320000xi32, #tpu.memory_space<hbm>> -> memref<16xi32, #tpu.memory_space<hbm>>
      tpu.enqueue_dma source(%dma_start3A_310 : memref<16xi32, #tpu.memory_space<hbm>>) target(%arg12 : memref<16xi32, #tpu.memory_space<vmem>>) target_semaphore(%run_scoped3A : memref<!tpu.dma_semaphore, #tpu.memory_space<semaphore_mem>>)
      %dma_wait3A_311 = tpu.memref_slice %arg4[%multiple_of3A] : memref<320000xi32, #tpu.memory_space<hbm>> -> memref<16xi32, #tpu.memory_space<hbm>>
      %dma_wait3A_312 = tpu.memref_slice %arg4[%multiple_of3A] : memref<320000xi32, #tpu.memory_space<hbm>> -> memref<16xi32, #tpu.memory_space<hbm>>
      tpu.wait_dma2 semaphore(%run_scoped3A : memref<!tpu.dma_semaphore, #tpu.memory_space<semaphore_mem>>) src(%dma_wait3A_312 : memref<16xi32, #tpu.memory_space<hbm>>) dst(%arg12 : memref<16xi32, #tpu.memory_space<vmem>>)
      tpu.yield
    }) : () -> ()
    "tpu.region"() ({
      %run_scoped3A = tpu.sem_alloc : memref<!tpu.dma_semaphore, #tpu.memory_space<semaphore_mem>>
      %dma_start3A_309 = tpu.memref_slice %arg5[%multiple_of3A] : memref<320000xi32, #tpu.memory_space<hbm>> -> memref<16xi32, #tpu.memory_space<hbm>>
      %dma_start3A_310 = tpu.memref_slice %arg5[%multiple_of3A] : memref<320000xi32, #tpu.memory_space<hbm>> -> memref<16xi32, #tpu.memory_space<hbm>>
      tpu.enqueue_dma source(%dma_start3A_310 : memref<16xi32, #tpu.memory_space<hbm>>) target(%arg13 : memref<16xi32, #tpu.memory_space<vmem>>) target_semaphore(%run_scoped3A : memref<!tpu.dma_semaphore, #tpu.memory_space<semaphore_mem>>)
      %dma_wait3A_311 = tpu.memref_slice %arg5[%multiple_of3A] : memref<320000xi32, #tpu.memory_space<hbm>> -> memref<16xi32, #tpu.memory_space<hbm>>
      %dma_wait3A_312 = tpu.memref_slice %arg5[%multiple_of3A] : memref<320000xi32, #tpu.memory_space<hbm>> -> memref<16xi32, #tpu.memory_space<hbm>>
      tpu.wait_dma2 semaphore(%run_scoped3A : memref<!tpu.dma_semaphore, #tpu.memory_space<semaphore_mem>>) src(%dma_wait3A_312 : memref<16xi32, #tpu.memory_space<hbm>>) dst(%arg13 : memref<16xi32, #tpu.memory_space<vmem>>)
      tpu.yield
    }) : () -> ()
    %broadcast_in_dim3A = arith.constant 0.000000e+00 : f32
    %broadcast_in_dim3A_5 = vector.broadcast %broadcast_in_dim3A : f32 to vector<16xf32>
    %scan3A = arith.constant 0 : i32
    %scan3A_6 = arith.constant 0 : i32
    %scan3A_7 = arith.constant 128 : i32
    %scan3A_8 = arith.addi %scan3A_6, %scan3A_7 : i32
    %scan3A_9 = arith.constant 1 : i32
    scf.for %scan3A_309 = %scan3A_6 to %scan3A_8 step %scan3A_9  : i32 {
      %swap3A_310 = arith.index_cast %scan3A_309 : i32 to index
      %swap3A_311 = arith.constant 0 : index
      %swap3A_312 = tpu.vector_load %arg14[%swap3A_310, %swap3A_311] {strides = array<i32>} : memref<128x128xf32, #tpu.memory_space<vmem>>, vector<16xf32>,
      tpu.vector_store %arg14[%swap3A_310, %swap3A_311], %broadcast_in_dim3A_5 {strides = array<i32>} : memref<128x128xf32, #tpu.memory_space<vmem>>, vector<16xf32>,
      %swap3A_313 = arith.index_cast %scan3A_309 : i32 to index
      %swap3A_314 = arith.constant 16 : index
      %swap3A_315 = tpu.vector_load %arg14[%swap3A_313, %swap3A_314] {strides = array<i32>} : memref<128x128xf32, #tpu.memory_space<vmem>>, vector<16xf32>,
      tpu.vector_store %arg14[%swap3A_313, %swap3A_314], %broadcast_in_dim3A_5 {strides = array<i32>} : memref<128x128xf32, #tpu.memory_space<vmem>>, vector<16xf32>,
      %swap3A_316 = arith.index_cast %scan3A_309 : i32 to index
      %swap3A_317 = arith.constant 32 : index
      %swap3A_318 = tpu.vector_load %arg14[%swap3A_316, %swap3A_317] {strides = array<i32>} : memref<128x128xf32, #tpu.memory_space<vmem>>, vector<16xf32>,
      tpu.vector_store %arg14[%swap3A_316, %swap3A_317], %broadcast_in_dim3A_5 {strides = array<i32>} : memref<128x128xf32, #tpu.memory_space<vmem>>, vector<16xf32>,
      %swap3A_319 = arith.index_cast %scan3A_309 : i32 to index
      %swap3A_320 = arith.constant 48 : index
      %swap3A_321 = tpu.vector_load %arg14[%swap3A_319, %swap3A_320] {strides = array<i32>} : memref<128x128xf32, #tpu.memory_space<vmem>>, vector<16xf32>,
      tpu.vector_store %arg14[%swap3A_319, %swap3A_320], %broadcast_in_dim3A_5 {strides = array<i32>} : memref<128x128xf32, #tpu.memory_space<vmem>>, vector<16xf32>,
      %swap3A_322 = arith.index_cast %scan3A_309 : i32 to index
      %swap3A_323 = arith.constant 64 : index
      %swap3A_324 = tpu.vector_load %arg14[%swap3A_322, %swap3A_323] {strides = array<i32>} : memref<128x128xf32, #tpu.memory_space<vmem>>, vector<16xf32>,
      tpu.vector_store %arg14[%swap3A_322, %swap3A_323], %broadcast_in_dim3A_5 {strides = array<i32>} : memref<128x128xf32, #tpu.memory_space<vmem>>, vector<16xf32>,
      %swap3A_325 = arith.index_cast %scan3A_309 : i32 to index
      %swap3A_326 = arith.constant 80 : index
      %swap3A_327 = tpu.vector_load %arg14[%swap3A_325, %swap3A_326] {strides = array<i32>} : memref<128x128xf32, #tpu.memory_space<vmem>>, vector<16xf32>,
      tpu.vector_store %arg14[%swap3A_325, %swap3A_326], %broadcast_in_dim3A_5 {strides = array<i32>} : memref<128x128xf32, #tpu.memory_space<vmem>>, vector<16xf32>,
      %swap3A_328 = arith.index_cast %scan3A_309 : i32 to index
      %swap3A_329 = arith.constant 96 : index
      %swap3A_330 = tpu.vector_load %arg14[%swap3A_328, %swap3A_329] {strides = array<i32>} : memref<128x128xf32, #tpu.memory_space<vmem>>, vector<16xf32>,
      tpu.vector_store %arg14[%swap3A_328, %swap3A_329], %broadcast_in_dim3A_5 {strides = array<i32>} : memref<128x128xf32, #tpu.memory_space<vmem>>, vector<16xf32>,
      %swap3A_331 = arith.index_cast %scan3A_309 : i32 to index
      %swap3A_332 = arith.constant 112 : index
      %swap3A_333 = tpu.vector_load %arg14[%swap3A_331, %swap3A_332] {strides = array<i32>} : memref<128x128xf32, #tpu.memory_space<vmem>>, vector<16xf32>,
      tpu.vector_store %arg14[%swap3A_331, %swap3A_332], %broadcast_in_dim3A_5 {strides = array<i32>} : memref<128x128xf32, #tpu.memory_space<vmem>>, vector<16xf32>,
    }
    %scan3A_10 = arith.constant 128 : i32
    %mul3A_11 = arith.constant 640 : i32
    %mul3A_12 = arith.muli %arg1, %mul3A_11 : i32
    %multiple_of3A_13 = tpu.assume_multiple %mul3A_12, 640 : i32
    %add3A_14 = arith.constant 0 : i32
    %add3A_15 = arith.addi %multiple_of3A_13, %add3A_14 : i32
    %dma_start3A = arith.constant 0 : i32
    %dma_start3A_16 = tpu.memref_slice %arg16[%add3A_15, %dma_start3A] : memref<10240x128xf32, #tpu.memory_space<vmem_shared>> -> memref<128x128xf32, #tpu.memory_space<vmem_shared>>
    %dma_start3A_17 = arith.constant 0 : i32
    %dma_start3A_18 = tpu.memref_slice %arg16[%add3A_15, %dma_start3A_17] : memref<10240x128xf32, #tpu.memory_space<vmem_shared>> -> memref<128x128xf32, #tpu.memory_space<vmem_shared>>
    tpu.enqueue_dma source(%arg14 : memref<128x128xf32, #tpu.memory_space<vmem>>) target(%dma_start3A_18 : memref<128x128xf32, #tpu.memory_space<vmem_shared>>) target_semaphore(%arg17 : memref<!tpu.dma_semaphore, #tpu.memory_space<semaphore_mem>>)
    %add3A_19 = arith.constant 128 : i32
    %add3A_20 = arith.addi %multiple_of3A_13, %add3A_19 : i32
    %dma_start3A_21 = arith.constant 0 : i32
    %dma_start3A_22 = tpu.memref_slice %arg16[%add3A_20, %dma_start3A_21] : memref<10240x128xf32, #tpu.memory_space<vmem_shared>> -> memref<128x128xf32, #tpu.memory_space<vmem_shared>>
    %dma_start3A_23 = arith.constant 0 : i32
    %dma_start3A_24 = tpu.memref_slice %arg16[%add3A_20, %dma_start3A_23] : memref<10240x128xf32, #tpu.memory_space<vmem_shared>> -> memref<128x128xf32, #tpu.memory_space<vmem_shared>>
    tpu.enqueue_dma source(%arg14 : memref<128x128xf32, #tpu.memory_space<vmem>>) target(%dma_start3A_24 : memref<128x128xf32, #tpu.memory_space<vmem_shared>>) target_semaphore(%arg17 : memref<!tpu.dma_semaphore, #tpu.memory_space<semaphore_mem>>)
    %add3A_25 = arith.constant 256 : i32
    %add3A_26 = arith.addi %multiple_of3A_13, %add3A_25 : i32
    %dma_start3A_27 = arith.constant 0 : i32
    %dma_start3A_28 = tpu.memref_slice %arg16[%add3A_26, %dma_start3A_27] : memref<10240x128xf32, #tpu.memory_space<vmem_shared>> -> memref<128x128xf32, #tpu.memory_space<vmem_shared>>
    %dma_start3A_29 = arith.constant 0 : i32
    %dma_start3A_30 = tpu.memref_slice %arg16[%add3A_26, %dma_start3A_29] : memref<10240x128xf32, #tpu.memory_space<vmem_shared>> -> memref<128x128xf32, #tpu.memory_space<vmem_shared>>
    tpu.enqueue_dma source(%arg14 : memref<128x128xf32, #tpu.memory_space<vmem>>) target(%dma_start3A_30 : memref<128x128xf32, #tpu.memory_space<vmem_shared>>) target_semaphore(%arg17 : memref<!tpu.dma_semaphore, #tpu.memory_space<semaphore_mem>>)
    %add3A_31 = arith.constant 384 : i32
    %add3A_32 = arith.addi %multiple_of3A_13, %add3A_31 : i32
    %dma_start3A_33 = arith.constant 0 : i32
    %dma_start3A_34 = tpu.memref_slice %arg16[%add3A_32, %dma_start3A_33] : memref<10240x128xf32, #tpu.memory_space<vmem_shared>> -> memref<128x128xf32, #tpu.memory_space<vmem_shared>>
    %dma_start3A_35 = arith.constant 0 : i32
    %dma_start3A_36 = tpu.memref_slice %arg16[%add3A_32, %dma_start3A_35] : memref<10240x128xf32, #tpu.memory_space<vmem_shared>> -> memref<128x128xf32, #tpu.memory_space<vmem_shared>>
    tpu.enqueue_dma source(%arg14 : memref<128x128xf32, #tpu.memory_space<vmem>>) target(%dma_start3A_36 : memref<128x128xf32, #tpu.memory_space<vmem_shared>>) target_semaphore(%arg17 : memref<!tpu.dma_semaphore, #tpu.memory_space<semaphore_mem>>)
    %add3A_37 = arith.constant 512 : i32
    %add3A_38 = arith.addi %multiple_of3A_13, %add3A_37 : i32
    %dma_start3A_39 = arith.constant 0 : i32
    %dma_start3A_40 = tpu.memref_slice %arg16[%add3A_38, %dma_start3A_39] : memref<10240x128xf32, #tpu.memory_space<vmem_shared>> -> memref<128x128xf32, #tpu.memory_space<vmem_shared>>
    %dma_start3A_41 = arith.constant 0 : i32
    %dma_start3A_42 = tpu.memref_slice %arg16[%add3A_38, %dma_start3A_41] : memref<10240x128xf32, #tpu.memory_space<vmem_shared>> -> memref<128x128xf32, #tpu.memory_space<vmem_shared>>
    tpu.enqueue_dma source(%arg14 : memref<128x128xf32, #tpu.memory_space<vmem>>) target(%dma_start3A_42 : memref<128x128xf32, #tpu.memory_space<vmem_shared>>) target_semaphore(%arg17 : memref<!tpu.dma_semaphore, #tpu.memory_space<semaphore_mem>>)
    %dma_wait3A = arith.constant 0 : i32
    %dma_wait3A_43 = tpu.memref_slice %arg16[%add3A_15, %dma_wait3A] : memref<10240x128xf32, #tpu.memory_space<vmem_shared>> -> memref<128x128xf32, #tpu.memory_space<vmem_shared>>
    %dma_wait3A_44 = arith.constant 0 : i32
    %dma_wait3A_45 = tpu.memref_slice %arg16[%add3A_15, %dma_wait3A_44] : memref<10240x128xf32, #tpu.memory_space<vmem_shared>> -> memref<128x128xf32, #tpu.memory_space<vmem_shared>>
    tpu.wait_dma2 semaphore(%arg17 : memref<!tpu.dma_semaphore, #tpu.memory_space<semaphore_mem>>) src(%arg14 : memref<128x128xf32, #tpu.memory_space<vmem>>) dst(%dma_wait3A_45 : memref<128x128xf32, #tpu.memory_space<vmem_shared>>)
    %dma_wait3A_46 = arith.constant 0 : i32
    %dma_wait3A_47 = tpu.memref_slice %arg16[%add3A_20, %dma_wait3A_46] : memref<10240x128xf32, #tpu.memory_space<vmem_shared>> -> memref<128x128xf32, #tpu.memory_space<vmem_shared>>
    %dma_wait3A_48 = arith.constant 0 : i32
    %dma_wait3A_49 = tpu.memref_slice %arg16[%add3A_20, %dma_wait3A_48] : memref<10240x128xf32, #tpu.memory_space<vmem_shared>> -> memref<128x128xf32, #tpu.memory_space<vmem_shared>>
    tpu.wait_dma2 semaphore(%arg17 : memref<!tpu.dma_semaphore, #tpu.memory_space<semaphore_mem>>) src(%arg14 : memref<128x128xf32, #tpu.memory_space<vmem>>) dst(%dma_wait3A_49 : memref<128x128xf32, #tpu.memory_space<vmem_shared>>)
    %dma_wait3A_50 = arith.constant 0 : i32
    %dma_wait3A_51 = tpu.memref_slice %arg16[%add3A_26, %dma_wait3A_50] : memref<10240x128xf32, #tpu.memory_space<vmem_shared>> -> memref<128x128xf32, #tpu.memory_space<vmem_shared>>
    %dma_wait3A_52 = arith.constant 0 : i32
    %dma_wait3A_53 = tpu.memref_slice %arg16[%add3A_26, %dma_wait3A_52] : memref<10240x128xf32, #tpu.memory_space<vmem_shared>> -> memref<128x128xf32, #tpu.memory_space<vmem_shared>>
    tpu.wait_dma2 semaphore(%arg17 : memref<!tpu.dma_semaphore, #tpu.memory_space<semaphore_mem>>) src(%arg14 : memref<128x128xf32, #tpu.memory_space<vmem>>) dst(%dma_wait3A_53 : memref<128x128xf32, #tpu.memory_space<vmem_shared>>)
    %dma_wait3A_54 = arith.constant 0 : i32
    %dma_wait3A_55 = tpu.memref_slice %arg16[%add3A_32, %dma_wait3A_54] : memref<10240x128xf32, #tpu.memory_space<vmem_shared>> -> memref<128x128xf32, #tpu.memory_space<vmem_shared>>
    %dma_wait3A_56 = arith.constant 0 : i32
    %dma_wait3A_57 = tpu.memref_slice %arg16[%add3A_32, %dma_wait3A_56] : memref<10240x128xf32, #tpu.memory_space<vmem_shared>> -> memref<128x128xf32, #tpu.memory_space<vmem_shared>>
    tpu.wait_dma2 semaphore(%arg17 : memref<!tpu.dma_semaphore, #tpu.memory_space<semaphore_mem>>) src(%arg14 : memref<128x128xf32, #tpu.memory_space<vmem>>) dst(%dma_wait3A_57 : memref<128x128xf32, #tpu.memory_space<vmem_shared>>)
    %dma_wait3A_58 = arith.constant 0 : i32
    %dma_wait3A_59 = tpu.memref_slice %arg16[%add3A_38, %dma_wait3A_58] : memref<10240x128xf32, #tpu.memory_space<vmem_shared>> -> memref<128x128xf32, #tpu.memory_space<vmem_shared>>
    %dma_wait3A_60 = arith.constant 0 : i32
    %dma_wait3A_61 = tpu.memref_slice %arg16[%add3A_38, %dma_wait3A_60] : memref<10240x128xf32, #tpu.memory_space<vmem_shared>> -> memref<128x128xf32, #tpu.memory_space<vmem_shared>>
    tpu.wait_dma2 semaphore(%arg17 : memref<!tpu.dma_semaphore, #tpu.memory_space<semaphore_mem>>) src(%arg14 : memref<128x128xf32, #tpu.memory_space<vmem>>) dst(%dma_wait3A_61 : memref<128x128xf32, #tpu.memory_space<vmem_shared>>)
    %barrier3A = arith.constant 0 : index
    tpu.barrier barrier_id(%barrier3A)
    %get3A = arith.constant 0 : i32
    %get3A_62 = arith.index_cast %get3A : i32 to index
    %get3A_63 = arith.constant 0 : index
    %get3A_64 = tpu.vector_load %arg7[%get3A_62, %get3A_63] {strides = array<i32>} : memref<78x128xi32, #tpu.memory_space<vmem>>, vector<16xi32>,
    %shift_right_logical3A = arith.constant 16 : i32
    %shift_right_logical3A_65 = vector.broadcast %shift_right_logical3A : i32 to vector<16xi32>
    %shift_right_logical3A_66 = arith.shrui %get3A_64, %shift_right_logical3A_65 : vector<16xi32>
    %swap3A = arith.constant 0 : index
    %swap3A_67 = tpu.vector_load %arg8[%swap3A] {strides = array<i32>} : memref<128xi32, #tpu.memory_space<vmem>>, vector<16xi32>,
    tpu.vector_store %arg8[%swap3A], %shift_right_logical3A_66 {strides = array<i32>} : memref<128xi32, #tpu.memory_space<vmem>>, vector<16xi32>,
    %get3A_68 = arith.constant 0 : i32
    %get3A_69 = arith.index_cast %get3A_68 : i32 to index
    %get3A_70 = arith.constant 16 : index
    %get3A_71 = tpu.vector_load %arg7[%get3A_69, %get3A_70] {strides = array<i32>} : memref<78x128xi32, #tpu.memory_space<vmem>>, vector<16xi32>,
    %shift_right_logical3A_72 = arith.constant 16 : i32
    %shift_right_logical3A_73 = vector.broadcast %shift_right_logical3A_72 : i32 to vector<16xi32>
    %shift_right_logical3A_74 = arith.shrui %get3A_71, %shift_right_logical3A_73 : vector<16xi32>
    %swap3A_75 = arith.constant 16 : index
    %swap3A_76 = tpu.vector_load %arg8[%swap3A_75] {strides = array<i32>} : memref<128xi32, #tpu.memory_space<vmem>>, vector<16xi32>,
    tpu.vector_store %arg8[%swap3A_75], %shift_right_logical3A_74 {strides = array<i32>} : memref<128xi32, #tpu.memory_space<vmem>>, vector<16xi32>,
    %get3A_77 = arith.constant 0 : i32
    %get3A_78 = arith.index_cast %get3A_77 : i32 to index
    %get3A_79 = arith.constant 32 : index
    %get3A_80 = tpu.vector_load %arg7[%get3A_78, %get3A_79] {strides = array<i32>} : memref<78x128xi32, #tpu.memory_space<vmem>>, vector<16xi32>,
    %shift_right_logical3A_81 = arith.constant 16 : i32
    %shift_right_logical3A_82 = vector.broadcast %shift_right_logical3A_81 : i32 to vector<16xi32>
    %shift_right_logical3A_83 = arith.shrui %get3A_80, %shift_right_logical3A_82 : vector<16xi32>
    %swap3A_84 = arith.constant 32 : index
    %swap3A_85 = tpu.vector_load %arg8[%swap3A_84] {strides = array<i32>} : memref<128xi32, #tpu.memory_space<vmem>>, vector<16xi32>,
    tpu.vector_store %arg8[%swap3A_84], %shift_right_logical3A_83 {strides = array<i32>} : memref<128xi32, #tpu.memory_space<vmem>>, vector<16xi32>,
    %get3A_86 = arith.constant 0 : i32
    %get3A_87 = arith.index_cast %get3A_86 : i32 to index
    %get3A_88 = arith.constant 48 : index
    %get3A_89 = tpu.vector_load %arg7[%get3A_87, %get3A_88] {strides = array<i32>} : memref<78x128xi32, #tpu.memory_space<vmem>>, vector<16xi32>,
    %shift_right_logical3A_90 = arith.constant 16 : i32
    %shift_right_logical3A_91 = vector.broadcast %shift_right_logical3A_90 : i32 to vector<16xi32>
    %shift_right_logical3A_92 = arith.shrui %get3A_89, %shift_right_logical3A_91 : vector<16xi32>
    %swap3A_93 = arith.constant 48 : index
    %swap3A_94 = tpu.vector_load %arg8[%swap3A_93] {strides = array<i32>} : memref<128xi32, #tpu.memory_space<vmem>>, vector<16xi32>,
    tpu.vector_store %arg8[%swap3A_93], %shift_right_logical3A_92 {strides = array<i32>} : memref<128xi32, #tpu.memory_space<vmem>>, vector<16xi32>,
    %get3A_95 = arith.constant 0 : i32
    %get3A_96 = arith.index_cast %get3A_95 : i32 to index
    %get3A_97 = arith.constant 64 : index
    %get3A_98 = tpu.vector_load %arg7[%get3A_96, %get3A_97] {strides = array<i32>} : memref<78x128xi32, #tpu.memory_space<vmem>>, vector<16xi32>,
    %shift_right_logical3A_99 = arith.constant 16 : i32
    %shift_right_logical3A_100 = vector.broadcast %shift_right_logical3A_99 : i32 to vector<16xi32>
    %shift_right_logical3A_101 = arith.shrui %get3A_98, %shift_right_logical3A_100 : vector<16xi32>
    %swap3A_102 = arith.constant 64 : index
    %swap3A_103 = tpu.vector_load %arg8[%swap3A_102] {strides = array<i32>} : memref<128xi32, #tpu.memory_space<vmem>>, vector<16xi32>,
    tpu.vector_store %arg8[%swap3A_102], %shift_right_logical3A_101 {strides = array<i32>} : memref<128xi32, #tpu.memory_space<vmem>>, vector<16xi32>,
    %get3A_104 = arith.constant 0 : i32
    %get3A_105 = arith.index_cast %get3A_104 : i32 to index
    %get3A_106 = arith.constant 80 : index
    %get3A_107 = tpu.vector_load %arg7[%get3A_105, %get3A_106] {strides = array<i32>} : memref<78x128xi32, #tpu.memory_space<vmem>>, vector<16xi32>,
    %shift_right_logical3A_108 = arith.constant 16 : i32
    %shift_right_logical3A_109 = vector.broadcast %shift_right_logical3A_108 : i32 to vector<16xi32>
    %shift_right_logical3A_110 = arith.shrui %get3A_107, %shift_right_logical3A_109 : vector<16xi32>
    %swap3A_111 = arith.constant 80 : index
    %swap3A_112 = tpu.vector_load %arg8[%swap3A_111] {strides = array<i32>} : memref<128xi32, #tpu.memory_space<vmem>>, vector<16xi32>,
    tpu.vector_store %arg8[%swap3A_111], %shift_right_logical3A_110 {strides = array<i32>} : memref<128xi32, #tpu.memory_space<vmem>>, vector<16xi32>,
    %get3A_113 = arith.constant 0 : i32
    %get3A_114 = arith.index_cast %get3A_113 : i32 to index
    %get3A_115 = arith.constant 96 : index
    %get3A_116 = tpu.vector_load %arg7[%get3A_114, %get3A_115] {strides = array<i32>} : memref<78x128xi32, #tpu.memory_space<vmem>>, vector<16xi32>,
    %shift_right_logical3A_117 = arith.constant 16 : i32
    %shift_right_logical3A_118 = vector.broadcast %shift_right_logical3A_117 : i32 to vector<16xi32>
    %shift_right_logical3A_119 = arith.shrui %get3A_116, %shift_right_logical3A_118 : vector<16xi32>
    %swap3A_120 = arith.constant 96 : index
    %swap3A_121 = tpu.vector_load %arg8[%swap3A_120] {strides = array<i32>} : memref<128xi32, #tpu.memory_space<vmem>>, vector<16xi32>,
    tpu.vector_store %arg8[%swap3A_120], %shift_right_logical3A_119 {strides = array<i32>} : memref<128xi32, #tpu.memory_space<vmem>>, vector<16xi32>,
    %get3A_122 = arith.constant 0 : i32
    %get3A_123 = arith.index_cast %get3A_122 : i32 to index
    %get3A_124 = arith.constant 112 : index
    %get3A_125 = tpu.vector_load %arg7[%get3A_123, %get3A_124] {strides = array<i32>} : memref<78x128xi32, #tpu.memory_space<vmem>>, vector<16xi32>,
    %shift_right_logical3A_126 = arith.constant 16 : i32
    %shift_right_logical3A_127 = vector.broadcast %shift_right_logical3A_126 : i32 to vector<16xi32>
    %shift_right_logical3A_128 = arith.shrui %get3A_125, %shift_right_logical3A_127 : vector<16xi32>
    %swap3A_129 = arith.constant 112 : index
    %swap3A_130 = tpu.vector_load %arg8[%swap3A_129] {strides = array<i32>} : memref<128xi32, #tpu.memory_space<vmem>>, vector<16xi32>,
    tpu.vector_store %arg8[%swap3A_129], %shift_right_logical3A_128 {strides = array<i32>} : memref<128xi32, #tpu.memory_space<vmem>>, vector<16xi32>,
    %dma_start3A_131 = arith.constant 0 : i32
    %dma_start3A_132 = arith.constant 0 : i32
    %dma_start3A_133 = tpu.memref_slice %arg3[%dma_start3A_131, %dma_start3A_132] : memref<10000x128xf32, #tpu.memory_space<hbm>> -> memref<10000x128xf32, #tpu.memory_space<hbm>>
    tpu.enqueue_indirect_dma source(%dma_start3A_133 : memref<10000x128xf32, #tpu.memory_space<hbm>>) target(%arg14 : memref<128x128xf32, #tpu.memory_space<vmem>>) offsets(%arg8 : memref<128xi32, #tpu.memory_space<vmem>>) semaphore(%arg17 : memref<!tpu.dma_semaphore, #tpu.memory_space<semaphore_mem>>)
    %get3A_134 = arith.constant 1 : i32
    %get3A_135 = arith.index_cast %get3A_134 : i32 to index
    %get3A_136 = arith.constant 0 : index
    %get3A_137 = tpu.vector_load %arg7[%get3A_135, %get3A_136] {strides = array<i32>} : memref<78x128xi32, #tpu.memory_space<vmem>>, vector<16xi32>,
    %shift_right_logical3A_138 = arith.constant 16 : i32
    %shift_right_logical3A_139 = vector.broadcast %shift_right_logical3A_138 : i32 to vector<16xi32>
    %shift_right_logical3A_140 = arith.shrui %get3A_137, %shift_right_logical3A_139 : vector<16xi32>
    %swap3A_141 = arith.constant 0 : index
    %swap3A_142 = tpu.vector_load %arg9[%swap3A_141] {strides = array<i32>} : memref<128xi32, #tpu.memory_space<vmem>>, vector<16xi32>,
    tpu.vector_store %arg9[%swap3A_141], %shift_right_logical3A_140 {strides = array<i32>} : memref<128xi32, #tpu.memory_space<vmem>>, vector<16xi32>,
    %get3A_143 = arith.constant 1 : i32
    %get3A_144 = arith.index_cast %get3A_143 : i32 to index
    %get3A_145 = arith.constant 16 : index
    %get3A_146 = tpu.vector_load %arg7[%get3A_144, %get3A_145] {strides = array<i32>} : memref<78x128xi32, #tpu.memory_space<vmem>>, vector<16xi32>,
    %shift_right_logical3A_147 = arith.constant 16 : i32
    %shift_right_logical3A_148 = vector.broadcast %shift_right_logical3A_147 : i32 to vector<16xi32>
    %shift_right_logical3A_149 = arith.shrui %get3A_146, %shift_right_logical3A_148 : vector<16xi32>
    %swap3A_150 = arith.constant 16 : index
    %swap3A_151 = tpu.vector_load %arg9[%swap3A_150] {strides = array<i32>} : memref<128xi32, #tpu.memory_space<vmem>>, vector<16xi32>,
    tpu.vector_store %arg9[%swap3A_150], %shift_right_logical3A_149 {strides = array<i32>} : memref<128xi32, #tpu.memory_space<vmem>>, vector<16xi32>,
    %get3A_152 = arith.constant 1 : i32
    %get3A_153 = arith.index_cast %get3A_152 : i32 to index
    %get3A_154 = arith.constant 32 : index
    %get3A_155 = tpu.vector_load %arg7[%get3A_153, %get3A_154] {strides = array<i32>} : memref<78x128xi32, #tpu.memory_space<vmem>>, vector<16xi32>,
    %shift_right_logical3A_156 = arith.constant 16 : i32
    %shift_right_logical3A_157 = vector.broadcast %shift_right_logical3A_156 : i32 to vector<16xi32>
    %shift_right_logical3A_158 = arith.shrui %get3A_155, %shift_right_logical3A_157 : vector<16xi32>
    %swap3A_159 = arith.constant 32 : index
    %swap3A_160 = tpu.vector_load %arg9[%swap3A_159] {strides = array<i32>} : memref<128xi32, #tpu.memory_space<vmem>>, vector<16xi32>,
    tpu.vector_store %arg9[%swap3A_159], %shift_right_logical3A_158 {strides = array<i32>} : memref<128xi32, #tpu.memory_space<vmem>>, vector<16xi32>,
    %get3A_161 = arith.constant 1 : i32
    %get3A_162 = arith.index_cast %get3A_161 : i32 to index
    %get3A_163 = arith.constant 48 : index
    %get3A_164 = tpu.vector_load %arg7[%get3A_162, %get3A_163] {strides = array<i32>} : memref<78x128xi32, #tpu.memory_space<vmem>>, vector<16xi32>,
    %shift_right_logical3A_165 = arith.constant 16 : i32
    %shift_right_logical3A_166 = vector.broadcast %shift_right_logical3A_165 : i32 to vector<16xi32>
    %shift_right_logical3A_167 = arith.shrui %get3A_164, %shift_right_logical3A_166 : vector<16xi32>
    %swap3A_168 = arith.constant 48 : index
    %swap3A_169 = tpu.vector_load %arg9[%swap3A_168] {strides = array<i32>} : memref<128xi32, #tpu.memory_space<vmem>>, vector<16xi32>,
    tpu.vector_store %arg9[%swap3A_168], %shift_right_logical3A_167 {strides = array<i32>} : memref<128xi32, #tpu.memory_space<vmem>>, vector<16xi32>,
    %get3A_170 = arith.constant 1 : i32
    %get3A_171 = arith.index_cast %get3A_170 : i32 to index
    %get3A_172 = arith.constant 64 : index
    %get3A_173 = tpu.vector_load %arg7[%get3A_171, %get3A_172] {strides = array<i32>} : memref<78x128xi32, #tpu.memory_space<vmem>>, vector<16xi32>,
    %shift_right_logical3A_174 = arith.constant 16 : i32
    %shift_right_logical3A_175 = vector.broadcast %shift_right_logical3A_174 : i32 to vector<16xi32>
    %shift_right_logical3A_176 = arith.shrui %get3A_173, %shift_right_logical3A_175 : vector<16xi32>
    %swap3A_177 = arith.constant 64 : index
    %swap3A_178 = tpu.vector_load %arg9[%swap3A_177] {strides = array<i32>} : memref<128xi32, #tpu.memory_space<vmem>>, vector<16xi32>,
    tpu.vector_store %arg9[%swap3A_177], %shift_right_logical3A_176 {strides = array<i32>} : memref<128xi32, #tpu.memory_space<vmem>>, vector<16xi32>,
    %get3A_179 = arith.constant 1 : i32
    %get3A_180 = arith.index_cast %get3A_179 : i32 to index
    %get3A_181 = arith.constant 80 : index
    %get3A_182 = tpu.vector_load %arg7[%get3A_180, %get3A_181] {strides = array<i32>} : memref<78x128xi32, #tpu.memory_space<vmem>>, vector<16xi32>,
    %shift_right_logical3A_183 = arith.constant 16 : i32
    %shift_right_logical3A_184 = vector.broadcast %shift_right_logical3A_183 : i32 to vector<16xi32>
    %shift_right_logical3A_185 = arith.shrui %get3A_182, %shift_right_logical3A_184 : vector<16xi32>
    %swap3A_186 = arith.constant 80 : index
    %swap3A_187 = tpu.vector_load %arg9[%swap3A_186] {strides = array<i32>} : memref<128xi32, #tpu.memory_space<vmem>>, vector<16xi32>,
    tpu.vector_store %arg9[%swap3A_186], %shift_right_logical3A_185 {strides = array<i32>} : memref<128xi32, #tpu.memory_space<vmem>>, vector<16xi32>,
    %get3A_188 = arith.constant 1 : i32
    %get3A_189 = arith.index_cast %get3A_188 : i32 to index
    %get3A_190 = arith.constant 96 : index
    %get3A_191 = tpu.vector_load %arg7[%get3A_189, %get3A_190] {strides = array<i32>} : memref<78x128xi32, #tpu.memory_space<vmem>>, vector<16xi32>,
    %shift_right_logical3A_192 = arith.constant 16 : i32
    %shift_right_logical3A_193 = vector.broadcast %shift_right_logical3A_192 : i32 to vector<16xi32>
    %shift_right_logical3A_194 = arith.shrui %get3A_191, %shift_right_logical3A_193 : vector<16xi32>
    %swap3A_195 = arith.constant 96 : index
    %swap3A_196 = tpu.vector_load %arg9[%swap3A_195] {strides = array<i32>} : memref<128xi32, #tpu.memory_space<vmem>>, vector<16xi32>,
    tpu.vector_store %arg9[%swap3A_195], %shift_right_logical3A_194 {strides = array<i32>} : memref<128xi32, #tpu.memory_space<vmem>>, vector<16xi32>,
    %get3A_197 = arith.constant 1 : i32
    %get3A_198 = arith.index_cast %get3A_197 : i32 to index
    %get3A_199 = arith.constant 112 : index
    %get3A_200 = tpu.vector_load %arg7[%get3A_198, %get3A_199] {strides = array<i32>} : memref<78x128xi32, #tpu.memory_space<vmem>>, vector<16xi32>,
    %shift_right_logical3A_201 = arith.constant 16 : i32
    %shift_right_logical3A_202 = vector.broadcast %shift_right_logical3A_201 : i32 to vector<16xi32>
    %shift_right_logical3A_203 = arith.shrui %get3A_200, %shift_right_logical3A_202 : vector<16xi32>
    %swap3A_204 = arith.constant 112 : index
    %swap3A_205 = tpu.vector_load %arg9[%swap3A_204] {strides = array<i32>} : memref<128xi32, #tpu.memory_space<vmem>>, vector<16xi32>,
    tpu.vector_store %arg9[%swap3A_204], %shift_right_logical3A_203 {strides = array<i32>} : memref<128xi32, #tpu.memory_space<vmem>>, vector<16xi32>,
    %dma_start3A_206 = arith.constant 0 : i32
    %dma_start3A_207 = arith.constant 0 : i32
    %dma_start3A_208 = tpu.memref_slice %arg3[%dma_start3A_206, %dma_start3A_207] : memref<10000x128xf32, #tpu.memory_space<hbm>> -> memref<10000x128xf32, #tpu.memory_space<hbm>>
    tpu.enqueue_indirect_dma source(%dma_start3A_208 : memref<10000x128xf32, #tpu.memory_space<hbm>>) target(%arg15 : memref<128x128xf32, #tpu.memory_space<vmem>>) offsets(%arg9 : memref<128xi32, #tpu.memory_space<vmem>>) semaphore(%arg18 : memref<!tpu.dma_semaphore, #tpu.memory_space<semaphore_mem>>)
    %scan3A_209 = arith.constant 0 : i32
    %scan3A_210 = arith.constant 0 : i32
    %scan3A_211 = arith.constant 39 : i32
    %scan3A_212 = arith.addi %scan3A_210, %scan3A_211 : i32
    %scan3A_213 = arith.constant 1 : i32
    scf.for %scan3A_309 = %scan3A_210 to %scan3A_212 step %scan3A_213  : i32 {
      %mul3A_310 = arith.constant 2 : i32
      %mul3A_311 = arith.muli %scan3A_309, %mul3A_310 : i32
      %add3A_312 = arith.constant 0 : i32
      %add3A_313 = arith.addi %mul3A_311, %add3A_312 : i32
      %dma_wait3A_314 = arith.constant 0 : i32
      %dma_wait3A_315 = arith.constant 0 : i32
      %dma_wait3A_316 = tpu.memref_slice %arg3[%dma_wait3A_314, %dma_wait3A_315] : memref<10000x128xf32, #tpu.memory_space<hbm>> -> memref<128x128xf32, #tpu.memory_space<hbm>>
      %dma_wait3A_317 = arith.constant 0 : i32
      %dma_wait3A_318 = arith.constant 0 : i32
      %dma_wait3A_319 = tpu.memref_slice %arg3[%dma_wait3A_317, %dma_wait3A_318] : memref<10000x128xf32, #tpu.memory_space<hbm>> -> memref<128x128xf32, #tpu.memory_space<hbm>>
      tpu.wait_dma2 semaphore(%arg17 : memref<!tpu.dma_semaphore, #tpu.memory_space<semaphore_mem>>) src(%dma_wait3A_319 : memref<128x128xf32, #tpu.memory_space<hbm>>) dst(%arg14 : memref<128x128xf32, #tpu.memory_space<vmem>>)
      %get3A_320 = arith.index_cast %add3A_313 : i32 to index
      %get3A_321 = arith.constant 0 : index
      %get3A_322 = tpu.vector_load %arg7[%get3A_320, %get3A_321] {strides = array<i32>} : memref<78x128xi32, #tpu.memory_space<vmem>>, vector<16xi32>,
      %and3A = arith.constant 65535 : i32
      %and3A_323 = vector.broadcast %and3A : i32 to vector<16xi32>
      %and3A_324 = arith.andi %get3A_322, %and3A_323 : vector<16xi32>
      %swap3A_325 = arith.constant 0 : index
      %swap3A_326 = tpu.vector_load %arg10[%swap3A_325] {strides = array<i32>} : memref<128xi32, #tpu.memory_space<vmem>>, vector<16xi32>,
      tpu.vector_store %arg10[%swap3A_325], %and3A_324 {strides = array<i32>} : memref<128xi32, #tpu.memory_space<vmem>>, vector<16xi32>,
      %get3A_327 = arith.index_cast %add3A_313 : i32 to index
      %get3A_328 = arith.constant 16 : index
      %get3A_329 = tpu.vector_load %arg7[%get3A_327, %get3A_328] {strides = array<i32>} : memref<78x128xi32, #tpu.memory_space<vmem>>, vector<16xi32>,
      %and3A_330 = arith.constant 65535 : i32
      %and3A_331 = vector.broadcast %and3A_330 : i32 to vector<16xi32>
      %and3A_332 = arith.andi %get3A_329, %and3A_331 : vector<16xi32>
      %swap3A_333 = arith.constant 16 : index
      %swap3A_334 = tpu.vector_load %arg10[%swap3A_333] {strides = array<i32>} : memref<128xi32, #tpu.memory_space<vmem>>, vector<16xi32>,
      tpu.vector_store %arg10[%swap3A_333], %and3A_332 {strides = array<i32>} : memref<128xi32, #tpu.memory_space<vmem>>, vector<16xi32>,
      %get3A_335 = arith.index_cast %add3A_313 : i32 to index
      %get3A_336 = arith.constant 32 : index
      %get3A_337 = tpu.vector_load %arg7[%get3A_335, %get3A_336] {strides = array<i32>} : memref<78x128xi32, #tpu.memory_space<vmem>>, vector<16xi32>,
      %and3A_338 = arith.constant 65535 : i32
      %and3A_339 = vector.broadcast %and3A_338 : i32 to vector<16xi32>
      %and3A_340 = arith.andi %get3A_337, %and3A_339 : vector<16xi32>
      %swap3A_341 = arith.constant 32 : index
      %swap3A_342 = tpu.vector_load %arg10[%swap3A_341] {strides = array<i32>} : memref<128xi32, #tpu.memory_space<vmem>>, vector<16xi32>,
      tpu.vector_store %arg10[%swap3A_341], %and3A_340 {strides = array<i32>} : memref<128xi32, #tpu.memory_space<vmem>>, vector<16xi32>,
      %get3A_343 = arith.index_cast %add3A_313 : i32 to index
      %get3A_344 = arith.constant 48 : index
      %get3A_345 = tpu.vector_load %arg7[%get3A_343, %get3A_344] {strides = array<i32>} : memref<78x128xi32, #tpu.memory_space<vmem>>, vector<16xi32>,
      %and3A_346 = arith.constant 65535 : i32
      %and3A_347 = vector.broadcast %and3A_346 : i32 to vector<16xi32>
      %and3A_348 = arith.andi %get3A_345, %and3A_347 : vector<16xi32>
      %swap3A_349 = arith.constant 48 : index
      %swap3A_350 = tpu.vector_load %arg10[%swap3A_349] {strides = array<i32>} : memref<128xi32, #tpu.memory_space<vmem>>, vector<16xi32>,
      tpu.vector_store %arg10[%swap3A_349], %and3A_348 {strides = array<i32>} : memref<128xi32, #tpu.memory_space<vmem>>, vector<16xi32>,
      %get3A_351 = arith.index_cast %add3A_313 : i32 to index
      %get3A_352 = arith.constant 64 : index
      %get3A_353 = tpu.vector_load %arg7[%get3A_351, %get3A_352] {strides = array<i32>} : memref<78x128xi32, #tpu.memory_space<vmem>>, vector<16xi32>,
      %and3A_354 = arith.constant 65535 : i32
      %and3A_355 = vector.broadcast %and3A_354 : i32 to vector<16xi32>
      %and3A_356 = arith.andi %get3A_353, %and3A_355 : vector<16xi32>
      %swap3A_357 = arith.constant 64 : index
      %swap3A_358 = tpu.vector_load %arg10[%swap3A_357] {strides = array<i32>} : memref<128xi32, #tpu.memory_space<vmem>>, vector<16xi32>,
      tpu.vector_store %arg10[%swap3A_357], %and3A_356 {strides = array<i32>} : memref<128xi32, #tpu.memory_space<vmem>>, vector<16xi32>,
      %get3A_359 = arith.index_cast %add3A_313 : i32 to index
      %get3A_360 = arith.constant 80 : index
      %get3A_361 = tpu.vector_load %arg7[%get3A_359, %get3A_360] {strides = array<i32>} : memref<78x128xi32, #tpu.memory_space<vmem>>, vector<16xi32>,
      %and3A_362 = arith.constant 65535 : i32
      %and3A_363 = vector.broadcast %and3A_362 : i32 to vector<16xi32>
      %and3A_364 = arith.andi %get3A_361, %and3A_363 : vector<16xi32>
      %swap3A_365 = arith.constant 80 : index
      %swap3A_366 = tpu.vector_load %arg10[%swap3A_365] {strides = array<i32>} : memref<128xi32, #tpu.memory_space<vmem>>, vector<16xi32>,
      tpu.vector_store %arg10[%swap3A_365], %and3A_364 {strides = array<i32>} : memref<128xi32, #tpu.memory_space<vmem>>, vector<16xi32>,
      %get3A_367 = arith.index_cast %add3A_313 : i32 to index
      %get3A_368 = arith.constant 96 : index
      %get3A_369 = tpu.vector_load %arg7[%get3A_367, %get3A_368] {strides = array<i32>} : memref<78x128xi32, #tpu.memory_space<vmem>>, vector<16xi32>,
      %and3A_370 = arith.constant 65535 : i32
      %and3A_371 = vector.broadcast %and3A_370 : i32 to vector<16xi32>
      %and3A_372 = arith.andi %get3A_369, %and3A_371 : vector<16xi32>
      %swap3A_373 = arith.constant 96 : index
      %swap3A_374 = tpu.vector_load %arg10[%swap3A_373] {strides = array<i32>} : memref<128xi32, #tpu.memory_space<vmem>>, vector<16xi32>,
      tpu.vector_store %arg10[%swap3A_373], %and3A_372 {strides = array<i32>} : memref<128xi32, #tpu.memory_space<vmem>>, vector<16xi32>,
      %get3A_375 = arith.index_cast %add3A_313 : i32 to index
      %get3A_376 = arith.constant 112 : index
      %get3A_377 = tpu.vector_load %arg7[%get3A_375, %get3A_376] {strides = array<i32>} : memref<78x128xi32, #tpu.memory_space<vmem>>, vector<16xi32>,
      %and3A_378 = arith.constant 65535 : i32
      %and3A_379 = vector.broadcast %and3A_378 : i32 to vector<16xi32>
      %and3A_380 = arith.andi %get3A_377, %and3A_379 : vector<16xi32>
      %swap3A_381 = arith.constant 112 : index
      %swap3A_382 = tpu.vector_load %arg10[%swap3A_381] {strides = array<i32>} : memref<128xi32, #tpu.memory_space<vmem>>, vector<16xi32>,
      tpu.vector_store %arg10[%swap3A_381], %and3A_380 {strides = array<i32>} : memref<128xi32, #tpu.memory_space<vmem>>, vector<16xi32>,
      "tpu.region"() ({
        %run_scoped3A = tpu.sem_alloc : memref<!tpu.dma_semaphore, #tpu.memory_space<semaphore_mem>>
        %dma_start3A_466 = arith.constant 0 : i32
        %dma_start3A_467 = arith.constant 0 : i32
        %dma_start3A_468 = tpu.memref_slice %arg16[%dma_start3A_466, %dma_start3A_467] : memref<10240x128xf32, #tpu.memory_space<vmem_shared>> -> memref<10240x128xf32, #tpu.memory_space<vmem_shared>>
        tpu.enqueue_indirect_dma source(%arg14 : memref<128x128xf32, #tpu.memory_space<vmem>>) target(%dma_start3A_468 : memref<10240x128xf32, #tpu.memory_space<vmem_shared>>) offsets(%arg10 : memref<128xi32, #tpu.memory_space<vmem>>) semaphore(%run_scoped3A : memref<!tpu.dma_semaphore, #tpu.memory_space<semaphore_mem>>) {add = true}
        %dma_wait3A_469 = arith.constant 0 : i32
        %dma_wait3A_470 = arith.constant 0 : i32
        %dma_wait3A_471 = tpu.memref_slice %arg16[%dma_wait3A_469, %dma_wait3A_470] : memref<10240x128xf32, #tpu.memory_space<vmem_shared>> -> memref<10240x128xf32, #tpu.memory_space<vmem_shared>>
        tpu.wait_indirect_dma semaphore(%run_scoped3A : memref<!tpu.dma_semaphore, #tpu.memory_space<semaphore_mem>>) src(%arg14 : memref<128x128xf32, #tpu.memory_space<vmem>>) dst(%dma_wait3A_471 : memref<10240x128xf32, #tpu.memory_space<vmem_shared>>)
        tpu.yield
      }) : () -> ()
      %add3A_383 = arith.constant 2 : i32
      %add3A_384 = arith.addi %add3A_313, %add3A_383 : i32
      %lt3A = arith.constant 78 : i32
      %lt3A_385 = arith.cmpi slt, %add3A_384, %lt3A : i32
      %convert_element_type3A = arith.extui %lt3A_385 : i1 to i32
      %cond3A = arith.constant 0 : i32
      %cond3A_386 = arith.cmpi ne, %convert_element_type3A, %cond3A : i32
      scf.if %cond3A_386 {
        %add3A_466 = arith.constant 2 : i32
        %add3A_467 = arith.addi %add3A_313, %add3A_466 : i32
        %get3A_468 = arith.index_cast %add3A_467 : i32 to index
        %get3A_469 = arith.constant 0 : index
        %get3A_470 = tpu.vector_load %arg7[%get3A_468, %get3A_469] {strides = array<i32>} : memref<78x128xi32, #tpu.memory_space<vmem>>, vector<16xi32>,
        %shift_right_logical3A_471 = arith.constant 16 : i32
        %shift_right_logical3A_472 = vector.broadcast %shift_right_logical3A_471 : i32 to vector<16xi32>
        %shift_right_logical3A_473 = arith.shrui %get3A_470, %shift_right_logical3A_472 : vector<16xi32>
        %swap3A_474 = arith.constant 0 : index
        %swap3A_475 = tpu.vector_load %arg8[%swap3A_474] {strides = array<i32>} : memref<128xi32, #tpu.memory_space<vmem>>, vector<16xi32>,
        tpu.vector_store %arg8[%swap3A_474], %shift_right_logical3A_473 {strides = array<i32>} : memref<128xi32, #tpu.memory_space<vmem>>, vector<16xi32>,
        %get3A_476 = arith.index_cast %add3A_467 : i32 to index
        %get3A_477 = arith.constant 16 : index
        %get3A_478 = tpu.vector_load %arg7[%get3A_476, %get3A_477] {strides = array<i32>} : memref<78x128xi32, #tpu.memory_space<vmem>>, vector<16xi32>,
        %shift_right_logical3A_479 = arith.constant 16 : i32
        %shift_right_logical3A_480 = vector.broadcast %shift_right_logical3A_479 : i32 to vector<16xi32>
        %shift_right_logical3A_481 = arith.shrui %get3A_478, %shift_right_logical3A_480 : vector<16xi32>
        %swap3A_482 = arith.constant 16 : index
        %swap3A_483 = tpu.vector_load %arg8[%swap3A_482] {strides = array<i32>} : memref<128xi32, #tpu.memory_space<vmem>>, vector<16xi32>,
        tpu.vector_store %arg8[%swap3A_482], %shift_right_logical3A_481 {strides = array<i32>} : memref<128xi32, #tpu.memory_space<vmem>>, vector<16xi32>,
        %get3A_484 = arith.index_cast %add3A_467 : i32 to index
        %get3A_485 = arith.constant 32 : index
        %get3A_486 = tpu.vector_load %arg7[%get3A_484, %get3A_485] {strides = array<i32>} : memref<78x128xi32, #tpu.memory_space<vmem>>, vector<16xi32>,
        %shift_right_logical3A_487 = arith.constant 16 : i32
        %shift_right_logical3A_488 = vector.broadcast %shift_right_logical3A_487 : i32 to vector<16xi32>
        %shift_right_logical3A_489 = arith.shrui %get3A_486, %shift_right_logical3A_488 : vector<16xi32>
        %swap3A_490 = arith.constant 32 : index
        %swap3A_491 = tpu.vector_load %arg8[%swap3A_490] {strides = array<i32>} : memref<128xi32, #tpu.memory_space<vmem>>, vector<16xi32>,
        tpu.vector_store %arg8[%swap3A_490], %shift_right_logical3A_489 {strides = array<i32>} : memref<128xi32, #tpu.memory_space<vmem>>, vector<16xi32>,
        %get3A_492 = arith.index_cast %add3A_467 : i32 to index
        %get3A_493 = arith.constant 48 : index
        %get3A_494 = tpu.vector_load %arg7[%get3A_492, %get3A_493] {strides = array<i32>} : memref<78x128xi32, #tpu.memory_space<vmem>>, vector<16xi32>,
        %shift_right_logical3A_495 = arith.constant 16 : i32
        %shift_right_logical3A_496 = vector.broadcast %shift_right_logical3A_495 : i32 to vector<16xi32>
        %shift_right_logical3A_497 = arith.shrui %get3A_494, %shift_right_logical3A_496 : vector<16xi32>
        %swap3A_498 = arith.constant 48 : index
        %swap3A_499 = tpu.vector_load %arg8[%swap3A_498] {strides = array<i32>} : memref<128xi32, #tpu.memory_space<vmem>>, vector<16xi32>,
        tpu.vector_store %arg8[%swap3A_498], %shift_right_logical3A_497 {strides = array<i32>} : memref<128xi32, #tpu.memory_space<vmem>>, vector<16xi32>,
        %get3A_500 = arith.index_cast %add3A_467 : i32 to index
        %get3A_501 = arith.constant 64 : index
        %get3A_502 = tpu.vector_load %arg7[%get3A_500, %get3A_501] {strides = array<i32>} : memref<78x128xi32, #tpu.memory_space<vmem>>, vector<16xi32>,
        %shift_right_logical3A_503 = arith.constant 16 : i32
        %shift_right_logical3A_504 = vector.broadcast %shift_right_logical3A_503 : i32 to vector<16xi32>
        %shift_right_logical3A_505 = arith.shrui %get3A_502, %shift_right_logical3A_504 : vector<16xi32>
        %swap3A_506 = arith.constant 64 : index
        %swap3A_507 = tpu.vector_load %arg8[%swap3A_506] {strides = array<i32>} : memref<128xi32, #tpu.memory_space<vmem>>, vector<16xi32>,
        tpu.vector_store %arg8[%swap3A_506], %shift_right_logical3A_505 {strides = array<i32>} : memref<128xi32, #tpu.memory_space<vmem>>, vector<16xi32>,
        %get3A_508 = arith.index_cast %add3A_467 : i32 to index
        %get3A_509 = arith.constant 80 : index
        %get3A_510 = tpu.vector_load %arg7[%get3A_508, %get3A_509] {strides = array<i32>} : memref<78x128xi32, #tpu.memory_space<vmem>>, vector<16xi32>,
        %shift_right_logical3A_511 = arith.constant 16 : i32
        %shift_right_logical3A_512 = vector.broadcast %shift_right_logical3A_511 : i32 to vector<16xi32>
        %shift_right_logical3A_513 = arith.shrui %get3A_510, %shift_right_logical3A_512 : vector<16xi32>
        %swap3A_514 = arith.constant 80 : index
        %swap3A_515 = tpu.vector_load %arg8[%swap3A_514] {strides = array<i32>} : memref<128xi32, #tpu.memory_space<vmem>>, vector<16xi32>,
        tpu.vector_store %arg8[%swap3A_514], %shift_right_logical3A_513 {strides = array<i32>} : memref<128xi32, #tpu.memory_space<vmem>>, vector<16xi32>,
        %get3A_516 = arith.index_cast %add3A_467 : i32 to index
        %get3A_517 = arith.constant 96 : index
        %get3A_518 = tpu.vector_load %arg7[%get3A_516, %get3A_517] {strides = array<i32>} : memref<78x128xi32, #tpu.memory_space<vmem>>, vector<16xi32>,
        %shift_right_logical3A_519 = arith.constant 16 : i32
        %shift_right_logical3A_520 = vector.broadcast %shift_right_logical3A_519 : i32 to vector<16xi32>
        %shift_right_logical3A_521 = arith.shrui %get3A_518, %shift_right_logical3A_520 : vector<16xi32>
        %swap3A_522 = arith.constant 96 : index
        %swap3A_523 = tpu.vector_load %arg8[%swap3A_522] {strides = array<i32>} : memref<128xi32, #tpu.memory_space<vmem>>, vector<16xi32>,
        tpu.vector_store %arg8[%swap3A_522], %shift_right_logical3A_521 {strides = array<i32>} : memref<128xi32, #tpu.memory_space<vmem>>, vector<16xi32>,
        %get3A_524 = arith.index_cast %add3A_467 : i32 to index
        %get3A_525 = arith.constant 112 : index
        %get3A_526 = tpu.vector_load %arg7[%get3A_524, %get3A_525] {strides = array<i32>} : memref<78x128xi32, #tpu.memory_space<vmem>>, vector<16xi32>,
        %shift_right_logical3A_527 = arith.constant 16 : i32
        %shift_right_logical3A_528 = vector.broadcast %shift_right_logical3A_527 : i32 to vector<16xi32>
        %shift_right_logical3A_529 = arith.shrui %get3A_526, %shift_right_logical3A_528 : vector<16xi32>
        %swap3A_530 = arith.constant 112 : index
        %swap3A_531 = tpu.vector_load %arg8[%swap3A_530] {strides = array<i32>} : memref<128xi32, #tpu.memory_space<vmem>>, vector<16xi32>,
        tpu.vector_store %arg8[%swap3A_530], %shift_right_logical3A_529 {strides = array<i32>} : memref<128xi32, #tpu.memory_space<vmem>>, vector<16xi32>,
        %dma_start3A_532 = arith.constant 0 : i32
        %dma_start3A_533 = arith.constant 0 : i32
        %dma_start3A_534 = tpu.memref_slice %arg3[%dma_start3A_532, %dma_start3A_533] : memref<10000x128xf32, #tpu.memory_space<hbm>> -> memref<10000x128xf32, #tpu.memory_space<hbm>>
        tpu.enqueue_indirect_dma source(%dma_start3A_534 : memref<10000x128xf32, #tpu.memory_space<hbm>>) target(%arg14 : memref<128x128xf32, #tpu.memory_space<vmem>>) offsets(%arg8 : memref<128xi32, #tpu.memory_space<vmem>>) semaphore(%arg17 : memref<!tpu.dma_semaphore, #tpu.memory_space<semaphore_mem>>)
      } else {
      }
      %add3A_387 = arith.constant 1 : i32
      %add3A_388 = arith.addi %mul3A_311, %add3A_387 : i32
      %dma_wait3A_389 = arith.constant 0 : i32
      %dma_wait3A_390 = arith.constant 0 : i32
      %dma_wait3A_391 = tpu.memref_slice %arg3[%dma_wait3A_389, %dma_wait3A_390] : memref<10000x128xf32, #tpu.memory_space<hbm>> -> memref<128x128xf32, #tpu.memory_space<hbm>>
      %dma_wait3A_392 = arith.constant 0 : i32
      %dma_wait3A_393 = arith.constant 0 : i32
      %dma_wait3A_394 = tpu.memref_slice %arg3[%dma_wait3A_392, %dma_wait3A_393] : memref<10000x128xf32, #tpu.memory_space<hbm>> -> memref<128x128xf32, #tpu.memory_space<hbm>>
      tpu.wait_dma2 semaphore(%arg18 : memref<!tpu.dma_semaphore, #tpu.memory_space<semaphore_mem>>) src(%dma_wait3A_394 : memref<128x128xf32, #tpu.memory_space<hbm>>) dst(%arg15 : memref<128x128xf32, #tpu.memory_space<vmem>>)
      %get3A_395 = arith.index_cast %add3A_388 : i32 to index
      %get3A_396 = arith.constant 0 : index
      %get3A_397 = tpu.vector_load %arg7[%get3A_395, %get3A_396] {strides = array<i32>} : memref<78x128xi32, #tpu.memory_space<vmem>>, vector<16xi32>,
      %and3A_398 = arith.constant 65535 : i32
      %and3A_399 = vector.broadcast %and3A_398 : i32 to vector<16xi32>
      %and3A_400 = arith.andi %get3A_397, %and3A_399 : vector<16xi32>
      %swap3A_401 = arith.constant 0 : index
      %swap3A_402 = tpu.vector_load %arg10[%swap3A_401] {strides = array<i32>} : memref<128xi32, #tpu.memory_space<vmem>>, vector<16xi32>,
      tpu.vector_store %arg10[%swap3A_401], %and3A_400 {strides = array<i32>} : memref<128xi32, #tpu.memory_space<vmem>>, vector<16xi32>,
      %get3A_403 = arith.index_cast %add3A_388 : i32 to index
      %get3A_404 = arith.constant 16 : index
      %get3A_405 = tpu.vector_load %arg7[%get3A_403, %get3A_404] {strides = array<i32>} : memref<78x128xi32, #tpu.memory_space<vmem>>, vector<16xi32>,
      %and3A_406 = arith.constant 65535 : i32
      %and3A_407 = vector.broadcast %and3A_406 : i32 to vector<16xi32>
      %and3A_408 = arith.andi %get3A_405, %and3A_407 : vector<16xi32>
      %swap3A_409 = arith.constant 16 : index
      %swap3A_410 = tpu.vector_load %arg10[%swap3A_409] {strides = array<i32>} : memref<128xi32, #tpu.memory_space<vmem>>, vector<16xi32>,
      tpu.vector_store %arg10[%swap3A_409], %and3A_408 {strides = array<i32>} : memref<128xi32, #tpu.memory_space<vmem>>, vector<16xi32>,
      %get3A_411 = arith.index_cast %add3A_388 : i32 to index
      %get3A_412 = arith.constant 32 : index
      %get3A_413 = tpu.vector_load %arg7[%get3A_411, %get3A_412] {strides = array<i32>} : memref<78x128xi32, #tpu.memory_space<vmem>>, vector<16xi32>,
      %and3A_414 = arith.constant 65535 : i32
      %and3A_415 = vector.broadcast %and3A_414 : i32 to vector<16xi32>
      %and3A_416 = arith.andi %get3A_413, %and3A_415 : vector<16xi32>
      %swap3A_417 = arith.constant 32 : index
      %swap3A_418 = tpu.vector_load %arg10[%swap3A_417] {strides = array<i32>} : memref<128xi32, #tpu.memory_space<vmem>>, vector<16xi32>,
      tpu.vector_store %arg10[%swap3A_417], %and3A_416 {strides = array<i32>} : memref<128xi32, #tpu.memory_space<vmem>>, vector<16xi32>,
      %get3A_419 = arith.index_cast %add3A_388 : i32 to index
      %get3A_420 = arith.constant 48 : index
      %get3A_421 = tpu.vector_load %arg7[%get3A_419, %get3A_420] {strides = array<i32>} : memref<78x128xi32, #tpu.memory_space<vmem>>, vector<16xi32>,
      %and3A_422 = arith.constant 65535 : i32
      %and3A_423 = vector.broadcast %and3A_422 : i32 to vector<16xi32>
      %and3A_424 = arith.andi %get3A_421, %and3A_423 : vector<16xi32>
      %swap3A_425 = arith.constant 48 : index
      %swap3A_426 = tpu.vector_load %arg10[%swap3A_425] {strides = array<i32>} : memref<128xi32, #tpu.memory_space<vmem>>, vector<16xi32>,
      tpu.vector_store %arg10[%swap3A_425], %and3A_424 {strides = array<i32>} : memref<128xi32, #tpu.memory_space<vmem>>, vector<16xi32>,
      %get3A_427 = arith.index_cast %add3A_388 : i32 to index
      %get3A_428 = arith.constant 64 : index
      %get3A_429 = tpu.vector_load %arg7[%get3A_427, %get3A_428] {strides = array<i32>} : memref<78x128xi32, #tpu.memory_space<vmem>>, vector<16xi32>,
      %and3A_430 = arith.constant 65535 : i32
      %and3A_431 = vector.broadcast %and3A_430 : i32 to vector<16xi32>
      %and3A_432 = arith.andi %get3A_429, %and3A_431 : vector<16xi32>
      %swap3A_433 = arith.constant 64 : index
      %swap3A_434 = tpu.vector_load %arg10[%swap3A_433] {strides = array<i32>} : memref<128xi32, #tpu.memory_space<vmem>>, vector<16xi32>,
      tpu.vector_store %arg10[%swap3A_433], %and3A_432 {strides = array<i32>} : memref<128xi32, #tpu.memory_space<vmem>>, vector<16xi32>,
      %get3A_435 = arith.index_cast %add3A_388 : i32 to index
      %get3A_436 = arith.constant 80 : index
      %get3A_437 = tpu.vector_load %arg7[%get3A_435, %get3A_436] {strides = array<i32>} : memref<78x128xi32, #tpu.memory_space<vmem>>, vector<16xi32>,
      %and3A_438 = arith.constant 65535 : i32
      %and3A_439 = vector.broadcast %and3A_438 : i32 to vector<16xi32>
      %and3A_440 = arith.andi %get3A_437, %and3A_439 : vector<16xi32>
      %swap3A_441 = arith.constant 80 : index
      %swap3A_442 = tpu.vector_load %arg10[%swap3A_441] {strides = array<i32>} : memref<128xi32, #tpu.memory_space<vmem>>, vector<16xi32>,
      tpu.vector_store %arg10[%swap3A_441], %and3A_440 {strides = array<i32>} : memref<128xi32, #tpu.memory_space<vmem>>, vector<16xi32>,
      %get3A_443 = arith.index_cast %add3A_388 : i32 to index
      %get3A_444 = arith.constant 96 : index
      %get3A_445 = tpu.vector_load %arg7[%get3A_443, %get3A_444] {strides = array<i32>} : memref<78x128xi32, #tpu.memory_space<vmem>>, vector<16xi32>,
      %and3A_446 = arith.constant 65535 : i32
      %and3A_447 = vector.broadcast %and3A_446 : i32 to vector<16xi32>
      %and3A_448 = arith.andi %get3A_445, %and3A_447 : vector<16xi32>
      %swap3A_449 = arith.constant 96 : index
      %swap3A_450 = tpu.vector_load %arg10[%swap3A_449] {strides = array<i32>} : memref<128xi32, #tpu.memory_space<vmem>>, vector<16xi32>,
      tpu.vector_store %arg10[%swap3A_449], %and3A_448 {strides = array<i32>} : memref<128xi32, #tpu.memory_space<vmem>>, vector<16xi32>,
      %get3A_451 = arith.index_cast %add3A_388 : i32 to index
      %get3A_452 = arith.constant 112 : index
      %get3A_453 = tpu.vector_load %arg7[%get3A_451, %get3A_452] {strides = array<i32>} : memref<78x128xi32, #tpu.memory_space<vmem>>, vector<16xi32>,
      %and3A_454 = arith.constant 65535 : i32
      %and3A_455 = vector.broadcast %and3A_454 : i32 to vector<16xi32>
      %and3A_456 = arith.andi %get3A_453, %and3A_455 : vector<16xi32>
      %swap3A_457 = arith.constant 112 : index
      %swap3A_458 = tpu.vector_load %arg10[%swap3A_457] {strides = array<i32>} : memref<128xi32, #tpu.memory_space<vmem>>, vector<16xi32>,
      tpu.vector_store %arg10[%swap3A_457], %and3A_456 {strides = array<i32>} : memref<128xi32, #tpu.memory_space<vmem>>, vector<16xi32>,
      "tpu.region"() ({
        %run_scoped3A = tpu.sem_alloc : memref<!tpu.dma_semaphore, #tpu.memory_space<semaphore_mem>>
        %dma_start3A_466 = arith.constant 0 : i32
        %dma_start3A_467 = arith.constant 0 : i32
        %dma_start3A_468 = tpu.memref_slice %arg16[%dma_start3A_466, %dma_start3A_467] : memref<10240x128xf32, #tpu.memory_space<vmem_shared>> -> memref<10240x128xf32, #tpu.memory_space<vmem_shared>>
        tpu.enqueue_indirect_dma source(%arg15 : memref<128x128xf32, #tpu.memory_space<vmem>>) target(%dma_start3A_468 : memref<10240x128xf32, #tpu.memory_space<vmem_shared>>) offsets(%arg10 : memref<128xi32, #tpu.memory_space<vmem>>) semaphore(%run_scoped3A : memref<!tpu.dma_semaphore, #tpu.memory_space<semaphore_mem>>) {add = true}
        %dma_wait3A_469 = arith.constant 0 : i32
        %dma_wait3A_470 = arith.constant 0 : i32
        %dma_wait3A_471 = tpu.memref_slice %arg16[%dma_wait3A_469, %dma_wait3A_470] : memref<10240x128xf32, #tpu.memory_space<vmem_shared>> -> memref<10240x128xf32, #tpu.memory_space<vmem_shared>>
        tpu.wait_indirect_dma semaphore(%run_scoped3A : memref<!tpu.dma_semaphore, #tpu.memory_space<semaphore_mem>>) src(%arg15 : memref<128x128xf32, #tpu.memory_space<vmem>>) dst(%dma_wait3A_471 : memref<10240x128xf32, #tpu.memory_space<vmem_shared>>)
        tpu.yield
      }) : () -> ()
      %add3A_459 = arith.constant 2 : i32
      %add3A_460 = arith.addi %add3A_388, %add3A_459 : i32
      %lt3A_461 = arith.constant 78 : i32
      %lt3A_462 = arith.cmpi slt, %add3A_460, %lt3A_461 : i32
      %convert_element_type3A_463 = arith.extui %lt3A_462 : i1 to i32
      %cond3A_464 = arith.constant 0 : i32
      %cond3A_465 = arith.cmpi ne, %convert_element_type3A_463, %cond3A_464 : i32
      scf.if %cond3A_465 {
        %add3A_466 = arith.constant 2 : i32
        %add3A_467 = arith.addi %add3A_388, %add3A_466 : i32
        %get3A_468 = arith.index_cast %add3A_467 : i32 to index
        %get3A_469 = arith.constant 0 : index
        %get3A_470 = tpu.vector_load %arg7[%get3A_468, %get3A_469] {strides = array<i32>} : memref<78x128xi32, #tpu.memory_space<vmem>>, vector<16xi32>,
        %shift_right_logical3A_471 = arith.constant 16 : i32
        %shift_right_logical3A_472 = vector.broadcast %shift_right_logical3A_471 : i32 to vector<16xi32>
        %shift_right_logical3A_473 = arith.shrui %get3A_470, %shift_right_logical3A_472 : vector<16xi32>
        %swap3A_474 = arith.constant 0 : index
        %swap3A_475 = tpu.vector_load %arg9[%swap3A_474] {strides = array<i32>} : memref<128xi32, #tpu.memory_space<vmem>>, vector<16xi32>,
        tpu.vector_store %arg9[%swap3A_474], %shift_right_logical3A_473 {strides = array<i32>} : memref<128xi32, #tpu.memory_space<vmem>>, vector<16xi32>,
        %get3A_476 = arith.index_cast %add3A_467 : i32 to index
        %get3A_477 = arith.constant 16 : index
        %get3A_478 = tpu.vector_load %arg7[%get3A_476, %get3A_477] {strides = array<i32>} : memref<78x128xi32, #tpu.memory_space<vmem>>, vector<16xi32>,
        %shift_right_logical3A_479 = arith.constant 16 : i32
        %shift_right_logical3A_480 = vector.broadcast %shift_right_logical3A_479 : i32 to vector<16xi32>
        %shift_right_logical3A_481 = arith.shrui %get3A_478, %shift_right_logical3A_480 : vector<16xi32>
        %swap3A_482 = arith.constant 16 : index
        %swap3A_483 = tpu.vector_load %arg9[%swap3A_482] {strides = array<i32>} : memref<128xi32, #tpu.memory_space<vmem>>, vector<16xi32>,
        tpu.vector_store %arg9[%swap3A_482], %shift_right_logical3A_481 {strides = array<i32>} : memref<128xi32, #tpu.memory_space<vmem>>, vector<16xi32>,
        %get3A_484 = arith.index_cast %add3A_467 : i32 to index
        %get3A_485 = arith.constant 32 : index
        %get3A_486 = tpu.vector_load %arg7[%get3A_484, %get3A_485] {strides = array<i32>} : memref<78x128xi32, #tpu.memory_space<vmem>>, vector<16xi32>,
        %shift_right_logical3A_487 = arith.constant 16 : i32
        %shift_right_logical3A_488 = vector.broadcast %shift_right_logical3A_487 : i32 to vector<16xi32>
        %shift_right_logical3A_489 = arith.shrui %get3A_486, %shift_right_logical3A_488 : vector<16xi32>
        %swap3A_490 = arith.constant 32 : index
        %swap3A_491 = tpu.vector_load %arg9[%swap3A_490] {strides = array<i32>} : memref<128xi32, #tpu.memory_space<vmem>>, vector<16xi32>,
        tpu.vector_store %arg9[%swap3A_490], %shift_right_logical3A_489 {strides = array<i32>} : memref<128xi32, #tpu.memory_space<vmem>>, vector<16xi32>,
        %get3A_492 = arith.index_cast %add3A_467 : i32 to index
        %get3A_493 = arith.constant 48 : index
        %get3A_494 = tpu.vector_load %arg7[%get3A_492, %get3A_493] {strides = array<i32>} : memref<78x128xi32, #tpu.memory_space<vmem>>, vector<16xi32>,
        %shift_right_logical3A_495 = arith.constant 16 : i32
        %shift_right_logical3A_496 = vector.broadcast %shift_right_logical3A_495 : i32 to vector<16xi32>
        %shift_right_logical3A_497 = arith.shrui %get3A_494, %shift_right_logical3A_496 : vector<16xi32>
        %swap3A_498 = arith.constant 48 : index
        %swap3A_499 = tpu.vector_load %arg9[%swap3A_498] {strides = array<i32>} : memref<128xi32, #tpu.memory_space<vmem>>, vector<16xi32>,
        tpu.vector_store %arg9[%swap3A_498], %shift_right_logical3A_497 {strides = array<i32>} : memref<128xi32, #tpu.memory_space<vmem>>, vector<16xi32>,
        %get3A_500 = arith.index_cast %add3A_467 : i32 to index
        %get3A_501 = arith.constant 64 : index
        %get3A_502 = tpu.vector_load %arg7[%get3A_500, %get3A_501] {strides = array<i32>} : memref<78x128xi32, #tpu.memory_space<vmem>>, vector<16xi32>,
        %shift_right_logical3A_503 = arith.constant 16 : i32
        %shift_right_logical3A_504 = vector.broadcast %shift_right_logical3A_503 : i32 to vector<16xi32>
        %shift_right_logical3A_505 = arith.shrui %get3A_502, %shift_right_logical3A_504 : vector<16xi32>
        %swap3A_506 = arith.constant 64 : index
        %swap3A_507 = tpu.vector_load %arg9[%swap3A_506] {strides = array<i32>} : memref<128xi32, #tpu.memory_space<vmem>>, vector<16xi32>,
        tpu.vector_store %arg9[%swap3A_506], %shift_right_logical3A_505 {strides = array<i32>} : memref<128xi32, #tpu.memory_space<vmem>>, vector<16xi32>,
        %get3A_508 = arith.index_cast %add3A_467 : i32 to index
        %get3A_509 = arith.constant 80 : index
        %get3A_510 = tpu.vector_load %arg7[%get3A_508, %get3A_509] {strides = array<i32>} : memref<78x128xi32, #tpu.memory_space<vmem>>, vector<16xi32>,
        %shift_right_logical3A_511 = arith.constant 16 : i32
        %shift_right_logical3A_512 = vector.broadcast %shift_right_logical3A_511 : i32 to vector<16xi32>
        %shift_right_logical3A_513 = arith.shrui %get3A_510, %shift_right_logical3A_512 : vector<16xi32>
        %swap3A_514 = arith.constant 80 : index
        %swap3A_515 = tpu.vector_load %arg9[%swap3A_514] {strides = array<i32>} : memref<128xi32, #tpu.memory_space<vmem>>, vector<16xi32>,
        tpu.vector_store %arg9[%swap3A_514], %shift_right_logical3A_513 {strides = array<i32>} : memref<128xi32, #tpu.memory_space<vmem>>, vector<16xi32>,
        %get3A_516 = arith.index_cast %add3A_467 : i32 to index
        %get3A_517 = arith.constant 96 : index
        %get3A_518 = tpu.vector_load %arg7[%get3A_516, %get3A_517] {strides = array<i32>} : memref<78x128xi32, #tpu.memory_space<vmem>>, vector<16xi32>,
        %shift_right_logical3A_519 = arith.constant 16 : i32
        %shift_right_logical3A_520 = vector.broadcast %shift_right_logical3A_519 : i32 to vector<16xi32>
        %shift_right_logical3A_521 = arith.shrui %get3A_518, %shift_right_logical3A_520 : vector<16xi32>
        %swap3A_522 = arith.constant 96 : index
        %swap3A_523 = tpu.vector_load %arg9[%swap3A_522] {strides = array<i32>} : memref<128xi32, #tpu.memory_space<vmem>>, vector<16xi32>,
        tpu.vector_store %arg9[%swap3A_522], %shift_right_logical3A_521 {strides = array<i32>} : memref<128xi32, #tpu.memory_space<vmem>>, vector<16xi32>,
        %get3A_524 = arith.index_cast %add3A_467 : i32 to index
        %get3A_525 = arith.constant 112 : index
        %get3A_526 = tpu.vector_load %arg7[%get3A_524, %get3A_525] {strides = array<i32>} : memref<78x128xi32, #tpu.memory_space<vmem>>, vector<16xi32>,
        %shift_right_logical3A_527 = arith.constant 16 : i32
        %shift_right_logical3A_528 = vector.broadcast %shift_right_logical3A_527 : i32 to vector<16xi32>
        %shift_right_logical3A_529 = arith.shrui %get3A_526, %shift_right_logical3A_528 : vector<16xi32>
        %swap3A_530 = arith.constant 112 : index
        %swap3A_531 = tpu.vector_load %arg9[%swap3A_530] {strides = array<i32>} : memref<128xi32, #tpu.memory_space<vmem>>, vector<16xi32>,
        tpu.vector_store %arg9[%swap3A_530], %shift_right_logical3A_529 {strides = array<i32>} : memref<128xi32, #tpu.memory_space<vmem>>, vector<16xi32>,
        %dma_start3A_532 = arith.constant 0 : i32
        %dma_start3A_533 = arith.constant 0 : i32
        %dma_start3A_534 = tpu.memref_slice %arg3[%dma_start3A_532, %dma_start3A_533] : memref<10000x128xf32, #tpu.memory_space<hbm>> -> memref<10000x128xf32, #tpu.memory_space<hbm>>
        tpu.enqueue_indirect_dma source(%dma_start3A_534 : memref<10000x128xf32, #tpu.memory_space<hbm>>) target(%arg15 : memref<128x128xf32, #tpu.memory_space<vmem>>) offsets(%arg9 : memref<128xi32, #tpu.memory_space<vmem>>) semaphore(%arg18 : memref<!tpu.dma_semaphore, #tpu.memory_space<semaphore_mem>>)
      } else {
      }
    }
    %scan3A_214 = arith.constant 39 : i32
    %dma_start3A_215 = arith.constant 0 : i32
    %dma_start3A_216 = arith.constant 0 : i32
    %dma_start3A_217 = tpu.memref_slice %arg14[%dma_start3A_215, %dma_start3A_216] : memref<128x128xf32, #tpu.memory_space<vmem>> -> memref<16x128xf32, #tpu.memory_space<vmem>>
    %dma_start3A_218 = arith.constant 0 : i32
    %dma_start3A_219 = arith.constant 0 : i32
    %dma_start3A_220 = tpu.memref_slice %arg3[%dma_start3A_218, %dma_start3A_219] : memref<10000x128xf32, #tpu.memory_space<hbm>> -> memref<10000x128xf32, #tpu.memory_space<hbm>>
    tpu.enqueue_indirect_dma source(%dma_start3A_220 : memref<10000x128xf32, #tpu.memory_space<hbm>>) target(%dma_start3A_217 : memref<16x128xf32, #tpu.memory_space<vmem>>) offsets(%arg12 : memref<16xi32, #tpu.memory_space<vmem>>) semaphore(%arg17 : memref<!tpu.dma_semaphore, #tpu.memory_space<semaphore_mem>>)
    %dma_wait3A_221 = arith.constant 0 : i32
    %dma_wait3A_222 = arith.constant 0 : i32
    %dma_wait3A_223 = tpu.memref_slice %arg14[%dma_wait3A_221, %dma_wait3A_222] : memref<128x128xf32, #tpu.memory_space<vmem>> -> memref<16x128xf32, #tpu.memory_space<vmem>>
    %dma_wait3A_224 = arith.constant 0 : i32
    %dma_wait3A_225 = arith.constant 0 : i32
    %dma_wait3A_226 = tpu.memref_slice %arg3[%dma_wait3A_224, %dma_wait3A_225] : memref<10000x128xf32, #tpu.memory_space<hbm>> -> memref<16x128xf32, #tpu.memory_space<hbm>>
    %dma_wait3A_227 = arith.constant 0 : i32
    %dma_wait3A_228 = arith.constant 0 : i32
    %dma_wait3A_229 = tpu.memref_slice %arg14[%dma_wait3A_227, %dma_wait3A_228] : memref<128x128xf32, #tpu.memory_space<vmem>> -> memref<16x128xf32, #tpu.memory_space<vmem>>
    %dma_wait3A_230 = arith.constant 0 : i32
    %dma_wait3A_231 = arith.constant 0 : i32
    %dma_wait3A_232 = tpu.memref_slice %arg3[%dma_wait3A_230, %dma_wait3A_231] : memref<10000x128xf32, #tpu.memory_space<hbm>> -> memref<16x128xf32, #tpu.memory_space<hbm>>
    tpu.wait_dma2 semaphore(%arg17 : memref<!tpu.dma_semaphore, #tpu.memory_space<semaphore_mem>>) src(%dma_wait3A_232 : memref<16x128xf32, #tpu.memory_space<hbm>>) dst(%dma_wait3A_229 : memref<16x128xf32, #tpu.memory_space<vmem>>)
    "tpu.region"() ({
      %run_scoped3A = tpu.sem_alloc : memref<!tpu.dma_semaphore, #tpu.memory_space<semaphore_mem>>
      %dma_start3A_309 = arith.constant 0 : i32
      %dma_start3A_310 = arith.constant 0 : i32
      %dma_start3A_311 = tpu.memref_slice %arg14[%dma_start3A_309, %dma_start3A_310] : memref<128x128xf32, #tpu.memory_space<vmem>> -> memref<16x128xf32, #tpu.memory_space<vmem>>
      %dma_start3A_312 = arith.constant 0 : i32
      %dma_start3A_313 = arith.constant 0 : i32
      %dma_start3A_314 = tpu.memref_slice %arg16[%dma_start3A_312, %dma_start3A_313] : memref<10240x128xf32, #tpu.memory_space<vmem_shared>> -> memref<10240x128xf32, #tpu.memory_space<vmem_shared>>
      tpu.enqueue_indirect_dma source(%dma_start3A_311 : memref<16x128xf32, #tpu.memory_space<vmem>>) target(%dma_start3A_314 : memref<10240x128xf32, #tpu.memory_space<vmem_shared>>) offsets(%arg13 : memref<16xi32, #tpu.memory_space<vmem>>) semaphore(%run_scoped3A : memref<!tpu.dma_semaphore, #tpu.memory_space<semaphore_mem>>) {add = true}
      %dma_wait3A_315 = arith.constant 0 : i32
      %dma_wait3A_316 = arith.constant 0 : i32
      %dma_wait3A_317 = tpu.memref_slice %arg14[%dma_wait3A_315, %dma_wait3A_316] : memref<128x128xf32, #tpu.memory_space<vmem>> -> memref<16x128xf32, #tpu.memory_space<vmem>>
      %dma_wait3A_318 = arith.constant 0 : i32
      %dma_wait3A_319 = arith.constant 0 : i32
      %dma_wait3A_320 = tpu.memref_slice %arg16[%dma_wait3A_318, %dma_wait3A_319] : memref<10240x128xf32, #tpu.memory_space<vmem_shared>> -> memref<10240x128xf32, #tpu.memory_space<vmem_shared>>
      tpu.wait_indirect_dma semaphore(%run_scoped3A : memref<!tpu.dma_semaphore, #tpu.memory_space<semaphore_mem>>) src(%dma_wait3A_317 : memref<16x128xf32, #tpu.memory_space<vmem>>) dst(%dma_wait3A_320 : memref<10240x128xf32, #tpu.memory_space<vmem_shared>>)
      tpu.yield
    }) : () -> ()
    %barrier3A_233 = arith.constant 0 : index
    tpu.barrier barrier_id(%barrier3A_233)
    %add3A_234 = arith.constant 0 : i32
    %add3A_235 = arith.addi %multiple_of3A_13, %add3A_234 : i32
    %mul3A_236 = arith.constant 10240 : i32
    %mul3A_237 = arith.muli %arg0, %mul3A_236 : i32
    %add3A_238 = arith.addi %mul3A_237, %multiple_of3A_13 : i32
    %add3A_239 = arith.constant 0 : i32
    %add3A_240 = arith.addi %add3A_238, %add3A_239 : i32
    %dma_start3A_241 = arith.constant 0 : i32
    %dma_start3A_242 = tpu.memref_slice %arg6[%add3A_240, %dma_start3A_241] : memref<20480x128xf32, #tpu.memory_space<hbm>> -> memref<128x128xf32, #tpu.memory_space<hbm>>
    %dma_start3A_243 = arith.constant 0 : i32
    %dma_start3A_244 = tpu.memref_slice %arg16[%add3A_235, %dma_start3A_243] : memref<10240x128xf32, #tpu.memory_space<vmem_shared>> -> memref<128x128xf32, #tpu.memory_space<vmem_shared>>
    tpu.enqueue_dma source(%dma_start3A_244 : memref<128x128xf32, #tpu.memory_space<vmem_shared>>) target(%dma_start3A_242 : memref<128x128xf32, #tpu.memory_space<hbm>>) target_semaphore(%arg18 : memref<!tpu.dma_semaphore, #tpu.memory_space<semaphore_mem>>)
    %add3A_245 = arith.constant 128 : i32
    %add3A_246 = arith.addi %multiple_of3A_13, %add3A_245 : i32
    %mul3A_247 = arith.constant 10240 : i32
    %mul3A_248 = arith.muli %arg0, %mul3A_247 : i32
    %add3A_249 = arith.addi %mul3A_248, %multiple_of3A_13 : i32
    %add3A_250 = arith.constant 128 : i32
    %add3A_251 = arith.addi %add3A_249, %add3A_250 : i32
    %dma_start3A_252 = arith.constant 0 : i32
    %dma_start3A_253 = tpu.memref_slice %arg6[%add3A_251, %dma_start3A_252] : memref<20480x128xf32, #tpu.memory_space<hbm>> -> memref<128x128xf32, #tpu.memory_space<hbm>>
    %dma_start3A_254 = arith.constant 0 : i32
    %dma_start3A_255 = tpu.memref_slice %arg16[%add3A_246, %dma_start3A_254] : memref<10240x128xf32, #tpu.memory_space<vmem_shared>> -> memref<128x128xf32, #tpu.memory_space<vmem_shared>>
    tpu.enqueue_dma source(%dma_start3A_255 : memref<128x128xf32, #tpu.memory_space<vmem_shared>>) target(%dma_start3A_253 : memref<128x128xf32, #tpu.memory_space<hbm>>) target_semaphore(%arg18 : memref<!tpu.dma_semaphore, #tpu.memory_space<semaphore_mem>>)
    %add3A_256 = arith.constant 256 : i32
    %add3A_257 = arith.addi %multiple_of3A_13, %add3A_256 : i32
    %mul3A_258 = arith.constant 10240 : i32
    %mul3A_259 = arith.muli %arg0, %mul3A_258 : i32
    %add3A_260 = arith.addi %mul3A_259, %multiple_of3A_13 : i32
    %add3A_261 = arith.constant 256 : i32
    %add3A_262 = arith.addi %add3A_260, %add3A_261 : i32
    %dma_start3A_263 = arith.constant 0 : i32
    %dma_start3A_264 = tpu.memref_slice %arg6[%add3A_262, %dma_start3A_263] : memref<20480x128xf32, #tpu.memory_space<hbm>> -> memref<128x128xf32, #tpu.memory_space<hbm>>
    %dma_start3A_265 = arith.constant 0 : i32
    %dma_start3A_266 = tpu.memref_slice %arg16[%add3A_257, %dma_start3A_265] : memref<10240x128xf32, #tpu.memory_space<vmem_shared>> -> memref<128x128xf32, #tpu.memory_space<vmem_shared>>
    tpu.enqueue_dma source(%dma_start3A_266 : memref<128x128xf32, #tpu.memory_space<vmem_shared>>) target(%dma_start3A_264 : memref<128x128xf32, #tpu.memory_space<hbm>>) target_semaphore(%arg18 : memref<!tpu.dma_semaphore, #tpu.memory_space<semaphore_mem>>)
    %add3A_267 = arith.constant 384 : i32
    %add3A_268 = arith.addi %multiple_of3A_13, %add3A_267 : i32
    %mul3A_269 = arith.constant 10240 : i32
    %mul3A_270 = arith.muli %arg0, %mul3A_269 : i32
    %add3A_271 = arith.addi %mul3A_270, %multiple_of3A_13 : i32
    %add3A_272 = arith.constant 384 : i32
    %add3A_273 = arith.addi %add3A_271, %add3A_272 : i32
    %dma_start3A_274 = arith.constant 0 : i32
    %dma_start3A_275 = tpu.memref_slice %arg6[%add3A_273, %dma_start3A_274] : memref<20480x128xf32, #tpu.memory_space<hbm>> -> memref<128x128xf32, #tpu.memory_space<hbm>>
    %dma_start3A_276 = arith.constant 0 : i32
    %dma_start3A_277 = tpu.memref_slice %arg16[%add3A_268, %dma_start3A_276] : memref<10240x128xf32, #tpu.memory_space<vmem_shared>> -> memref<128x128xf32, #tpu.memory_space<vmem_shared>>
    tpu.enqueue_dma source(%dma_start3A_277 : memref<128x128xf32, #tpu.memory_space<vmem_shared>>) target(%dma_start3A_275 : memref<128x128xf32, #tpu.memory_space<hbm>>) target_semaphore(%arg18 : memref<!tpu.dma_semaphore, #tpu.memory_space<semaphore_mem>>)
    %add3A_278 = arith.constant 512 : i32
    %add3A_279 = arith.addi %multiple_of3A_13, %add3A_278 : i32
    %mul3A_280 = arith.constant 10240 : i32
    %mul3A_281 = arith.muli %arg0, %mul3A_280 : i32
    %add3A_282 = arith.addi %mul3A_281, %multiple_of3A_13 : i32
    %add3A_283 = arith.constant 512 : i32
    %add3A_284 = arith.addi %add3A_282, %add3A_283 : i32
    %dma_start3A_285 = arith.constant 0 : i32
    %dma_start3A_286 = tpu.memref_slice %arg6[%add3A_284, %dma_start3A_285] : memref<20480x128xf32, #tpu.memory_space<hbm>> -> memref<128x128xf32, #tpu.memory_space<hbm>>
    %dma_start3A_287 = arith.constant 0 : i32
    %dma_start3A_288 = tpu.memref_slice %arg16[%add3A_279, %dma_start3A_287] : memref<10240x128xf32, #tpu.memory_space<vmem_shared>> -> memref<128x128xf32, #tpu.memory_space<vmem_shared>>
    tpu.enqueue_dma source(%dma_start3A_288 : memref<128x128xf32, #tpu.memory_space<vmem_shared>>) target(%dma_start3A_286 : memref<128x128xf32, #tpu.memory_space<hbm>>) target_semaphore(%arg18 : memref<!tpu.dma_semaphore, #tpu.memory_space<semaphore_mem>>)
    %dma_wait3A_289 = arith.constant 0 : i32
    %dma_wait3A_290 = tpu.memref_slice %arg6[%add3A_240, %dma_wait3A_289] : memref<20480x128xf32, #tpu.memory_space<hbm>> -> memref<128x128xf32, #tpu.memory_space<hbm>>
    %dma_wait3A_291 = arith.constant 0 : i32
    %dma_wait3A_292 = tpu.memref_slice %arg16[%add3A_235, %dma_wait3A_291] : memref<10240x128xf32, #tpu.memory_space<vmem_shared>> -> memref<128x128xf32, #tpu.memory_space<vmem_shared>>
    tpu.wait_dma2 semaphore(%arg18 : memref<!tpu.dma_semaphore, #tpu.memory_space<semaphore_mem>>) src(%dma_wait3A_292 : memref<128x128xf32, #tpu.memory_space<vmem_shared>>) dst(%dma_wait3A_290 : memref<128x128xf32, #tpu.memory_space<hbm>>)
    %dma_wait3A_293 = arith.constant 0 : i32
    %dma_wait3A_294 = tpu.memref_slice %arg6[%add3A_251, %dma_wait3A_293] : memref<20480x128xf32, #tpu.memory_space<hbm>> -> memref<128x128xf32, #tpu.memory_space<hbm>>
    %dma_wait3A_295 = arith.constant 0 : i32
    %dma_wait3A_296 = tpu.memref_slice %arg16[%add3A_246, %dma_wait3A_295] : memref<10240x128xf32, #tpu.memory_space<vmem_shared>> -> memref<128x128xf32, #tpu.memory_space<vmem_shared>>
    tpu.wait_dma2 semaphore(%arg18 : memref<!tpu.dma_semaphore, #tpu.memory_space<semaphore_mem>>) src(%dma_wait3A_296 : memref<128x128xf32, #tpu.memory_space<vmem_shared>>) dst(%dma_wait3A_294 : memref<128x128xf32, #tpu.memory_space<hbm>>)
    %dma_wait3A_297 = arith.constant 0 : i32
    %dma_wait3A_298 = tpu.memref_slice %arg6[%add3A_262, %dma_wait3A_297] : memref<20480x128xf32, #tpu.memory_space<hbm>> -> memref<128x128xf32, #tpu.memory_space<hbm>>
    %dma_wait3A_299 = arith.constant 0 : i32
    %dma_wait3A_300 = tpu.memref_slice %arg16[%add3A_257, %dma_wait3A_299] : memref<10240x128xf32, #tpu.memory_space<vmem_shared>> -> memref<128x128xf32, #tpu.memory_space<vmem_shared>>
    tpu.wait_dma2 semaphore(%arg18 : memref<!tpu.dma_semaphore, #tpu.memory_space<semaphore_mem>>) src(%dma_wait3A_300 : memref<128x128xf32, #tpu.memory_space<vmem_shared>>) dst(%dma_wait3A_298 : memref<128x128xf32, #tpu.memory_space<hbm>>)
    %dma_wait3A_301 = arith.constant 0 : i32
    %dma_wait3A_302 = tpu.memref_slice %arg6[%add3A_273, %dma_wait3A_301] : memref<20480x128xf32, #tpu.memory_space<hbm>> -> memref<128x128xf32, #tpu.memory_space<hbm>>
    %dma_wait3A_303 = arith.constant 0 : i32
    %dma_wait3A_304 = tpu.memref_slice %arg16[%add3A_268, %dma_wait3A_303] : memref<10240x128xf32, #tpu.memory_space<vmem_shared>> -> memref<128x128xf32, #tpu.memory_space<vmem_shared>>
    tpu.wait_dma2 semaphore(%arg18 : memref<!tpu.dma_semaphore, #tpu.memory_space<semaphore_mem>>) src(%dma_wait3A_304 : memref<128x128xf32, #tpu.memory_space<vmem_shared>>) dst(%dma_wait3A_302 : memref<128x128xf32, #tpu.memory_space<hbm>>)
    %dma_wait3A_305 = arith.constant 0 : i32
    %dma_wait3A_306 = tpu.memref_slice %arg6[%add3A_284, %dma_wait3A_305] : memref<20480x128xf32, #tpu.memory_space<hbm>> -> memref<128x128xf32, #tpu.memory_space<hbm>>
    %dma_wait3A_307 = arith.constant 0 : i32
    %dma_wait3A_308 = tpu.memref_slice %arg16[%add3A_279, %dma_wait3A_307] : memref<10240x128xf32, #tpu.memory_space<vmem_shared>> -> memref<128x128xf32, #tpu.memory_space<vmem_shared>>
    tpu.wait_dma2 semaphore(%arg18 : memref<!tpu.dma_semaphore, #tpu.memory_space<semaphore_mem>>) src(%dma_wait3A_308 : memref<128x128xf32, #tpu.memory_space<vmem_shared>>) dst(%dma_wait3A_306 : memref<128x128xf32, #tpu.memory_space<hbm>>)
    return
  }
}

module attributes {stable_mosaic.version = 14 : i64} {
  func.func @_combine_body(%arg0: i32, %arg1: memref<2x2048x128xf32, #tpu.memory_space<vmem>>, %arg2: memref<32x2048xf32, #tpu.memory_space<vmem>>, %arg3: memref<2048x128xf32, #tpu.memory_space<vmem>>, %arg4: memref<128x128xf32, #tpu.memory_space<vmem>>, %arg5: memref<1x128xf32, #tpu.memory_space<vmem>>, %arg6: memref<128x128xf32, #tpu.memory_space<vmem>>, %arg7: memref<2048x128xf32, #tpu.memory_space<vmem>>) attributes {dimension_semantics = [#tpu.dimension_semantics<arbitrary>], iteration_bounds = array<i64: 5>, scalar_prefetch = 0 : i64, scratch_operands = 0 : i64, tpu.core_type = #tpu.core_type<tc>, window_params = [{transform_indices = @transform_0, window_bounds = array<i64: 2, 2048, 128>}, {transform_indices = @transform_1, window_bounds = array<i64: 32, 2048>}, {transform_indices = @transform_2, window_bounds = array<i64: 2048, 128>}, {pipeline_mode = #tpu.pipeline_mode<synchronous>, transform_indices = @transform_3, window_bounds = array<i64: 128, 128>}, {pipeline_mode = #tpu.pipeline_mode<synchronous>, transform_indices = @transform_4, window_bounds = array<i64: 1, 128>}, {pipeline_mode = #tpu.pipeline_mode<synchronous>, transform_indices = @transform_5, window_bounds = array<i64: 128, 128>}, {transform_indices = @transform_6, window_bounds = array<i64: 2048, 128>}]} {
    %get3A = arith.constant 0 : index
    %get3A_0 = arith.constant 0 : index
    %get3A_1 = vector.load %arg2[%get3A, %get3A_0] : memref<32x2048xf32, #tpu.memory_space<vmem>>, vector<32x2048xf32>
    %reduce_sum3A = arith.constant dense<0.000000e+00> : vector<2048xf32>
    %reduce_sum3A_2 = vector.multi_reduction <add>, %get3A_1, %reduce_sum3A [0] : vector<32x2048xf32> to vector<2048xf32>
    %get3A_3 = arith.constant 0 : index
    %get3A_4 = arith.constant 0 : index
    %get3A_5 = arith.constant 0 : index
    %get3A_6 = vector.load %arg1[%get3A_3, %get3A_4, %get3A_5] : memref<2x2048x128xf32, #tpu.memory_space<vmem>>, vector<2x2048x128xf32>
    %reduce_sum3A_7 = arith.constant dense<0.000000e+00> : vector<2048x128xf32>
    %reduce_sum3A_8 = vector.multi_reduction <add>, %get3A_6, %reduce_sum3A_7 [0] : vector<2x2048x128xf32> to vector<2048x128xf32>
    %max3A = arith.constant 1.000000e+00 : f32
    %max3A_9 = vector.broadcast %max3A : f32 to vector<2048xf32>
    %max3A_10 = arith.maximumf %reduce_sum3A_2, %max3A_9 : vector<2048xf32>
    %broadcast_in_dim3A = vector.shape_cast %max3A_10 : vector<2048xf32> to vector<2048x1xf32>
    %div3A = vector.broadcast %broadcast_in_dim3A : vector<2048x1xf32> to vector<2048x128xf32>
    %div3A_11 = arith.divf %reduce_sum3A_8, %div3A : vector<2048x128xf32>
    %get3A_12 = arith.constant 0 : index
    %get3A_13 = arith.constant 0 : index
    %get3A_14 = vector.load %arg4[%get3A_12, %get3A_13] : memref<128x128xf32, #tpu.memory_space<vmem>>, vector<128x128xf32>
    %dot_general3A = arith.constant dense<0.000000e+00> : vector<2048x128xf32>
    %dot_general3A_15 = tpu.matmul %div3A_11, %get3A_14, %dot_general3A {dimension_numbers = #tpu.dot_dimension_numbers<[1], [1], [0], [0], [0, 0, 1, 0], [], []>, transpose_lhs_hint = false} : vector<2048x128xf32>, vector<128x128xf32>, vector<2048x128xf32> -> vector<2048x128xf32>
    %get3A_16 = arith.constant 0 : index
    %get3A_17 = arith.constant 0 : index
    %get3A_18 = vector.load %arg3[%get3A_16, %get3A_17] : memref<2048x128xf32, #tpu.memory_space<vmem>>, vector<2048x128xf32>
    %get3A_19 = arith.constant 0 : index
    %get3A_20 = arith.constant 0 : index
    %get3A_21 = vector.load %arg6[%get3A_19, %get3A_20] : memref<128x128xf32, #tpu.memory_space<vmem>>, vector<128x128xf32>
    %dot_general3A_22 = arith.constant dense<0.000000e+00> : vector<2048x128xf32>
    %dot_general3A_23 = tpu.matmul %get3A_18, %get3A_21, %dot_general3A_22 {dimension_numbers = #tpu.dot_dimension_numbers<[1], [1], [0], [0], [0, 0, 1, 0], [], []>, transpose_lhs_hint = false} : vector<2048x128xf32>, vector<128x128xf32>, vector<2048x128xf32> -> vector<2048x128xf32>
    %add3A = arith.addf %dot_general3A_15, %dot_general3A_23 : vector<2048x128xf32>
    %get3A_24 = arith.constant 0 : index
    %get3A_25 = arith.constant 0 : index
    %get3A_26 = vector.load %arg5[%get3A_24, %get3A_25] : memref<1x128xf32, #tpu.memory_space<vmem>>, vector<1x128xf32>
    %add3A_27 = vector.broadcast %get3A_26 : vector<1x128xf32> to vector<2048x128xf32>
    %add3A_28 = arith.addf %add3A, %add3A_27 : vector<2048x128xf32>
    %max3A_29 = arith.constant 0.000000e+00 : f32
    %max3A_30 = vector.broadcast %max3A_29 : f32 to vector<2048x128xf32>
    %max3A_31 = arith.maximumf %add3A_28, %max3A_30 : vector<2048x128xf32>
    %swap3A = arith.constant 0 : index
    %swap3A_32 = arith.constant 0 : index
    %swap3A_33 = vector.load %arg7[%swap3A, %swap3A_32] : memref<2048x128xf32, #tpu.memory_space<vmem>>, vector<2048x128xf32>
    tpu.vector_store %arg7[%swap3A, %swap3A_32], %max3A_31 {strides = array<i32>} : memref<2048x128xf32, #tpu.memory_space<vmem>>, vector<2048x128xf32>,
    return
  }
  func.func @transform_0(%arg0: i32) -> (i32, i32, i32) {
    %c0_i32 = arith.constant 0 : i32
    %c0_i32_0 = arith.constant 0 : i32
    %c0_i32_1 = arith.constant 0 : i32
    return %c0_i32, %arg0, %c0_i32_0 : i32, i32, i32
  }
  func.func @transform_1(%arg0: i32) -> (i32, i32) {
    %c0_i32 = arith.constant 0 : i32
    %c0_i32_0 = arith.constant 0 : i32
    return %c0_i32, %arg0 : i32, i32
  }
  func.func @transform_2(%arg0: i32) -> (i32, i32) {
    %c0_i32 = arith.constant 0 : i32
    %c0_i32_0 = arith.constant 0 : i32
    return %arg0, %c0_i32 : i32, i32
  }
  func.func @transform_3(%arg0: i32) -> (i32, i32) {
    %c0_i32 = arith.constant 0 : i32
    %c0_i32_0 = arith.constant 0 : i32
    %c0_i32_1 = arith.constant 0 : i32
    return %c0_i32, %c0_i32_0 : i32, i32
  }
  func.func @transform_4(%arg0: i32) -> (i32, i32) {
    %c0_i32 = arith.constant 0 : i32
    %c0_i32_0 = arith.constant 0 : i32
    %c0_i32_1 = arith.constant 0 : i32
    return %c0_i32, %c0_i32_0 : i32, i32
  }
  func.func @transform_5(%arg0: i32) -> (i32, i32) {
    %c0_i32 = arith.constant 0 : i32
    %c0_i32_0 = arith.constant 0 : i32
    %c0_i32_1 = arith.constant 0 : i32
    return %c0_i32, %c0_i32_0 : i32, i32
  }
  func.func @transform_6(%arg0: i32) -> (i32, i32) {
    %c0_i32 = arith.constant 0 : i32
    %c0_i32_0 = arith.constant 0 : i32
    return %arg0, %c0_i32 : i32, i32
  }
}

module attributes {stable_mosaic.version = 14 : i64} {
  func.func @_combine_body(%arg0: i32, %arg1: memref<2x2048x128xf32, #tpu.memory_space<vmem>>, %arg2: memref<32x2048xf32, #tpu.memory_space<vmem>>, %arg3: memref<2048x128xf32, #tpu.memory_space<vmem>>, %arg4: memref<128x128xf32, #tpu.memory_space<vmem>>, %arg5: memref<1x128xf32, #tpu.memory_space<vmem>>, %arg6: memref<128x128xf32, #tpu.memory_space<vmem>>, %arg7: memref<2048x128xf32, #tpu.memory_space<vmem>>) attributes {dimension_semantics = [#tpu.dimension_semantics<arbitrary>], iteration_bounds = array<i64: 5>, scalar_prefetch = 0 : i64, scratch_operands = 0 : i64, tpu.core_type = #tpu.core_type<tc>, window_params = [{transform_indices = @transform_0, window_bounds = array<i64: 2, 2048, 128>}, {transform_indices = @transform_1, window_bounds = array<i64: 32, 2048>}, {transform_indices = @transform_2, window_bounds = array<i64: 2048, 128>}, {pipeline_mode = #tpu.pipeline_mode<synchronous>, transform_indices = @transform_3, window_bounds = array<i64: 128, 128>}, {pipeline_mode = #tpu.pipeline_mode<synchronous>, transform_indices = @transform_4, window_bounds = array<i64: 1, 128>}, {pipeline_mode = #tpu.pipeline_mode<synchronous>, transform_indices = @transform_5, window_bounds = array<i64: 128, 128>}, {transform_indices = @transform_6, window_bounds = array<i64: 2048, 128>}]} {
    %get3A = arith.constant 0 : index
    %get3A_0 = arith.constant 0 : index
    %get3A_1 = vector.load %arg2[%get3A, %get3A_0] : memref<32x2048xf32, #tpu.memory_space<vmem>>, vector<32x2048xf32>
    %reduce_sum3A = arith.constant dense<0.000000e+00> : vector<2048xf32>
    %reduce_sum3A_2 = vector.multi_reduction <add>, %get3A_1, %reduce_sum3A [0] : vector<32x2048xf32> to vector<2048xf32>
    %get3A_3 = arith.constant 0 : index
    %get3A_4 = arith.constant 0 : index
    %get3A_5 = arith.constant 0 : index
    %get3A_6 = vector.load %arg1[%get3A_3, %get3A_4, %get3A_5] : memref<2x2048x128xf32, #tpu.memory_space<vmem>>, vector<2x2048x128xf32>
    %reduce_sum3A_7 = arith.constant dense<0.000000e+00> : vector<2048x128xf32>
    %reduce_sum3A_8 = vector.multi_reduction <add>, %get3A_6, %reduce_sum3A_7 [0] : vector<2x2048x128xf32> to vector<2048x128xf32>
    %max3A = arith.constant 1.000000e+00 : f32
    %max3A_9 = vector.broadcast %max3A : f32 to vector<2048xf32>
    %max3A_10 = arith.maximumf %reduce_sum3A_2, %max3A_9 : vector<2048xf32>
    %broadcast_in_dim3A = vector.shape_cast %max3A_10 : vector<2048xf32> to vector<2048x1xf32>
    %div3A = vector.broadcast %broadcast_in_dim3A : vector<2048x1xf32> to vector<2048x128xf32>
    %div3A_11 = arith.divf %reduce_sum3A_8, %div3A : vector<2048x128xf32>
    %get3A_12 = arith.constant 0 : index
    %get3A_13 = arith.constant 0 : index
    %get3A_14 = vector.load %arg4[%get3A_12, %get3A_13] : memref<128x128xf32, #tpu.memory_space<vmem>>, vector<128x128xf32>
    %dot_general3A = arith.constant dense<0.000000e+00> : vector<2048x128xf32>
    %dot_general3A_15 = tpu.matmul %div3A_11, %get3A_14, %dot_general3A {dimension_numbers = #tpu.dot_dimension_numbers<[1], [1], [0], [0], [0, 0, 1, 0], [], []>, transpose_lhs_hint = false} : vector<2048x128xf32>, vector<128x128xf32>, vector<2048x128xf32> -> vector<2048x128xf32>
    %get3A_16 = arith.constant 0 : index
    %get3A_17 = arith.constant 0 : index
    %get3A_18 = vector.load %arg3[%get3A_16, %get3A_17] : memref<2048x128xf32, #tpu.memory_space<vmem>>, vector<2048x128xf32>
    %get3A_19 = arith.constant 0 : index
    %get3A_20 = arith.constant 0 : index
    %get3A_21 = vector.load %arg6[%get3A_19, %get3A_20] : memref<128x128xf32, #tpu.memory_space<vmem>>, vector<128x128xf32>
    %dot_general3A_22 = arith.constant dense<0.000000e+00> : vector<2048x128xf32>
    %dot_general3A_23 = tpu.matmul %get3A_18, %get3A_21, %dot_general3A_22 {dimension_numbers = #tpu.dot_dimension_numbers<[1], [1], [0], [0], [0, 0, 1, 0], [], []>, transpose_lhs_hint = false} : vector<2048x128xf32>, vector<128x128xf32>, vector<2048x128xf32> -> vector<2048x128xf32>
    %add3A = arith.addf %dot_general3A_15, %dot_general3A_23 : vector<2048x128xf32>
    %get3A_24 = arith.constant 0 : index
    %get3A_25 = arith.constant 0 : index
    %get3A_26 = vector.load %arg5[%get3A_24, %get3A_25] : memref<1x128xf32, #tpu.memory_space<vmem>>, vector<1x128xf32>
    %add3A_27 = vector.broadcast %get3A_26 : vector<1x128xf32> to vector<2048x128xf32>
    %add3A_28 = arith.addf %add3A, %add3A_27 : vector<2048x128xf32>
    %max3A_29 = arith.constant 0.000000e+00 : f32
    %max3A_30 = vector.broadcast %max3A_29 : f32 to vector<2048x128xf32>
    %max3A_31 = arith.maximumf %add3A_28, %max3A_30 : vector<2048x128xf32>
    %swap3A = arith.constant 0 : index
    %swap3A_32 = arith.constant 0 : index
    %swap3A_33 = vector.load %arg7[%swap3A, %swap3A_32] : memref<2048x128xf32, #tpu.memory_space<vmem>>, vector<2048x128xf32>
    tpu.vector_store %arg7[%swap3A, %swap3A_32], %max3A_31 {strides = array<i32>} : memref<2048x128xf32, #tpu.memory_space<vmem>>, vector<2048x128xf32>,
    return
  }
  func.func @transform_0(%arg0: i32) -> (i32, i32, i32) {
    %c0_i32 = arith.constant 0 : i32
    %c0_i32_0 = arith.constant 0 : i32
    %c0_i32_1 = arith.constant 0 : i32
    return %c0_i32, %arg0, %c0_i32_0 : i32, i32, i32
  }
  func.func @transform_1(%arg0: i32) -> (i32, i32) {
    %c0_i32 = arith.constant 0 : i32
    %c0_i32_0 = arith.constant 0 : i32
    return %c0_i32, %arg0 : i32, i32
  }
  func.func @transform_2(%arg0: i32) -> (i32, i32) {
    %c0_i32 = arith.constant 0 : i32
    %c0_i32_0 = arith.constant 0 : i32
    return %arg0, %c0_i32 : i32, i32
  }
  func.func @transform_3(%arg0: i32) -> (i32, i32) {
    %c0_i32 = arith.constant 0 : i32
    %c0_i32_0 = arith.constant 0 : i32
    %c0_i32_1 = arith.constant 0 : i32
    return %c0_i32, %c0_i32_0 : i32, i32
  }
  func.func @transform_4(%arg0: i32) -> (i32, i32) {
    %c0_i32 = arith.constant 0 : i32
    %c0_i32_0 = arith.constant 0 : i32
    %c0_i32_1 = arith.constant 0 : i32
    return %c0_i32, %c0_i32_0 : i32, i32
  }
  func.func @transform_5(%arg0: i32) -> (i32, i32) {
    %c0_i32 = arith.constant 0 : i32
    %c0_i32_0 = arith.constant 0 : i32
    %c0_i32_1 = arith.constant 0 : i32
    return %c0_i32, %c0_i32_0 : i32, i32
  }
  func.func @transform_6(%arg0: i32) -> (i32, i32) {
    %c0_i32 = arith.constant 0 : i32
    %c0_i32_0 = arith.constant 0 : i32
    return %arg0, %c0_i32 : i32, i32
  }
}

</mosaic_0001>

<sc_bundles>
// kernel: kernel.10.cloned.1.call-start
scs
__scs_entry_jumppad:
0x0: {  	(pc) =	sbr.rel $0x88, $3  }
0x1: {  	(tag) =	ssettag $0x0;
	lr =	simm.s32 $0x1  }
0x2: {  	[smem:$0x3F99] =	sst lr;
	_ =	strace $0xD0000000  }
0x3: {  	_ = 	snop  }
0x4: {  	_ = 	snop  }
0x5: {  	_ = 	snop  }
0x6: {  	_ = 	snop  }
0x7: {  	_ = 	snop  }
__scs_overlays_trampoline_lowered:
0x8: {  	[smem:$0x3FA8] =	sst s0  }
0x9: {  	[smem:$0x3FA9] =	sst s1  }
0xa: {  	[smem:$0x3FAA] =	sst s2  }
0xb: {  	[smem:$0x3FAB] =	sst s3  }
0xc: {  	[smem:$0x3FAC] =	sst s4  }
0xd: {  	[smem:$0x3FAD] =	sst s5  }
0xe: {  	[smem:$0x3FAE] =	sst s6  }
0xf: {  	[smem:$0x3FAF] =	sst s7  }
0x10: {  	[smem:$0x3FB0] =	sst s8  }
0x11: {  	[smem:$0x3FB1] =	sst s9;
	s0 =	simm.s32 @!p0 $0x0  }
0x12: {  	s1 =	sld [smem:$0x3F97];
	s0 =	simm.s32 @p0 $0x1  }
0x13: {  	[smem:$0x3FB2] =	sst s0;
	s0 =	simm.s32 @!p1 $0x0  }
0x14: {  	s2 =	sld [smem:$0x3F96];
	s0 =	simm.s32 @p1 $0x1  }
0x15: {  	[smem:$0x3FB3] =	sst s0;
	s0 =	simm.s32 @!p2 $0x0  }
0x16: {  	s3 =	sld [smem:$0x3FDB];
	s0 =	simm.s32 @p2 $0x1  }
0x17: {  	s4 =	simm.s32 $0x1BF5;
	[smem:$0x3FB5] =	sst s0  }
0x18: {  	s0 =	sld [smem:$0x3F98];
	_ =	swait.ge [sflag:s4], $0x0  }
0x19: {  	s7 =	sld [smem:$0x3F99]  }
0x1a: {  	s8 =	sadd.s32 $0xFFFFE003, lr  }
0x1b: {  	s9 =	sadd.s32 $0xFFFFFEF7, lr;
	s5 =	simm.s32 $0xFFFFFFFF;
	p2 =	slt.u32 s8, $0xFFFFF086  }
0x1c: {  	p1 =	slt.u32 s9, $0xF7A;
	s5 =	simm.s32 @!p2 $0x0  }
0x1d: {  	s5 =	simm.s32 @p1 $0x1;
	p0 =	seq.s32 s7, s2  }
0x1e: {  	s7 =	smul.u32 @!p0 $0xF7A, s2;
	p2 =	seq.s32 @!p0 s5, $0x0  }
0x1f: {  	s9 =	smul.u32 $0xF7A, s1;
	s8 =	simm.s32 @!p0 $0x1BF5;
	p2 =	por !p2, p0  }
0x20: {  	[sflag:s8] =	ssyncset.s32 @!p0 $0xFFFFF086;
	s6 =	sadd.s32 @!p0 s3, s7;
	s7 =	simm.s32 @!p0 $0x108  }
0x21: {  	s3 =	sadd.s32 s3, s9;
	s6 =	sadd.s32 @!p0 $0x88, s6;
	s7 =	simm.s32 @p2 $0x1082  }
0x22: {  	[simem:s7], [sflag:s8] =	dma.local @!p0 [hbm:s6], $0xF7A  }
0x23: {  	s9 =	sor.u32 $0xD0000000, s2;
	s6 =	simm.s32 $0x108;
	_ =	swait.ge @!p0 [sflag:s8], $0x0  }
0x24: {  	s3 =	sadd.s32 $0x88, s3;
	s6 =	simm.s32 @!p1 $0x1082;
	[sflag:s4] =	ssyncset.s32 $0xFFFFF086  }
0x25: {  	[simem:s6], [sflag:s4] =	dma.local [hbm:s3], $0xF7A  }
0x26: {  	[smem:$0x3F99] =	sst s1;
	(tag) =	ssettag s2;
	_ =	strace s9  }
0x27: {  	s1 =	sld [smem:$0x3FA9]  }
0x28: {  	s2 =	sld [smem:$0x3FAA]  }
0x29: {  	s4 =	sld [smem:$0x3FAC]  }
0x2a: {  	p0 =	seq.s32 s5, $0x0;
	s5 =	sld [smem:$0x3FAD]  }
0x2b: {  	s6 =	sld [smem:$0x3FAE]  }
0x2c: {  	s7 =	sld [smem:$0x3FAF]  }
0x2d: {  	s3 =	simm.s32 $0x108;
	s8 =	sld [smem:$0x3FB0]  }
0x2e: {  	s3 =	simm.s32 @!p0 $0x1082;
	s9 =	sld [smem:$0x3FB1]  }
0x2f: {  	lr =	sadd.s32 s0, s3;
	s0 =	sld [smem:$0x3FA8]  }
0x30: {  	s3 =	sld [smem:$0x3FAB]  }
0x31: {  	[smem:$0x3FB4] =	sst s10  }
0x32: {  	s10 =	sld [smem:$0x3FB2];
	_ =	sdelay $0x3  }
0x33: {  	p0 =	seq.s32 s10, $0x1;
	s10 =	sld [smem:$0x3FB4];
	_ =	sdelay $0x3  }
0x34: {  	[smem:$0x3FB4] =	sst s10  }
0x35: {  	s10 =	sld [smem:$0x3FB3];
	_ =	sdelay $0x3  }
0x36: {  	p1 =	seq.s32 s10, $0x1;
	s10 =	sld [smem:$0x3FB4];
	_ =	sdelay $0x3  }
0x37: {  	[smem:$0x3FB4] =	sst s10  }
0x38: {  	s10 =	sld [smem:$0x3FB5]  }
0x39: {  	_ = 	snop;
	(pc) =	sbr.ind lr, $3  }
0x3a: {  	_ = 	snop  }
0x3b: {  	_ = 	snop  }
0x3c: {  	p2 =	seq.s32 s10, $0x1;
	s10 =	sld [smem:$0x3FB4]  }
0x3d: {  	_ =	shalt  }
0x3e: {  	_ =	shalt  }
0x3f: {  	_ =	shalt  }
0x40: {  	_ =	shalt  }
0x41: {  	_ =	shalt  }
0x42: {  	_ =	shalt  }
0x43: {  	_ =	shalt  }
0x44: {  	_ =	shalt  }
0x45: {  	_ =	shalt  }
0x46: {  	_ =	shalt  }
0x47: {  	_ =	shalt  }
0x48: {  	_ =	shalt  }
0x49: {  	_ =	shalt  }
0x4a: {  	_ =	shalt  }
0x4b: {  	_ =	shalt  }
0x4c: {  	_ =	shalt  }
0x4d: {  	_ =	shalt  }
0x4e: {  	_ =	shalt  }
0x4f: {  	_ =	shalt  }
0x50: {  	_ =	shalt  }
0x51: {  	_ =	shalt  }
0x52: {  	_ =	shalt  }
0x53: {  	_ =	shalt  }
0x54: {  	_ =	shalt  }
0x55: {  	_ =	shalt  }
0x56: {  	_ =	shalt  }
0x57: {  	_ =	shalt  }
0x58: {  	_ =	shalt  }
0x59: {  	_ =	shalt  }
0x5a: {  	_ =	shalt  }
0x5b: {  	_ =	shalt  }
0x5c: {  	_ =	shalt  }
0x5d: {  	_ =	shalt  }
0x5e: {  	_ =	shalt  }
0x5f: {  	_ =	shalt  }
0x60: {  	_ =	shalt  }
0x61: {  	_ =	shalt  }
0x62: {  	_ =	shalt  }
0x63: {  	_ =	shalt  }
0x64: {  	_ =	shalt  }
0x65: {  	_ =	shalt  }
0x66: {  	_ =	shalt  }
0x67: {  	_ =	shalt  }
0x68: {  	_ =	shalt  }
0x69: {  	_ =	shalt  }
0x6a: {  	_ =	shalt  }
0x6b: {  	_ =	shalt  }
0x6c: {  	_ =	shalt  }
0x6d: {  	_ =	shalt  }
0x6e: {  	_ =	shalt  }
0x6f: {  	_ =	shalt  }
0x70: {  	_ =	shalt  }
0x71: {  	_ =	shalt  }
0x72: {  	_ =	shalt  }
0x73: {  	_ =	shalt  }
0x74: {  	_ =	shalt  }
0x75: {  	_ =	shalt  }
0x76: {  	_ =	shalt  }
0x77: {  	_ =	shalt  }
0x78: {  	_ =	shalt  }
0x79: {  	_ =	shalt  }
0x7a: {  	_ =	shalt  }
0x7b: {  	_ =	shalt  }
0x7c: {  	_ =	shalt  }
0x7d: {  	_ =	shalt  }
0x7e: {  	_ =	shalt  }
0x7f: {  	_ =	shalt  }
0x80: {  	_ =	shalt  }
0x81: {  	_ =	shalt  }
0x82: {  	_ =	shalt  }
0x83: {  	_ =	shalt  }
0x84: {  	_ =	shalt  }
0x85: {  	_ =	shalt  }
0x86: {  	_ =	shalt  }
0x87: {  	_ =	shalt  }
.Lfunc_end0:
.L_simem_size_0:
called_computation.1_lowered:
.L_overlay_start_0:
0x88: {  	s2 =	sld [smem:$0x3FD9]  }
0x89: {  	s3 =	sld [smem:$0x3FFE];
	_ =	sdelay $0x1  }
0x8a: {  	s1 =	srdreg.scid  }
0x8b: {  	s0 =	sand.u32 $0x1, s1  }
0x8c: {  	s17 =	sshll.u32 s0, $0xA;
	s2 =	sadd.s32 s3, s2  }
0x8d: {  	s2 =	sadd.s32 s2, s17  }
0x8e: {  	[smem:$0x3FC0] =	sst s2  }
0x8f: {  	_ = 	snop  }
0x90: {  	s2 =	sld [smem:$0x3FC9];
	(tm) =	ssettm $0x1  }
0x91: {  	s18 =	sld [smem:$0x3FFB];
	_ =	sdelay $0x3  }
0x92: {  	_ =	strace s18  }
0x93: {  	s3 =	sld [smem:$0x3FFC];
	_ =	sdelay $0x3  }
0x94: {  	_ =	strace s3  }
0x95: {  	s3 =	sld [smem:$0x3FFD];
	_ =	sdelay $0x3  }
0x96: {  	_ =	strace s3  }
0x97: {  	_ =	strace $0x8FFFFFFF  }
0x98: {  	s19 =	sld [smem:$0x3FDB];
	_ =	sdelay $0x1  }
0x99: {  	s4 =	simm.s32 $_scs_section_size  }
0x9a: {  	s5 =	simm.s32 $_size__tile_overlayer_lowered;
	s6 =	simm.s32 $_tile_overlayer_lowered  }
0x9b: {  	s22 =	simm.s32 $0x1BFF;
	s21 =	sshll.u32 s6, $0x1;
	s3 =	sadd.s32 s4, s19  }
0x9c: {  	s7 =	simm.s32 $0x0;
	s20 =	sshll.u32 s5, $0x1;
	s5 =	sadd.s32 s21, s3  }
0x9d: {  	[timem:s7], [sflag:s22] =	dma.local [hbm:s5], s20  }
0x9e: {  	_ =	swait.ge [sflag:s22], s20  }
0x9f: {  	s4 =	ssub.s32 $0x0, s20;
	[sflag:s22] =	ssyncset.done $0x0  }
0xa0: {  	[sflag:s22] =	ssyncadd.s32 s4;
	_ =	sdelay $0x1  }
0xa1: {  	s23 =	simm.s32 $0x1B8B  }
0xa2: {  	_ =	swait.ge [sflag:s23], $0x1  }
0xa3: {  	[sflag:s23] =	ssyncset.done $0x0  }
0xa4: {  	s25 =	simm.s32 $0x1B8E;
	s24 =	sld [smem:$0x3FFE];
	[sflag:s23] =	ssyncadd.s32 $0xFFFFFFFF  }
0xa5: {  	s26 =	simm.s32 $execute0_lowered;
	[smem:$0x3FD2] =	sst s25  }
0xa6: {  	s5 =	sshll.u32 s26, $0x1;
	_ =	strace $0x80000049;
	[dreg:$0x1] =	wrdreg $0xFFFFFFFF  }
0xa7: {  	s28 =	simm.s32 $_size_execute0_lowered;
	s3 =	sadd.s32 s3, s5;
	[dreg:$0x0] =	wrdreg $0x0  }
0xa8: {  	s5 =	sshll.u32 s28, $0x1;
	[dreg:$0x2] =	wrdreg s3  }
0xa9: {  	[dreg:$0x3] =	wrdreg s5  }
0xaa: {  	[dreg:$0x4] =	wrdreg $0xC0  }
0xab: {  	_ =	task [dreg:s7], $0x5FFFF  }
0xac: {  	[dreg:$0x1] =	wrdreg $0xFFFFFFFF  }
0xad: {  	[dreg:$0x0] =	wrdreg $0x60  }
0xae: {  	[dreg:$0x2] =	wrdreg s24  }
0xaf: {  	[dreg:$0x3] =	wrdreg s2  }
0xb0: {  	[dreg:$0x4] =	wrdreg $0xAA800  }
0xb1: {  	[dreg:$0x5] =	wrdreg $0x9  }
0xb2: {  	_ =	task.clear_ibuf [dreg:s7], $0x6FFFF;
	_ =	strace $0x90000049  }
0xb3: {  	s29 =	simm.s32 $0x9;
	_ =	strace $0x8000004B  }
0xb4: {  	_ =	swait.ge [sflag:s29], $0x1  }
0xb5: {  	[sflag:s29] =	ssyncadd.s32 $0xFFFFFFFF  }
0xb6: {  	_ =	strace $0x9000004B  }
0xb7: {  	_ =	sfence  }
0xb8: {  	s30 =	sld [smem:$0x0];
	_ =	sdelay $0x2  }
0xb9: {  	s31 =	sshll.u32 s1, $0xD;
	s1 =	sshrl.u32 s1, $0x2  }
0xba: {  	s3 =	sand.u32 $0x4000, s31;
	s1 =	sadd.s32 s1, s30  }
0xbb: {  	s0 =	sor.u32 s3, s0;
	s1 =	sshll.u32 s1, $0x11  }
0xbc: {  	s0 =	sor.u32 s1, s0  }
0xbd: {  	s0 =	sadd.s32 $0x8F2B, s0  }
0xbe: {  	[sflag:s0] =	ssyncadd.remote.s32 $0x1  }
0xbf: {  	_ =	sfence.sel $0xFFFF  }
0xc0: {  	[dreg:$0x0] =	wrdreg $0xFFFFFFFF;
	(pc) =	sbr.abs _section_cstart, $3  }
0xc1: {  	[dreg:$0x1] =	wrdreg $0xFFFFFFFF  }
0xc2: {  	_ =	task.clear_ibuf [dreg:s7], $0x2FFFF;
	_ =	strace $0x9FFFFFFF  }
0xc3: {  	(tm) =	ssettm $0x7FFFFFFF  }
tec
execute0_lowered:
.L_overlay_start_1:
0x0: {  	(tag) =	ssettag $0x1  }
0x1: {  	s0 =	srdreg.scid;
	s1 =	rddreg [dreg:$0x0]  }
0x2: {  	s9 =	stileid.u32;
	s2 =	rddreg [dreg:$0x1]  }
0x3: {  	s4 =	simm.s32 $0x0;
	s28 =	simm.s32 $0x6A80;
	s29 =	simm.s32 $0x2900  }
0x4: {  	s30 =	simm.s32 $0x2;
	s31 =	simm.s32 $0x10;
	s0 =	sand.u32 $0x1, s0  }
0x5: {  	s3 =	sshll.u32 s9, $0x1;
	s7 =	smul.u32 $0x280, s9;
	[smem:$0x7FF] =	sst s4  }
0x6: {  	s19 =	smul.u32 $0x50000, s9;
	s5 =	sor.u32 s0, s3;
	s3 =	rddreg [dreg:$0x2]  }
0x7: {  	s8 =	smul.u32 $0x2800, s0;
	_ =	strace $0x8000004A;
	s0 =	ssub.s32 $0x2, s0  }
0x8: {  	s6 =	smul.u32 $0x500, s5;
	s5 =	sshll.u32 s5, $0x1;
	s22 =	sshrl.u32 s0, $0x1  }
0x9: {  	s23 =	sshrl.u32 s19, $0x2;
	s19 =	simm.s32 $0x3;
	s7 =	sadd.s32 s7, s8  }
0xa: {  	s20 =	sadd.s32 s5, s1;
	s0 =	ssub.s32 s0, s22;
	s22 =	simm.s32 $0x2A80  }
0xb: {  	s6 =	sadd.s32 s6, s1;
	s21 =	sshll.u32 s7, $0x4;
	s25 =	sadd.s32 $0x16000, s20  }
0xc: {  	s7 =	sadd.s32 s23, s3;
	s26 =	sadd.s32 $0xC200, s20;
	s18 =	smax.u32 s0, $0x1  }
0xd: {  	s20 =	simm.s32 $0x2980;
	s23 =	simm.s32 $0x1;
	[dreg:$0x5] =	wrdreg s25  }
0xe: {  	s1 =	sadd.s32 s21, s1;
	s24 =	sadd.s32 $0x16200, s6;
	[dreg:$0x6] =	wrdreg s26  }
.Ltmp0:
0xf: {  	s9 =	sadd.s32 $0x4000, s7;
	s10 =	sadd.s32 $0x8000, s7;
	(pc) =	sbr.rel .LBB2_1-.Ltmp0, $4  }
0x10: {  	s11 =	sadd.s32 $0xC000, s7;
	s12 =	sadd.s32 $0x10000, s7;
	s21 =	simm.s32 $0x2A00  }
0x11: {  	s26 =	simm.s32 $0x2880;
	[dreg:$0x4] =	wrdreg s24;
	s13 =	sadd.s32 $0x20200, s1  }
0x12: {  	s14 =	sadd.s32 $0x20A00, s1;
	s15 =	sadd.s32 $0x21200, s1;
	s16 =	sadd.s32 $0x21A00, s1  }
0x13: {  	v0 =	vimm.f32 $0.0e+00;
	s17 =	sadd.s32 $0x22200, s1;
	s24 =	simm.s32 $0x80;
	s1 =	simm.s32 $0x0  }
.LBB2_6:
0x14: {  	[tilespmem:s22], [sflag:$0x1] =	stream.indirect.gather [hbm4b:s2+s31], $0x80, s20, s31, $0xb8;
	[tilespmem:$0x1EA80] =	vst v63  }
0x15: {  	_ =	swait.ge [sflag:s23], $0x800  }
0x16: {  	[sflag:s23] =	ssyncset.done $0x0  }
0x17: {  	[sflag:s23] =	ssyncadd.s32 $0xFFFFF800  }
0x18: {  	[spmem:s3] =	stream.indirect.scatter.add.f32 [tilespmem:s22], [sflag:$0x3], $0x80, s21, s31, $0xb8;
	[tilespmem:$0x1EA80] =	vst v63  }
0x19: {  	_ =	swait.ge [sflag:s19], $0x800  }
0x1a: {  	s0 =	stileid.u32;
	[sflag:s19] =	ssyncset.done $0x0  }
0x1b: {  	s5 =	sshrl.u32 s7, $0x3;
	s0 =	sshll.u32 s0, $0x6;
	[sflag:s19] =	ssyncadd.s32 $0xFFFFF800  }
0x1c: {  	s25 =	sshrl.u32 s9, $0x3;
	s0 =	sor.u32 $0x1C02, s0;
	[bflag:$0x0] =	sbarrier.arrive $0xFFFF  }
0x1d: {  	[hbm:s13], [sflag:s0] =	dma.local [spmem:s5], $0x800  }
0x1e: {  	[hbm:s14], [sflag:s0] =	dma.local [spmem:s25], $0x800  }
0x1f: {  	s6 =	sshrl.u32 s10, $0x3;
	s8 =	sshrl.u32 s11, $0x3;
	s25 =	sshrl.u32 s12, $0x3  }
0x20: {  	[hbm:s15], [sflag:s0] =	dma.local [spmem:s6], $0x800  }
0x21: {  	[hbm:s16], [sflag:s0] =	dma.local [spmem:s8], $0x800  }
0x22: {  	[hbm:s17], [sflag:s0] =	dma.local [spmem:s25], $0x800  }
0x23: {  	_ =	swait.ge [sflag:s30], $0x800  }
0x24: {  	[sflag:s30] =	ssyncset.done $0x0  }
0x25: {  	[sflag:s30] =	ssyncadd.s32 $0xFFFFF800  }
0x26: {  	_ =	swait.ge [sflag:s30], $0x800  }
0x27: {  	[sflag:s30] =	ssyncset.done $0x0  }
0x28: {  	[sflag:s30] =	ssyncadd.s32 $0xFFFFF800  }
0x29: {  	_ =	swait.ge [sflag:s30], $0x800  }
0x2a: {  	[sflag:s30] =	ssyncset.done $0x0  }
0x2b: {  	s1 =	sadd.s32 $0x1, s1;
	[sflag:s30] =	ssyncadd.s32 $0xFFFFF800  }
0x2c: {  	p0 =	sne.s32 s1, s18;
	_ =	swait.ge [sflag:s30], $0x800  }
.Ltmp1:
0x2d: {  	[sflag:s30] =	ssyncset.done $0x0;
	(pc) =	sbr.rel @!p0 .LBB2_7-.Ltmp1, $4  }
0x2e: {  	[sflag:s30] =	ssyncadd.s32 $0xFFFFF800  }
0x2f: {  	_ =	swait.ge [sflag:s30], $0x800  }
0x30: {  	[sflag:s30] =	ssyncset.done $0x0  }
0x31: {  	[sflag:s30] =	ssyncadd.s32 $0xFFFFF800  }
.LBB2_1:
0x32: {  	s0 =	rddreg [dreg:$0x4]  }
0x33: {  	[tilespmem:s4], [sflag:$0x3] =	stream.linear.gather [hbm4b:s0+s4], $0x2700, $0x38;
	[tilespmem:$0x1EA80] =	vst v63  }
0x34: {  	_ =	swait.ge [sflag:s19], $0x2700  }
0x35: {  	[sflag:s19] =	ssyncset.done $0x0  }
0x36: {  	s8 =	rddreg [dreg:$0x5];
	[sflag:s19] =	ssyncadd.s32 $0xFFFFD900  }
0x37: {  	[tilespmem:s20], [sflag:$0x3] =	stream.linear.gather [hbm4b:s8+s4], $0x10, $0x38;
	[tilespmem:$0x1EA80] =	vst v63  }
0x38: {  	_ =	swait.ge [sflag:s19], $0x10  }
0x39: {  	[sflag:s19] =	ssyncset.done $0x0  }
0x3a: {  	s25 =	rddreg [dreg:$0x6];
	[sflag:s19] =	ssyncadd.s32 $0xFFFFFFF0  }
0x3b: {  	[tilespmem:s21], [sflag:$0x3] =	stream.linear.gather [hbm4b:s25+s4], $0x10, $0x38;
	[tilespmem:$0x1EA80] =	vst v63  }
0x3c: {  	_ =	swait.ge [sflag:s19], $0x10  }
0x3d: {  	[sflag:s19] =	ssyncset.done $0x0  }
0x3e: {  	s0 =	simm.s32 $0x0;
	s25 =	simm.s32 $0x200;
	[sflag:s19] =	ssyncadd.s32 $0xFFFFFFF0  }
.LBB2_2:
0x3f: {  	p0 =	sne.s32 s25, $0xFE00;
	[tilespmem:s0+$0x2AF0] =	vst v0  }
0x40: {  	[tilespmem:s0+$0x2A80] =	vst v0  }
0x41: {  	[tilespmem:s0+$0x2A90] =	vst v0  }
.Ltmp2:
0x42: {  	[tilespmem:s0+$0x2AA0] =	vst v0;
	(pc) =	sbr.rel @p0 .LBB2_2-.Ltmp2, $4  }
0x43: {  	[tilespmem:s0+$0x2AB0] =	vst v0  }
0x44: {  	[tilespmem:s0+$0x2AC0] =	vst v0  }
0x45: {  	[tilespmem:s0+$0x2AD0] =	vst v0  }
0x46: {  	[tilespmem:s0+$0x2AE0] =	vst v0;
	s0 =	sshra.s32 s25, $0x2;
	s25 =	sadd.s32 $0x200, s25  }
0x47: {  	[tilespmem:s0+$0x2AF0] =	vst v0  }
0x48: {  	[tilespmem:s0+$0x2A80] =	vst v0  }
0x49: {  	[tilespmem:s0+$0x2A90] =	vst v0  }
0x4a: {  	[tilespmem:s0+$0x2AA0] =	vst v0  }
0x4b: {  	[tilespmem:s0+$0x2AB0] =	vst v0  }
0x4c: {  	[tilespmem:s0+$0x2AC0] =	vst v0  }
0x4d: {  	[tilespmem:s0+$0x2AD0] =	vst v0  }
0x4e: {  	[tilespmem:s0+$0x2AE0] =	vst v0  }
0x4f: {  	[spmem:s7] =	stream.linear.scatter [tilespmem:s22], [sflag:$0x1], $0x4000, $0x38;
	[tilespmem:$0x1EA80] =	vst v63  }
0x50: {  	_ = 	snop  }
0x51: {  	[spmem:s9] =	stream.linear.scatter [tilespmem:s22], [sflag:$0x1], $0x4000, $0x38;
	[tilespmem:$0x1EA80] =	vst v63  }
0x52: {  	_ = 	snop  }
0x53: {  	[spmem:s10] =	stream.linear.scatter [tilespmem:s22], [sflag:$0x1], $0x4000, $0x38;
	[tilespmem:$0x1EA80] =	vst v63  }
0x54: {  	_ = 	snop  }
0x55: {  	[spmem:s11] =	stream.linear.scatter [tilespmem:s22], [sflag:$0x1], $0x4000, $0x38;
	[tilespmem:$0x1EA80] =	vst v63  }
0x56: {  	_ = 	snop  }
0x57: {  	[spmem:s12] =	stream.linear.scatter [tilespmem:s22], [sflag:$0x1], $0x4000, $0x38;
	[tilespmem:$0x1EA80] =	vst v63  }
0x58: {  	_ =	swait.ge [sflag:s23], $0x4000  }
0x59: {  	[sflag:s23] =	ssyncset.done $0x0  }
0x5a: {  	[sflag:s23] =	ssyncadd.s32 $0xFFFFC000  }
0x5b: {  	_ =	swait.ge [sflag:s23], $0x4000  }
0x5c: {  	[sflag:s23] =	ssyncset.done $0x0  }
0x5d: {  	[sflag:s23] =	ssyncadd.s32 $0xFFFFC000  }
0x5e: {  	_ =	swait.ge [sflag:s23], $0x4000  }
0x5f: {  	[sflag:s23] =	ssyncset.done $0x0  }
0x60: {  	[sflag:s23] =	ssyncadd.s32 $0xFFFFC000  }
0x61: {  	_ =	swait.ge [sflag:s23], $0x4000  }
0x62: {  	[sflag:s23] =	ssyncset.done $0x0  }
0x63: {  	[sflag:s23] =	ssyncadd.s32 $0xFFFFC000  }
0x64: {  	_ =	swait.ge [sflag:s23], $0x4000  }
0x65: {  	[sflag:s23] =	ssyncset.done $0x0  }
0x66: {  	[sflag:s23] =	ssyncadd.s32 $0xFFFFC000  }
0x67: {  	[bflag:$0x0] =	sbarrier.arrive $0xFFFF  }
0x68: {  	v1 =	vld [tilespmem:$0x0]  }
0x69: {  	v2 =	vld [tilespmem:$0x10]  }
0x6a: {  	v3 =	vld [tilespmem:$0x20]  }
0x6b: {  	v4 =	vld [tilespmem:$0x30]  }
0x6c: {  	v5 =	vld [tilespmem:$0x40]  }
0x6d: {  	v6 =	vld [tilespmem:$0x50];
	v1 =	vshrl.u32 v1, $0x10  }
0x6e: {  	[tilespmem:$0x2800] =	vst v1;
	v1 =	vshrl.u32 v2, $0x10;
	v2 =	vld [tilespmem:$0x60]  }
0x6f: {  	[tilespmem:$0x2810] =	vst v1;
	v1 =	vshrl.u32 v3, $0x10;
	v3 =	vld [tilespmem:$0x70]  }
0x70: {  	[tilespmem:$0x2820] =	vst v1;
	v1 =	vshrl.u32 v4, $0x10  }
0x71: {  	[tilespmem:$0x2830] =	vst v1;
	v1 =	vshrl.u32 v5, $0x10  }
0x72: {  	[tilespmem:$0x2840] =	vst v1;
	v1 =	vshrl.u32 v6, $0x10  }
0x73: {  	[tilespmem:$0x2850] =	vst v1;
	v1 =	vshrl.u32 v2, $0x10  }
0x74: {  	[tilespmem:$0x2860] =	vst v1;
	v1 =	vshrl.u32 v3, $0x10  }
0x75: {  	s25 =	simm.s32 $0x2800;
	[tilespmem:$0x2870] =	vst v1  }
0x76: {  	[tilespmem:s22], [sflag:$0x1] =	stream.indirect.gather [hbm4b:s2+s24], $0x80, s25, s24, $0xb8;
	[tilespmem:$0x1EA80] =	vst v63  }
0x77: {  	v1 =	vld [tilespmem:$0x80]  }
0x78: {  	v2 =	vld [tilespmem:$0x90]  }
0x79: {  	v3 =	vld [tilespmem:$0xA0]  }
0x7a: {  	v61 =	vld [tilespmem:$0xB0]  }
0x7b: {  	v62 =	vld [tilespmem:$0xC0]  }
0x7c: {  	v63 =	vld [tilespmem:$0xD0];
	v1 =	vshrl.u32 v1, $0x10  }
0x7d: {  	[tilespmem:$0x2880] =	vst v1;
	v1 =	vshrl.u32 v2, $0x10;
	v2 =	vld [tilespmem:$0xE0]  }
0x7e: {  	[tilespmem:$0x2890] =	vst v1;
	v1 =	vshrl.u32 v3, $0x10;
	v3 =	vld [tilespmem:$0xF0]  }
0x7f: {  	[tilespmem:$0x28A0] =	vst v1;
	v1 =	vshrl.u32 v61, $0x10  }
0x80: {  	[tilespmem:$0x28B0] =	vst v1;
	v1 =	vshrl.u32 v62, $0x10  }
0x81: {  	[tilespmem:$0x28C0] =	vst v1;
	v1 =	vshrl.u32 v63, $0x10  }
0x82: {  	[tilespmem:$0x28D0] =	vst v1;
	v1 =	vshrl.u32 v2, $0x10  }
0x83: {  	[tilespmem:$0x28E0] =	vst v1;
	v1 =	vshrl.u32 v3, $0x10  }
0x84: {  	s0 =	simm.s32 $0x0;
	[tilespmem:$0x28F0] =	vst v1  }
0x85: {  	[tilespmem:s28], [sflag:$0x2] =	stream.indirect.gather [hbm4b:s2+s24], $0x80, s26, s24, $0xb8;
	[tilespmem:$0x1EA80] =	vst v63  }
.LBB2_4:
0x86: {  	_ =	swait.ge [sflag:s23], $0x4000  }
0x87: {  	[sflag:s23] =	ssyncset.done $0x0  }
0x88: {  	s25 =	sshra.s32 s0, $0x2;
	[sflag:s23] =	ssyncadd.s32 $0xFFFFC000  }
0x89: {  	v1 =	vld [tilespmem:s25+$0x0];
	_ =	sdelay $0x4  }
0x8a: {  	v1 =	vand.u32 $0xFFFF, v1  }
0x8b: {  	[tilespmem:$0x2900] =	vst v1  }
0x8c: {  	v1 =	vld [tilespmem:s25+$0x10];
	_ =	sdelay $0x4  }
0x8d: {  	v1 =	vand.u32 $0xFFFF, v1  }
0x8e: {  	[tilespmem:$0x2910] =	vst v1  }
0x8f: {  	v1 =	vld [tilespmem:s25+$0x20];
	_ =	sdelay $0x4  }
0x90: {  	v1 =	vand.u32 $0xFFFF, v1  }
0x91: {  	[tilespmem:$0x2920] =	vst v1  }
0x92: {  	v1 =	vld [tilespmem:s25+$0x30];
	_ =	sdelay $0x4  }
0x93: {  	v1 =	vand.u32 $0xFFFF, v1  }
0x94: {  	[tilespmem:$0x2930] =	vst v1  }
0x95: {  	v1 =	vld [tilespmem:s25+$0x40];
	_ =	sdelay $0x4  }
0x96: {  	v1 =	vand.u32 $0xFFFF, v1  }
0x97: {  	[tilespmem:$0x2940] =	vst v1  }
0x98: {  	v1 =	vld [tilespmem:s25+$0x50];
	_ =	sdelay $0x4  }
0x99: {  	v1 =	vand.u32 $0xFFFF, v1  }
0x9a: {  	[tilespmem:$0x2950] =	vst v1  }
0x9b: {  	v1 =	vld [tilespmem:s25+$0x60];
	_ =	sdelay $0x4  }
0x9c: {  	v1 =	vand.u32 $0xFFFF, v1  }
0x9d: {  	[tilespmem:$0x2960] =	vst v1  }
0x9e: {  	v1 =	vld [tilespmem:s25+$0x70];
	_ =	sdelay $0x4  }
0x9f: {  	v1 =	vand.u32 $0xFFFF, v1  }
0xa0: {  	[tilespmem:$0x2970] =	vst v1  }
0xa1: {  	[spmem:s3] =	stream.indirect.scatter.add.f32 [tilespmem:s22], [sflag:$0x3], $0x80, s29, s24, $0xb8;
	[tilespmem:$0x1EA80] =	vst v63  }
0xa2: {  	_ =	swait.ge [sflag:s19], $0x4000  }
0xa3: {  	p0 =	seq.s32 s0, $0x9800;
	[sflag:s19] =	ssyncset.done $0x0  }
0xa4: {  	s5 =	sshra.s32 @!p0 s0, $0x2;
	[sflag:s19] =	ssyncadd.s32 $0xFFFFC000  }
0xa5: {  	v1 =	vld @!p0 [tilespmem:s5+$0x100];
	_ =	sdelay $0x4  }
0xa6: {  	v1 =	vshrl.u32 @!p0 v1, $0x10  }
0xa7: {  	[tilespmem:$0x2800] =	vst @!p0 v1  }
0xa8: {  	v1 =	vld @!p0 [tilespmem:s5+$0x110];
	_ =	sdelay $0x4  }
0xa9: {  	v1 =	vshrl.u32 @!p0 v1, $0x10  }
0xaa: {  	[tilespmem:$0x2810] =	vst @!p0 v1  }
0xab: {  	v1 =	vld @!p0 [tilespmem:s5+$0x120];
	_ =	sdelay $0x4  }
0xac: {  	v1 =	vshrl.u32 @!p0 v1, $0x10  }
0xad: {  	[tilespmem:$0x2820] =	vst @!p0 v1  }
0xae: {  	v1 =	vld @!p0 [tilespmem:s5+$0x130];
	_ =	sdelay $0x4  }
0xaf: {  	v1 =	vshrl.u32 @!p0 v1, $0x10  }
0xb0: {  	[tilespmem:$0x2830] =	vst @!p0 v1  }
0xb1: {  	v1 =	vld @!p0 [tilespmem:s5+$0x140];
	_ =	sdelay $0x4  }
0xb2: {  	v1 =	vshrl.u32 @!p0 v1, $0x10  }
0xb3: {  	[tilespmem:$0x2840] =	vst @!p0 v1  }
0xb4: {  	v1 =	vld @!p0 [tilespmem:s5+$0x150];
	_ =	sdelay $0x4  }
0xb5: {  	v1 =	vshrl.u32 @!p0 v1, $0x10  }
0xb6: {  	[tilespmem:$0x2850] =	vst @!p0 v1  }
0xb7: {  	v1 =	vld @!p0 [tilespmem:s5+$0x160];
	_ =	sdelay $0x4  }
0xb8: {  	v1 =	vshrl.u32 @!p0 v1, $0x10  }
0xb9: {  	[tilespmem:$0x2860] =	vst @!p0 v1  }
0xba: {  	v1 =	vld @!p0 [tilespmem:s5+$0x170];
	_ =	sdelay $0x4  }
0xbb: {  	v1 =	vshrl.u32 @!p0 v1, $0x10  }
0xbc: {  	s6 =	simm.s32 @!p0 $0x2800;
	s8 =	simm.s32 @!p0 $0x2A80;
	s5 =	simm.s32 @!p0 $0x80;
	[tilespmem:$0x2870] =	vst @!p0 v1  }
0xbd: {  	[tilespmem:s8], [sflag:$0x1] =	stream.indirect.gather @!p0 [hbm4b:s2+s5], $0x80, s6, s5, $0xb8;
	[tilespmem:$0x1EA80] =	vst v63  }
0xbe: {  	_ =	swait.ge [sflag:s30], $0x4000  }
0xbf: {  	[sflag:s30] =	ssyncset.done $0x0  }
0xc0: {  	[sflag:s30] =	ssyncadd.s32 $0xFFFFC000  }
0xc1: {  	v1 =	vld [tilespmem:s25+$0x80];
	_ =	sdelay $0x4  }
0xc2: {  	v1 =	vand.u32 $0xFFFF, v1  }
0xc3: {  	[tilespmem:$0x2900] =	vst v1  }
0xc4: {  	v1 =	vld [tilespmem:s25+$0x90];
	_ =	sdelay $0x4  }
0xc5: {  	v1 =	vand.u32 $0xFFFF, v1  }
0xc6: {  	[tilespmem:$0x2910] =	vst v1  }
0xc7: {  	v1 =	vld [tilespmem:s25+$0xA0];
	_ =	sdelay $0x4  }
0xc8: {  	v1 =	vand.u32 $0xFFFF, v1  }
0xc9: {  	[tilespmem:$0x2920] =	vst v1  }
0xca: {  	v1 =	vld [tilespmem:s25+$0xB0];
	_ =	sdelay $0x4  }
0xcb: {  	v1 =	vand.u32 $0xFFFF, v1  }
0xcc: {  	[tilespmem:$0x2930] =	vst v1  }
0xcd: {  	v1 =	vld [tilespmem:s25+$0xC0];
	_ =	sdelay $0x4  }
0xce: {  	v1 =	vand.u32 $0xFFFF, v1  }
0xcf: {  	[tilespmem:$0x2940] =	vst v1  }
0xd0: {  	v1 =	vld [tilespmem:s25+$0xD0];
	_ =	sdelay $0x4  }
0xd1: {  	v1 =	vand.u32 $0xFFFF, v1  }
0xd2: {  	[tilespmem:$0x2950] =	vst v1  }
0xd3: {  	v1 =	vld [tilespmem:s25+$0xE0];
	_ =	sdelay $0x4  }
0xd4: {  	v1 =	vand.u32 $0xFFFF, v1  }
0xd5: {  	[tilespmem:$0x2960] =	vst v1  }
0xd6: {  	v1 =	vld [tilespmem:s25+$0xF0];
	_ =	sdelay $0x4  }
0xd7: {  	v1 =	vand.u32 $0xFFFF, v1  }
.Ltmp3:
0xd8: {  	[tilespmem:$0x2970] =	vst v1;
	(pc) =	sbr.rel @p0 .LBB2_6-.Ltmp3, $4  }
0xd9: {  	[spmem:s3] =	stream.indirect.scatter.add.f32 [tilespmem:s28], [sflag:$0x3], $0x80, s29, s24, $0xb8;
	[tilespmem:$0x1EA80] =	vst v63  }
0xda: {  	_ =	swait.ge [sflag:s19], $0x4000  }
0xdb: {  	[sflag:s19] =	ssyncset.done $0x0  }
0xdc: {  	[sflag:s19] =	ssyncadd.s32 $0xFFFFC000  }
0xdd: {  	v1 =	vld [tilespmem:s25+$0x180];
	_ =	sdelay $0x4  }
0xde: {  	v1 =	vshrl.u32 v1, $0x10  }
0xdf: {  	[tilespmem:$0x2880] =	vst v1  }
0xe0: {  	v1 =	vld [tilespmem:s25+$0x190];
	_ =	sdelay $0x4  }
0xe1: {  	v1 =	vshrl.u32 v1, $0x10  }
0xe2: {  	[tilespmem:$0x2890] =	vst v1  }
0xe3: {  	v1 =	vld [tilespmem:s25+$0x1A0];
	_ =	sdelay $0x4  }
0xe4: {  	v1 =	vshrl.u32 v1, $0x10  }
0xe5: {  	[tilespmem:$0x28A0] =	vst v1  }
0xe6: {  	v1 =	vld [tilespmem:s25+$0x1B0];
	_ =	sdelay $0x4  }
0xe7: {  	v1 =	vshrl.u32 v1, $0x10  }
0xe8: {  	[tilespmem:$0x28B0] =	vst v1  }
0xe9: {  	v1 =	vld [tilespmem:s25+$0x1C0];
	_ =	sdelay $0x4  }
0xea: {  	v1 =	vshrl.u32 v1, $0x10  }
0xeb: {  	[tilespmem:$0x28C0] =	vst v1  }
0xec: {  	v1 =	vld [tilespmem:s25+$0x1D0];
	_ =	sdelay $0x4  }
0xed: {  	v1 =	vshrl.u32 v1, $0x10  }
0xee: {  	[tilespmem:$0x28D0] =	vst v1  }
0xef: {  	v1 =	vld [tilespmem:s25+$0x1E0];
	_ =	sdelay $0x4  }
0xf0: {  	v1 =	vshrl.u32 v1, $0x10  }
0xf1: {  	[tilespmem:$0x28E0] =	vst v1  }
0xf2: {  	v1 =	vld [tilespmem:s25+$0x1F0];
	_ =	sdelay $0x2  }
.Ltmp4:
0xf3: {  	_ = 	snop;
	(pc) =	sbr.rel .LBB2_4-.Ltmp4, $4  }
0xf4: {  	_ = 	snop  }
0xf5: {  	v1 =	vshrl.u32 v1, $0x10  }
0xf6: {  	s0 =	sadd.s32 $0x400, s0;
	[tilespmem:$0x28F0] =	vst v1  }
0xf7: {  	[tilespmem:s28], [sflag:$0x2] =	stream.indirect.gather [hbm4b:s2+s24], $0x80, s26, s24, $0xb8;
	[tilespmem:$0x1EA80] =	vst v63  }
.LBB2_7:
0xf8: {  	_ =	sfence.sel $0x180000  }
0xf9: {  	[bflag:$0x0] =	sbarrier.arrive $0xFFFF  }
0xfa: {  	_ =	strace $0x9000004A  }
0xfb: {  	s0 =	stileid.u32;
	[bflag:$0x2] =	sbarrier.arrive $0xFFFF  }
0xfc: {  	p0 =	sne.s32 s0, $0x0;
	s0 =	rddreg [dreg:$0x3]  }
0xfd: {  	s0 =	sadd.s32 @!p0 $0x100000, s0  }
0xfe: {  	[sflag:s0] =	ssyncadd.tile.s32 @!p0 $0x1;
	_ =	shalt  }
.Lfunc_end2:
_tile_overlayer_lowered:
.L_overlay_start_2:
0xff: {  	(tag) =	ssettag $0x2  }
0x100: {  	s0 =	rddreg [dreg:$0x0];
	s2 =	stileid.u32  }
0x101: {  	s1 =	rddreg [dreg:$0x1];
	p0 =	sne.s32 s2, $0x0  }
0x102: {  	s3 =	rddreg [dreg:$0x2];
	[bflag:$0x3] =	sbarrier.arrive $0xFFFF;
	s2 =	simm.s32 @!p0 $0x1C03  }
0x103: {  	[timem:s3], [sflag:s2] =	dma.local @!p0 [hbm:s0], s1  }
0x104: {  	s0 =	simm.s32 @!p0 $0x3  }
0x105: {  	_ =	swait.ge @!p0 [sflag:s0], s1  }
0x106: {  	s1 =	ssub.s32 @!p0 $0x0, s1;
	[sflag:s0] =	ssyncset.done @!p0 $0x0  }
0x107: {  	[sflag:s0] =	ssyncadd.s32 @!p0 s1  }
0x108: {  	[bflag:$0x3] =	sbarrier.arrive $0xFFFF  }
0x109: {  	_ =	shalt  }

// kernel: kernel.13.cloned.1.call-start
scs
__scs_entry_jumppad:
0x0: {  	(pc) =	sbr.rel $0x88, $3  }
0x1: {  	(tag) =	ssettag $0x0;
	lr =	simm.s32 $0x1  }
0x2: {  	[smem:$0x3F99] =	sst lr;
	_ =	strace $0xD0000000  }
0x3: {  	_ = 	snop  }
0x4: {  	_ = 	snop  }
0x5: {  	_ = 	snop  }
0x6: {  	_ = 	snop  }
0x7: {  	_ = 	snop  }
__scs_overlays_trampoline_lowered:
0x8: {  	[smem:$0x3FA8] =	sst s0  }
0x9: {  	[smem:$0x3FA9] =	sst s1  }
0xa: {  	[smem:$0x3FAA] =	sst s2  }
0xb: {  	[smem:$0x3FAB] =	sst s3  }
0xc: {  	[smem:$0x3FAC] =	sst s4  }
0xd: {  	[smem:$0x3FAD] =	sst s5  }
0xe: {  	[smem:$0x3FAE] =	sst s6  }
0xf: {  	[smem:$0x3FAF] =	sst s7  }
0x10: {  	[smem:$0x3FB0] =	sst s8  }
0x11: {  	[smem:$0x3FB1] =	sst s9;
	s0 =	simm.s32 @!p0 $0x0  }
0x12: {  	s1 =	sld [smem:$0x3F97];
	s0 =	simm.s32 @p0 $0x1  }
0x13: {  	[smem:$0x3FB2] =	sst s0;
	s0 =	simm.s32 @!p1 $0x0  }
0x14: {  	s2 =	sld [smem:$0x3F96];
	s0 =	simm.s32 @p1 $0x1  }
0x15: {  	[smem:$0x3FB3] =	sst s0;
	s0 =	simm.s32 @!p2 $0x0  }
0x16: {  	s3 =	sld [smem:$0x3FDB];
	s0 =	simm.s32 @p2 $0x1  }
0x17: {  	s4 =	simm.s32 $0x1BF5;
	[smem:$0x3FB5] =	sst s0  }
0x18: {  	s0 =	sld [smem:$0x3F98];
	_ =	swait.ge [sflag:s4], $0x0  }
0x19: {  	s7 =	sld [smem:$0x3F99]  }
0x1a: {  	s8 =	sadd.s32 $0xFFFFE003, lr  }
0x1b: {  	s9 =	sadd.s32 $0xFFFFFEF7, lr;
	s5 =	simm.s32 $0xFFFFFFFF;
	p2 =	slt.u32 s8, $0xFFFFF086  }
0x1c: {  	p1 =	slt.u32 s9, $0xF7A;
	s5 =	simm.s32 @!p2 $0x0  }
0x1d: {  	s5 =	simm.s32 @p1 $0x1;
	p0 =	seq.s32 s7, s2  }
0x1e: {  	s7 =	smul.u32 @!p0 $0xF7A, s2;
	p2 =	seq.s32 @!p0 s5, $0x0  }
0x1f: {  	s9 =	smul.u32 $0xF7A, s1;
	s8 =	simm.s32 @!p0 $0x1BF5;
	p2 =	por !p2, p0  }
0x20: {  	[sflag:s8] =	ssyncset.s32 @!p0 $0xFFFFF086;
	s6 =	sadd.s32 @!p0 s3, s7;
	s7 =	simm.s32 @!p0 $0x108  }
0x21: {  	s3 =	sadd.s32 s3, s9;
	s6 =	sadd.s32 @!p0 $0x88, s6;
	s7 =	simm.s32 @p2 $0x1082  }
0x22: {  	[simem:s7], [sflag:s8] =	dma.local @!p0 [hbm:s6], $0xF7A  }
0x23: {  	s9 =	sor.u32 $0xD0000000, s2;
	s6 =	simm.s32 $0x108;
	_ =	swait.ge @!p0 [sflag:s8], $0x0  }
0x24: {  	s3 =	sadd.s32 $0x88, s3;
	s6 =	simm.s32 @!p1 $0x1082;
	[sflag:s4] =	ssyncset.s32 $0xFFFFF086  }
0x25: {  	[simem:s6], [sflag:s4] =	dma.local [hbm:s3], $0xF7A  }
0x26: {  	[smem:$0x3F99] =	sst s1;
	(tag) =	ssettag s2;
	_ =	strace s9  }
0x27: {  	s1 =	sld [smem:$0x3FA9]  }
0x28: {  	s2 =	sld [smem:$0x3FAA]  }
0x29: {  	s4 =	sld [smem:$0x3FAC]  }
0x2a: {  	p0 =	seq.s32 s5, $0x0;
	s5 =	sld [smem:$0x3FAD]  }
0x2b: {  	s6 =	sld [smem:$0x3FAE]  }
0x2c: {  	s7 =	sld [smem:$0x3FAF]  }
0x2d: {  	s3 =	simm.s32 $0x108;
	s8 =	sld [smem:$0x3FB0]  }
0x2e: {  	s3 =	simm.s32 @!p0 $0x1082;
	s9 =	sld [smem:$0x3FB1]  }
0x2f: {  	lr =	sadd.s32 s0, s3;
	s0 =	sld [smem:$0x3FA8]  }
0x30: {  	s3 =	sld [smem:$0x3FAB]  }
0x31: {  	[smem:$0x3FB4] =	sst s10  }
0x32: {  	s10 =	sld [smem:$0x3FB2];
	_ =	sdelay $0x3  }
0x33: {  	p0 =	seq.s32 s10, $0x1;
	s10 =	sld [smem:$0x3FB4];
	_ =	sdelay $0x3  }
0x34: {  	[smem:$0x3FB4] =	sst s10  }
0x35: {  	s10 =	sld [smem:$0x3FB3];
	_ =	sdelay $0x3  }
0x36: {  	p1 =	seq.s32 s10, $0x1;
	s10 =	sld [smem:$0x3FB4];
	_ =	sdelay $0x3  }
0x37: {  	[smem:$0x3FB4] =	sst s10  }
0x38: {  	s10 =	sld [smem:$0x3FB5]  }
0x39: {  	_ = 	snop;
	(pc) =	sbr.ind lr, $3  }
0x3a: {  	_ = 	snop  }
0x3b: {  	_ = 	snop  }
0x3c: {  	p2 =	seq.s32 s10, $0x1;
	s10 =	sld [smem:$0x3FB4]  }
0x3d: {  	_ =	shalt  }
0x3e: {  	_ =	shalt  }
0x3f: {  	_ =	shalt  }
0x40: {  	_ =	shalt  }
0x41: {  	_ =	shalt  }
0x42: {  	_ =	shalt  }
0x43: {  	_ =	shalt  }
0x44: {  	_ =	shalt  }
0x45: {  	_ =	shalt  }
0x46: {  	_ =	shalt  }
0x47: {  	_ =	shalt  }
0x48: {  	_ =	shalt  }
0x49: {  	_ =	shalt  }
0x4a: {  	_ =	shalt  }
0x4b: {  	_ =	shalt  }
0x4c: {  	_ =	shalt  }
0x4d: {  	_ =	shalt  }
0x4e: {  	_ =	shalt  }
0x4f: {  	_ =	shalt  }
0x50: {  	_ =	shalt  }
0x51: {  	_ =	shalt  }
0x52: {  	_ =	shalt  }
0x53: {  	_ =	shalt  }
0x54: {  	_ =	shalt  }
0x55: {  	_ =	shalt  }
0x56: {  	_ =	shalt  }
0x57: {  	_ =	shalt  }
0x58: {  	_ =	shalt  }
0x59: {  	_ =	shalt  }
0x5a: {  	_ =	shalt  }
0x5b: {  	_ =	shalt  }
0x5c: {  	_ =	shalt  }
0x5d: {  	_ =	shalt  }
0x5e: {  	_ =	shalt  }
0x5f: {  	_ =	shalt  }
0x60: {  	_ =	shalt  }
0x61: {  	_ =	shalt  }
0x62: {  	_ =	shalt  }
0x63: {  	_ =	shalt  }
0x64: {  	_ =	shalt  }
0x65: {  	_ =	shalt  }
0x66: {  	_ =	shalt  }
0x67: {  	_ =	shalt  }
0x68: {  	_ =	shalt  }
0x69: {  	_ =	shalt  }
0x6a: {  	_ =	shalt  }
0x6b: {  	_ =	shalt  }
0x6c: {  	_ =	shalt  }
0x6d: {  	_ =	shalt  }
0x6e: {  	_ =	shalt  }
0x6f: {  	_ =	shalt  }
0x70: {  	_ =	shalt  }
0x71: {  	_ =	shalt  }
0x72: {  	_ =	shalt  }
0x73: {  	_ =	shalt  }
0x74: {  	_ =	shalt  }
0x75: {  	_ =	shalt  }
0x76: {  	_ =	shalt  }
0x77: {  	_ =	shalt  }
0x78: {  	_ =	shalt  }
0x79: {  	_ =	shalt  }
0x7a: {  	_ =	shalt  }
0x7b: {  	_ =	shalt  }
0x7c: {  	_ =	shalt  }
0x7d: {  	_ =	shalt  }
0x7e: {  	_ =	shalt  }
0x7f: {  	_ =	shalt  }
0x80: {  	_ =	shalt  }
0x81: {  	_ =	shalt  }
0x82: {  	_ =	shalt  }
0x83: {  	_ =	shalt  }
0x84: {  	_ =	shalt  }
0x85: {  	_ =	shalt  }
0x86: {  	_ =	shalt  }
0x87: {  	_ =	shalt  }
.Lfunc_end0:
.L_simem_size_0:
called_computation.2_lowered:
.L_overlay_start_0:
0x88: {  	s2 =	sld [smem:$0x3FD9]  }
0x89: {  	s3 =	sld [smem:$0x3FFE];
	_ =	sdelay $0x1  }
0x8a: {  	s1 =	srdreg.scid  }
0x8b: {  	s0 =	sand.u32 $0x1, s1  }
0x8c: {  	s17 =	sshll.u32 s0, $0xA;
	s2 =	sadd.s32 s3, s2  }
0x8d: {  	s2 =	sadd.s32 s2, s17  }
0x8e: {  	[smem:$0x3FC0] =	sst s2  }
0x8f: {  	_ = 	snop  }
0x90: {  	s2 =	sld [smem:$0x3FD0];
	(tm) =	ssettm $0x1  }
0x91: {  	s18 =	sld [smem:$0x3FFB];
	_ =	sdelay $0x3  }
0x92: {  	_ =	strace s18  }
0x93: {  	s3 =	sld [smem:$0x3FFC];
	_ =	sdelay $0x3  }
0x94: {  	_ =	strace s3  }
0x95: {  	s3 =	sld [smem:$0x3FFD];
	_ =	sdelay $0x3  }
0x96: {  	_ =	strace s3  }
0x97: {  	_ =	strace $0x8FFFFFFF  }
0x98: {  	s19 =	sld [smem:$0x3FDB];
	_ =	sdelay $0x1  }
0x99: {  	s4 =	simm.s32 $_scs_section_size  }
0x9a: {  	s5 =	simm.s32 $_size__tile_overlayer_lowered;
	s6 =	simm.s32 $_tile_overlayer_lowered  }
0x9b: {  	s22 =	simm.s32 $0x1BFF;
	s21 =	sshll.u32 s6, $0x1;
	s3 =	sadd.s32 s4, s19  }
0x9c: {  	s7 =	simm.s32 $0x0;
	s20 =	sshll.u32 s5, $0x1;
	s5 =	sadd.s32 s21, s3  }
0x9d: {  	[timem:s7], [sflag:s22] =	dma.local [hbm:s5], s20  }
0x9e: {  	_ =	swait.ge [sflag:s22], s20  }
0x9f: {  	s4 =	ssub.s32 $0x0, s20;
	[sflag:s22] =	ssyncset.done $0x0  }
0xa0: {  	[sflag:s22] =	ssyncadd.s32 s4;
	_ =	sdelay $0x1  }
0xa1: {  	s23 =	simm.s32 $0x1B8B  }
0xa2: {  	_ =	swait.ge [sflag:s23], $0x1  }
0xa3: {  	[sflag:s23] =	ssyncset.done $0x0  }
0xa4: {  	s25 =	simm.s32 $0x1B8E;
	s24 =	sld [smem:$0x3FFE];
	[sflag:s23] =	ssyncadd.s32 $0xFFFFFFFF  }
0xa5: {  	s26 =	simm.s32 $execute0_lowered;
	[smem:$0x3FD2] =	sst s25  }
0xa6: {  	s5 =	sshll.u32 s26, $0x1;
	_ =	strace $0x8000004C;
	[dreg:$0x1] =	wrdreg $0xFFFFFFFF  }
0xa7: {  	s28 =	simm.s32 $_size_execute0_lowered;
	s3 =	sadd.s32 s3, s5;
	[dreg:$0x0] =	wrdreg $0x0  }
0xa8: {  	s5 =	sshll.u32 s28, $0x1;
	[dreg:$0x2] =	wrdreg s3  }
0xa9: {  	[dreg:$0x3] =	wrdreg s5  }
0xaa: {  	[dreg:$0x4] =	wrdreg $0xC0  }
0xab: {  	_ =	task [dreg:s7], $0x5FFFF  }
0xac: {  	[dreg:$0x1] =	wrdreg $0xFFFFFFFF  }
0xad: {  	[dreg:$0x0] =	wrdreg $0x60  }
0xae: {  	[dreg:$0x2] =	wrdreg s24  }
0xaf: {  	[dreg:$0x3] =	wrdreg s2  }
0xb0: {  	[dreg:$0x4] =	wrdreg $0xAA800  }
0xb1: {  	[dreg:$0x5] =	wrdreg $0x9  }
0xb2: {  	_ =	task.clear_ibuf [dreg:s7], $0x6FFFF;
	_ =	strace $0x9000004C  }
0xb3: {  	s29 =	simm.s32 $0x9;
	_ =	strace $0x8000004E  }
0xb4: {  	_ =	swait.ge [sflag:s29], $0x1  }
0xb5: {  	[sflag:s29] =	ssyncadd.s32 $0xFFFFFFFF  }
0xb6: {  	_ =	strace $0x9000004E  }
0xb7: {  	_ =	sfence  }
0xb8: {  	s30 =	sld [smem:$0x0];
	_ =	sdelay $0x2  }
0xb9: {  	s31 =	sshll.u32 s1, $0xD;
	s1 =	sshrl.u32 s1, $0x2  }
0xba: {  	s3 =	sand.u32 $0x4000, s31;
	s1 =	sadd.s32 s1, s30  }
0xbb: {  	s0 =	sor.u32 s3, s0;
	s1 =	sshll.u32 s1, $0x11  }
0xbc: {  	s0 =	sor.u32 s1, s0  }
0xbd: {  	s0 =	sadd.s32 $0x8F2B, s0  }
0xbe: {  	[sflag:s0] =	ssyncadd.remote.s32 $0x1  }
0xbf: {  	_ =	sfence.sel $0xFFFF  }
0xc0: {  	[dreg:$0x0] =	wrdreg $0xFFFFFFFF;
	(pc) =	sbr.abs _section_cstart, $3  }
0xc1: {  	[dreg:$0x1] =	wrdreg $0xFFFFFFFF  }
0xc2: {  	_ =	task.clear_ibuf [dreg:s7], $0x2FFFF;
	_ =	strace $0x9FFFFFFF  }
0xc3: {  	(tm) =	ssettm $0x7FFFFFFF  }
tec
execute0_lowered:
.L_overlay_start_1:
0x0: {  	(tag) =	ssettag $0x1  }
0x1: {  	s0 =	srdreg.scid;
	s1 =	rddreg [dreg:$0x0]  }
0x2: {  	s9 =	stileid.u32;
	s2 =	rddreg [dreg:$0x1]  }
0x3: {  	s4 =	simm.s32 $0x0;
	s28 =	simm.s32 $0x6A80;
	s29 =	simm.s32 $0x2900  }
0x4: {  	s30 =	simm.s32 $0x2;
	s31 =	simm.s32 $0x10;
	s0 =	sand.u32 $0x1, s0  }
0x5: {  	s3 =	sshll.u32 s9, $0x1;
	s7 =	smul.u32 $0x280, s9;
	[smem:$0x7FF] =	sst s4  }
0x6: {  	s19 =	smul.u32 $0x50000, s9;
	s5 =	sor.u32 s0, s3;
	s3 =	rddreg [dreg:$0x2]  }
0x7: {  	s8 =	smul.u32 $0x2800, s0;
	_ =	strace $0x8000004D;
	s0 =	ssub.s32 $0x2, s0  }
0x8: {  	s6 =	smul.u32 $0x500, s5;
	s5 =	sshll.u32 s5, $0x1;
	s22 =	sshrl.u32 s0, $0x1  }
0x9: {  	s23 =	sshrl.u32 s19, $0x2;
	s19 =	simm.s32 $0x3;
	s7 =	sadd.s32 s7, s8  }
0xa: {  	s20 =	sadd.s32 s5, s1;
	s0 =	ssub.s32 s0, s22;
	s22 =	simm.s32 $0x2A80  }
0xb: {  	s6 =	sadd.s32 s6, s1;
	s21 =	sshll.u32 s7, $0x4;
	s25 =	sadd.s32 $0x16000, s20  }
0xc: {  	s7 =	sadd.s32 s23, s3;
	s26 =	sadd.s32 $0xC200, s20;
	s18 =	smax.u32 s0, $0x1  }
0xd: {  	s20 =	simm.s32 $0x2980;
	s23 =	simm.s32 $0x1;
	[dreg:$0x5] =	wrdreg s25  }
0xe: {  	s1 =	sadd.s32 s21, s1;
	s24 =	sadd.s32 $0x16200, s6;
	[dreg:$0x6] =	wrdreg s26  }
.Ltmp0:
0xf: {  	s9 =	sadd.s32 $0x4000, s7;
	s10 =	sadd.s32 $0x8000, s7;
	(pc) =	sbr.rel .LBB2_1-.Ltmp0, $4  }
0x10: {  	s11 =	sadd.s32 $0xC000, s7;
	s12 =	sadd.s32 $0x10000, s7;
	s21 =	simm.s32 $0x2A00  }
0x11: {  	s26 =	simm.s32 $0x2880;
	[dreg:$0x4] =	wrdreg s24;
	s13 =	sadd.s32 $0x20200, s1  }
0x12: {  	s14 =	sadd.s32 $0x20A00, s1;
	s15 =	sadd.s32 $0x21200, s1;
	s16 =	sadd.s32 $0x21A00, s1  }
0x13: {  	v0 =	vimm.f32 $0.0e+00;
	s17 =	sadd.s32 $0x22200, s1;
	s24 =	simm.s32 $0x80;
	s1 =	simm.s32 $0x0  }
.LBB2_6:
0x14: {  	[tilespmem:s22], [sflag:$0x1] =	stream.indirect.gather [hbm4b:s2+s31], $0x80, s20, s31, $0xb8;
	[tilespmem:$0x1EA80] =	vst v63  }
0x15: {  	_ =	swait.ge [sflag:s23], $0x800  }
0x16: {  	[sflag:s23] =	ssyncset.done $0x0  }
0x17: {  	[sflag:s23] =	ssyncadd.s32 $0xFFFFF800  }
0x18: {  	[spmem:s3] =	stream.indirect.scatter.add.f32 [tilespmem:s22], [sflag:$0x3], $0x80, s21, s31, $0xb8;
	[tilespmem:$0x1EA80] =	vst v63  }
0x19: {  	_ =	swait.ge [sflag:s19], $0x800  }
0x1a: {  	s0 =	stileid.u32;
	[sflag:s19] =	ssyncset.done $0x0  }
0x1b: {  	s5 =	sshrl.u32 s7, $0x3;
	s0 =	sshll.u32 s0, $0x6;
	[sflag:s19] =	ssyncadd.s32 $0xFFFFF800  }
0x1c: {  	s25 =	sshrl.u32 s9, $0x3;
	s0 =	sor.u32 $0x1C02, s0;
	[bflag:$0x0] =	sbarrier.arrive $0xFFFF  }
0x1d: {  	[hbm:s13], [sflag:s0] =	dma.local [spmem:s5], $0x800  }
0x1e: {  	[hbm:s14], [sflag:s0] =	dma.local [spmem:s25], $0x800  }
0x1f: {  	s6 =	sshrl.u32 s10, $0x3;
	s8 =	sshrl.u32 s11, $0x3;
	s25 =	sshrl.u32 s12, $0x3  }
0x20: {  	[hbm:s15], [sflag:s0] =	dma.local [spmem:s6], $0x800  }
0x21: {  	[hbm:s16], [sflag:s0] =	dma.local [spmem:s8], $0x800  }
0x22: {  	[hbm:s17], [sflag:s0] =	dma.local [spmem:s25], $0x800  }
0x23: {  	_ =	swait.ge [sflag:s30], $0x800  }
0x24: {  	[sflag:s30] =	ssyncset.done $0x0  }
0x25: {  	[sflag:s30] =	ssyncadd.s32 $0xFFFFF800  }
0x26: {  	_ =	swait.ge [sflag:s30], $0x800  }
0x27: {  	[sflag:s30] =	ssyncset.done $0x0  }
0x28: {  	[sflag:s30] =	ssyncadd.s32 $0xFFFFF800  }
0x29: {  	_ =	swait.ge [sflag:s30], $0x800  }
0x2a: {  	[sflag:s30] =	ssyncset.done $0x0  }
0x2b: {  	s1 =	sadd.s32 $0x1, s1;
	[sflag:s30] =	ssyncadd.s32 $0xFFFFF800  }
0x2c: {  	p0 =	sne.s32 s1, s18;
	_ =	swait.ge [sflag:s30], $0x800  }
.Ltmp1:
0x2d: {  	[sflag:s30] =	ssyncset.done $0x0;
	(pc) =	sbr.rel @!p0 .LBB2_7-.Ltmp1, $4  }
0x2e: {  	[sflag:s30] =	ssyncadd.s32 $0xFFFFF800  }
0x2f: {  	_ =	swait.ge [sflag:s30], $0x800  }
0x30: {  	[sflag:s30] =	ssyncset.done $0x0  }
0x31: {  	[sflag:s30] =	ssyncadd.s32 $0xFFFFF800  }
.LBB2_1:
0x32: {  	s0 =	rddreg [dreg:$0x4]  }
0x33: {  	[tilespmem:s4], [sflag:$0x3] =	stream.linear.gather [hbm4b:s0+s4], $0x2700, $0x38;
	[tilespmem:$0x1EA80] =	vst v63  }
0x34: {  	_ =	swait.ge [sflag:s19], $0x2700  }
0x35: {  	[sflag:s19] =	ssyncset.done $0x0  }
0x36: {  	s8 =	rddreg [dreg:$0x5];
	[sflag:s19] =	ssyncadd.s32 $0xFFFFD900  }
0x37: {  	[tilespmem:s20], [sflag:$0x3] =	stream.linear.gather [hbm4b:s8+s4], $0x10, $0x38;
	[tilespmem:$0x1EA80] =	vst v63  }
0x38: {  	_ =	swait.ge [sflag:s19], $0x10  }
0x39: {  	[sflag:s19] =	ssyncset.done $0x0  }
0x3a: {  	s25 =	rddreg [dreg:$0x6];
	[sflag:s19] =	ssyncadd.s32 $0xFFFFFFF0  }
0x3b: {  	[tilespmem:s21], [sflag:$0x3] =	stream.linear.gather [hbm4b:s25+s4], $0x10, $0x38;
	[tilespmem:$0x1EA80] =	vst v63  }
0x3c: {  	_ =	swait.ge [sflag:s19], $0x10  }
0x3d: {  	[sflag:s19] =	ssyncset.done $0x0  }
0x3e: {  	s0 =	simm.s32 $0x0;
	s25 =	simm.s32 $0x200;
	[sflag:s19] =	ssyncadd.s32 $0xFFFFFFF0  }
.LBB2_2:
0x3f: {  	p0 =	sne.s32 s25, $0xFE00;
	[tilespmem:s0+$0x2AF0] =	vst v0  }
0x40: {  	[tilespmem:s0+$0x2A80] =	vst v0  }
0x41: {  	[tilespmem:s0+$0x2A90] =	vst v0  }
.Ltmp2:
0x42: {  	[tilespmem:s0+$0x2AA0] =	vst v0;
	(pc) =	sbr.rel @p0 .LBB2_2-.Ltmp2, $4  }
0x43: {  	[tilespmem:s0+$0x2AB0] =	vst v0  }
0x44: {  	[tilespmem:s0+$0x2AC0] =	vst v0  }
0x45: {  	[tilespmem:s0+$0x2AD0] =	vst v0  }
0x46: {  	[tilespmem:s0+$0x2AE0] =	vst v0;
	s0 =	sshra.s32 s25, $0x2;
	s25 =	sadd.s32 $0x200, s25  }
0x47: {  	[tilespmem:s0+$0x2AF0] =	vst v0  }
0x48: {  	[tilespmem:s0+$0x2A80] =	vst v0  }
0x49: {  	[tilespmem:s0+$0x2A90] =	vst v0  }
0x4a: {  	[tilespmem:s0+$0x2AA0] =	vst v0  }
0x4b: {  	[tilespmem:s0+$0x2AB0] =	vst v0  }
0x4c: {  	[tilespmem:s0+$0x2AC0] =	vst v0  }
0x4d: {  	[tilespmem:s0+$0x2AD0] =	vst v0  }
0x4e: {  	[tilespmem:s0+$0x2AE0] =	vst v0  }
0x4f: {  	[spmem:s7] =	stream.linear.scatter [tilespmem:s22], [sflag:$0x1], $0x4000, $0x38;
	[tilespmem:$0x1EA80] =	vst v63  }
0x50: {  	_ = 	snop  }
0x51: {  	[spmem:s9] =	stream.linear.scatter [tilespmem:s22], [sflag:$0x1], $0x4000, $0x38;
	[tilespmem:$0x1EA80] =	vst v63  }
0x52: {  	_ = 	snop  }
0x53: {  	[spmem:s10] =	stream.linear.scatter [tilespmem:s22], [sflag:$0x1], $0x4000, $0x38;
	[tilespmem:$0x1EA80] =	vst v63  }
0x54: {  	_ = 	snop  }
0x55: {  	[spmem:s11] =	stream.linear.scatter [tilespmem:s22], [sflag:$0x1], $0x4000, $0x38;
	[tilespmem:$0x1EA80] =	vst v63  }
0x56: {  	_ = 	snop  }
0x57: {  	[spmem:s12] =	stream.linear.scatter [tilespmem:s22], [sflag:$0x1], $0x4000, $0x38;
	[tilespmem:$0x1EA80] =	vst v63  }
0x58: {  	_ =	swait.ge [sflag:s23], $0x4000  }
0x59: {  	[sflag:s23] =	ssyncset.done $0x0  }
0x5a: {  	[sflag:s23] =	ssyncadd.s32 $0xFFFFC000  }
0x5b: {  	_ =	swait.ge [sflag:s23], $0x4000  }
0x5c: {  	[sflag:s23] =	ssyncset.done $0x0  }
0x5d: {  	[sflag:s23] =	ssyncadd.s32 $0xFFFFC000  }
0x5e: {  	_ =	swait.ge [sflag:s23], $0x4000  }
0x5f: {  	[sflag:s23] =	ssyncset.done $0x0  }
0x60: {  	[sflag:s23] =	ssyncadd.s32 $0xFFFFC000  }
0x61: {  	_ =	swait.ge [sflag:s23], $0x4000  }
0x62: {  	[sflag:s23] =	ssyncset.done $0x0  }
0x63: {  	[sflag:s23] =	ssyncadd.s32 $0xFFFFC000  }
0x64: {  	_ =	swait.ge [sflag:s23], $0x4000  }
0x65: {  	[sflag:s23] =	ssyncset.done $0x0  }
0x66: {  	[sflag:s23] =	ssyncadd.s32 $0xFFFFC000  }
0x67: {  	[bflag:$0x0] =	sbarrier.arrive $0xFFFF  }
0x68: {  	v1 =	vld [tilespmem:$0x0]  }
0x69: {  	v2 =	vld [tilespmem:$0x10]  }
0x6a: {  	v3 =	vld [tilespmem:$0x20]  }
0x6b: {  	v4 =	vld [tilespmem:$0x30]  }
0x6c: {  	v5 =	vld [tilespmem:$0x40]  }
0x6d: {  	v6 =	vld [tilespmem:$0x50];
	v1 =	vshrl.u32 v1, $0x10  }
0x6e: {  	[tilespmem:$0x2800] =	vst v1;
	v1 =	vshrl.u32 v2, $0x10;
	v2 =	vld [tilespmem:$0x60]  }
0x6f: {  	[tilespmem:$0x2810] =	vst v1;
	v1 =	vshrl.u32 v3, $0x10;
	v3 =	vld [tilespmem:$0x70]  }
0x70: {  	[tilespmem:$0x2820] =	vst v1;
	v1 =	vshrl.u32 v4, $0x10  }
0x71: {  	[tilespmem:$0x2830] =	vst v1;
	v1 =	vshrl.u32 v5, $0x10  }
0x72: {  	[tilespmem:$0x2840] =	vst v1;
	v1 =	vshrl.u32 v6, $0x10  }
0x73: {  	[tilespmem:$0x2850] =	vst v1;
	v1 =	vshrl.u32 v2, $0x10  }
0x74: {  	[tilespmem:$0x2860] =	vst v1;
	v1 =	vshrl.u32 v3, $0x10  }
0x75: {  	s25 =	simm.s32 $0x2800;
	[tilespmem:$0x2870] =	vst v1  }
0x76: {  	[tilespmem:s22], [sflag:$0x1] =	stream.indirect.gather [hbm4b:s2+s24], $0x80, s25, s24, $0xb8;
	[tilespmem:$0x1EA80] =	vst v63  }
0x77: {  	v1 =	vld [tilespmem:$0x80]  }
0x78: {  	v2 =	vld [tilespmem:$0x90]  }
0x79: {  	v3 =	vld [tilespmem:$0xA0]  }
0x7a: {  	v61 =	vld [tilespmem:$0xB0]  }
0x7b: {  	v62 =	vld [tilespmem:$0xC0]  }
0x7c: {  	v63 =	vld [tilespmem:$0xD0];
	v1 =	vshrl.u32 v1, $0x10  }
0x7d: {  	[tilespmem:$0x2880] =	vst v1;
	v1 =	vshrl.u32 v2, $0x10;
	v2 =	vld [tilespmem:$0xE0]  }
0x7e: {  	[tilespmem:$0x2890] =	vst v1;
	v1 =	vshrl.u32 v3, $0x10;
	v3 =	vld [tilespmem:$0xF0]  }
0x7f: {  	[tilespmem:$0x28A0] =	vst v1;
	v1 =	vshrl.u32 v61, $0x10  }
0x80: {  	[tilespmem:$0x28B0] =	vst v1;
	v1 =	vshrl.u32 v62, $0x10  }
0x81: {  	[tilespmem:$0x28C0] =	vst v1;
	v1 =	vshrl.u32 v63, $0x10  }
0x82: {  	[tilespmem:$0x28D0] =	vst v1;
	v1 =	vshrl.u32 v2, $0x10  }
0x83: {  	[tilespmem:$0x28E0] =	vst v1;
	v1 =	vshrl.u32 v3, $0x10  }
0x84: {  	s0 =	simm.s32 $0x0;
	[tilespmem:$0x28F0] =	vst v1  }
0x85: {  	[tilespmem:s28], [sflag:$0x2] =	stream.indirect.gather [hbm4b:s2+s24], $0x80, s26, s24, $0xb8;
	[tilespmem:$0x1EA80] =	vst v63  }
.LBB2_4:
0x86: {  	_ =	swait.ge [sflag:s23], $0x4000  }
0x87: {  	[sflag:s23] =	ssyncset.done $0x0  }
0x88: {  	s25 =	sshra.s32 s0, $0x2;
	[sflag:s23] =	ssyncadd.s32 $0xFFFFC000  }
0x89: {  	v1 =	vld [tilespmem:s25+$0x0];
	_ =	sdelay $0x4  }
0x8a: {  	v1 =	vand.u32 $0xFFFF, v1  }
0x8b: {  	[tilespmem:$0x2900] =	vst v1  }
0x8c: {  	v1 =	vld [tilespmem:s25+$0x10];
	_ =	sdelay $0x4  }
0x8d: {  	v1 =	vand.u32 $0xFFFF, v1  }
0x8e: {  	[tilespmem:$0x2910] =	vst v1  }
0x8f: {  	v1 =	vld [tilespmem:s25+$0x20];
	_ =	sdelay $0x4  }
0x90: {  	v1 =	vand.u32 $0xFFFF, v1  }
0x91: {  	[tilespmem:$0x2920] =	vst v1  }
0x92: {  	v1 =	vld [tilespmem:s25+$0x30];
	_ =	sdelay $0x4  }
0x93: {  	v1 =	vand.u32 $0xFFFF, v1  }
0x94: {  	[tilespmem:$0x2930] =	vst v1  }
0x95: {  	v1 =	vld [tilespmem:s25+$0x40];
	_ =	sdelay $0x4  }
0x96: {  	v1 =	vand.u32 $0xFFFF, v1  }
0x97: {  	[tilespmem:$0x2940] =	vst v1  }
0x98: {  	v1 =	vld [tilespmem:s25+$0x50];
	_ =	sdelay $0x4  }
0x99: {  	v1 =	vand.u32 $0xFFFF, v1  }
0x9a: {  	[tilespmem:$0x2950] =	vst v1  }
0x9b: {  	v1 =	vld [tilespmem:s25+$0x60];
	_ =	sdelay $0x4  }
0x9c: {  	v1 =	vand.u32 $0xFFFF, v1  }
0x9d: {  	[tilespmem:$0x2960] =	vst v1  }
0x9e: {  	v1 =	vld [tilespmem:s25+$0x70];
	_ =	sdelay $0x4  }
0x9f: {  	v1 =	vand.u32 $0xFFFF, v1  }
0xa0: {  	[tilespmem:$0x2970] =	vst v1  }
0xa1: {  	[spmem:s3] =	stream.indirect.scatter.add.f32 [tilespmem:s22], [sflag:$0x3], $0x80, s29, s24, $0xb8;
	[tilespmem:$0x1EA80] =	vst v63  }
0xa2: {  	_ =	swait.ge [sflag:s19], $0x4000  }
0xa3: {  	p0 =	seq.s32 s0, $0x9800;
	[sflag:s19] =	ssyncset.done $0x0  }
0xa4: {  	s5 =	sshra.s32 @!p0 s0, $0x2;
	[sflag:s19] =	ssyncadd.s32 $0xFFFFC000  }
0xa5: {  	v1 =	vld @!p0 [tilespmem:s5+$0x100];
	_ =	sdelay $0x4  }
0xa6: {  	v1 =	vshrl.u32 @!p0 v1, $0x10  }
0xa7: {  	[tilespmem:$0x2800] =	vst @!p0 v1  }
0xa8: {  	v1 =	vld @!p0 [tilespmem:s5+$0x110];
	_ =	sdelay $0x4  }
0xa9: {  	v1 =	vshrl.u32 @!p0 v1, $0x10  }
0xaa: {  	[tilespmem:$0x2810] =	vst @!p0 v1  }
0xab: {  	v1 =	vld @!p0 [tilespmem:s5+$0x120];
	_ =	sdelay $0x4  }
0xac: {  	v1 =	vshrl.u32 @!p0 v1, $0x10  }
0xad: {  	[tilespmem:$0x2820] =	vst @!p0 v1  }
0xae: {  	v1 =	vld @!p0 [tilespmem:s5+$0x130];
	_ =	sdelay $0x4  }
0xaf: {  	v1 =	vshrl.u32 @!p0 v1, $0x10  }
0xb0: {  	[tilespmem:$0x2830] =	vst @!p0 v1  }
0xb1: {  	v1 =	vld @!p0 [tilespmem:s5+$0x140];
	_ =	sdelay $0x4  }
0xb2: {  	v1 =	vshrl.u32 @!p0 v1, $0x10  }
0xb3: {  	[tilespmem:$0x2840] =	vst @!p0 v1  }
0xb4: {  	v1 =	vld @!p0 [tilespmem:s5+$0x150];
	_ =	sdelay $0x4  }
0xb5: {  	v1 =	vshrl.u32 @!p0 v1, $0x10  }
0xb6: {  	[tilespmem:$0x2850] =	vst @!p0 v1  }
0xb7: {  	v1 =	vld @!p0 [tilespmem:s5+$0x160];
	_ =	sdelay $0x4  }
0xb8: {  	v1 =	vshrl.u32 @!p0 v1, $0x10  }
0xb9: {  	[tilespmem:$0x2860] =	vst @!p0 v1  }
0xba: {  	v1 =	vld @!p0 [tilespmem:s5+$0x170];
	_ =	sdelay $0x4  }
0xbb: {  	v1 =	vshrl.u32 @!p0 v1, $0x10  }
0xbc: {  	s6 =	simm.s32 @!p0 $0x2800;
	s8 =	simm.s32 @!p0 $0x2A80;
	s5 =	simm.s32 @!p0 $0x80;
	[tilespmem:$0x2870] =	vst @!p0 v1  }
0xbd: {  	[tilespmem:s8], [sflag:$0x1] =	stream.indirect.gather @!p0 [hbm4b:s2+s5], $0x80, s6, s5, $0xb8;
	[tilespmem:$0x1EA80] =	vst v63  }
0xbe: {  	_ =	swait.ge [sflag:s30], $0x4000  }
0xbf: {  	[sflag:s30] =	ssyncset.done $0x0  }
0xc0: {  	[sflag:s30] =	ssyncadd.s32 $0xFFFFC000  }
0xc1: {  	v1 =	vld [tilespmem:s25+$0x80];
	_ =	sdelay $0x4  }
0xc2: {  	v1 =	vand.u32 $0xFFFF, v1  }
0xc3: {  	[tilespmem:$0x2900] =	vst v1  }
0xc4: {  	v1 =	vld [tilespmem:s25+$0x90];
	_ =	sdelay $0x4  }
0xc5: {  	v1 =	vand.u32 $0xFFFF, v1  }
0xc6: {  	[tilespmem:$0x2910] =	vst v1  }
0xc7: {  	v1 =	vld [tilespmem:s25+$0xA0];
	_ =	sdelay $0x4  }
0xc8: {  	v1 =	vand.u32 $0xFFFF, v1  }
0xc9: {  	[tilespmem:$0x2920] =	vst v1  }
0xca: {  	v1 =	vld [tilespmem:s25+$0xB0];
	_ =	sdelay $0x4  }
0xcb: {  	v1 =	vand.u32 $0xFFFF, v1  }
0xcc: {  	[tilespmem:$0x2930] =	vst v1  }
0xcd: {  	v1 =	vld [tilespmem:s25+$0xC0];
	_ =	sdelay $0x4  }
0xce: {  	v1 =	vand.u32 $0xFFFF, v1  }
0xcf: {  	[tilespmem:$0x2940] =	vst v1  }
0xd0: {  	v1 =	vld [tilespmem:s25+$0xD0];
	_ =	sdelay $0x4  }
0xd1: {  	v1 =	vand.u32 $0xFFFF, v1  }
0xd2: {  	[tilespmem:$0x2950] =	vst v1  }
0xd3: {  	v1 =	vld [tilespmem:s25+$0xE0];
	_ =	sdelay $0x4  }
0xd4: {  	v1 =	vand.u32 $0xFFFF, v1  }
0xd5: {  	[tilespmem:$0x2960] =	vst v1  }
0xd6: {  	v1 =	vld [tilespmem:s25+$0xF0];
	_ =	sdelay $0x4  }
0xd7: {  	v1 =	vand.u32 $0xFFFF, v1  }
.Ltmp3:
0xd8: {  	[tilespmem:$0x2970] =	vst v1;
	(pc) =	sbr.rel @p0 .LBB2_6-.Ltmp3, $4  }
0xd9: {  	[spmem:s3] =	stream.indirect.scatter.add.f32 [tilespmem:s28], [sflag:$0x3], $0x80, s29, s24, $0xb8;
	[tilespmem:$0x1EA80] =	vst v63  }
0xda: {  	_ =	swait.ge [sflag:s19], $0x4000  }
0xdb: {  	[sflag:s19] =	ssyncset.done $0x0  }
0xdc: {  	[sflag:s19] =	ssyncadd.s32 $0xFFFFC000  }
0xdd: {  	v1 =	vld [tilespmem:s25+$0x180];
	_ =	sdelay $0x4  }
0xde: {  	v1 =	vshrl.u32 v1, $0x10  }
0xdf: {  	[tilespmem:$0x2880] =	vst v1  }
0xe0: {  	v1 =	vld [tilespmem:s25+$0x190];
	_ =	sdelay $0x4  }
0xe1: {  	v1 =	vshrl.u32 v1, $0x10  }
0xe2: {  	[tilespmem:$0x2890] =	vst v1  }
0xe3: {  	v1 =	vld [tilespmem:s25+$0x1A0];
	_ =	sdelay $0x4  }
0xe4: {  	v1 =	vshrl.u32 v1, $0x10  }
0xe5: {  	[tilespmem:$0x28A0] =	vst v1  }
0xe6: {  	v1 =	vld [tilespmem:s25+$0x1B0];
	_ =	sdelay $0x4  }
0xe7: {  	v1 =	vshrl.u32 v1, $0x10  }
0xe8: {  	[tilespmem:$0x28B0] =	vst v1  }
0xe9: {  	v1 =	vld [tilespmem:s25+$0x1C0];
	_ =	sdelay $0x4  }
0xea: {  	v1 =	vshrl.u32 v1, $0x10  }
0xeb: {  	[tilespmem:$0x28C0] =	vst v1  }
0xec: {  	v1 =	vld [tilespmem:s25+$0x1D0];
	_ =	sdelay $0x4  }
0xed: {  	v1 =	vshrl.u32 v1, $0x10  }
0xee: {  	[tilespmem:$0x28D0] =	vst v1  }
0xef: {  	v1 =	vld [tilespmem:s25+$0x1E0];
	_ =	sdelay $0x4  }
0xf0: {  	v1 =	vshrl.u32 v1, $0x10  }
0xf1: {  	[tilespmem:$0x28E0] =	vst v1  }
0xf2: {  	v1 =	vld [tilespmem:s25+$0x1F0];
	_ =	sdelay $0x2  }
.Ltmp4:
0xf3: {  	_ = 	snop;
	(pc) =	sbr.rel .LBB2_4-.Ltmp4, $4  }
0xf4: {  	_ = 	snop  }
0xf5: {  	v1 =	vshrl.u32 v1, $0x10  }
0xf6: {  	s0 =	sadd.s32 $0x400, s0;
	[tilespmem:$0x28F0] =	vst v1  }
0xf7: {  	[tilespmem:s28], [sflag:$0x2] =	stream.indirect.gather [hbm4b:s2+s24], $0x80, s26, s24, $0xb8;
	[tilespmem:$0x1EA80] =	vst v63  }
.LBB2_7:
0xf8: {  	_ =	sfence.sel $0x180000  }
0xf9: {  	[bflag:$0x0] =	sbarrier.arrive $0xFFFF  }
0xfa: {  	_ =	strace $0x9000004D  }
0xfb: {  	s0 =	stileid.u32;
	[bflag:$0x2] =	sbarrier.arrive $0xFFFF  }
0xfc: {  	p0 =	sne.s32 s0, $0x0;
	s0 =	rddreg [dreg:$0x3]  }
0xfd: {  	s0 =	sadd.s32 @!p0 $0x100000, s0  }
0xfe: {  	[sflag:s0] =	ssyncadd.tile.s32 @!p0 $0x1;
	_ =	shalt  }
.Lfunc_end2:
_tile_overlayer_lowered:
.L_overlay_start_2:
0xff: {  	(tag) =	ssettag $0x2  }
0x100: {  	s0 =	rddreg [dreg:$0x0];
	s2 =	stileid.u32  }
0x101: {  	s1 =	rddreg [dreg:$0x1];
	p0 =	sne.s32 s2, $0x0  }
0x102: {  	s3 =	rddreg [dreg:$0x2];
	[bflag:$0x3] =	sbarrier.arrive $0xFFFF;
	s2 =	simm.s32 @!p0 $0x1C03  }
0x103: {  	[timem:s3], [sflag:s2] =	dma.local @!p0 [hbm:s0], s1  }
0x104: {  	s0 =	simm.s32 @!p0 $0x3  }
0x105: {  	_ =	swait.ge @!p0 [sflag:s0], s1  }
0x106: {  	s1 =	ssub.s32 @!p0 $0x0, s1;
	[sflag:s0] =	ssyncset.done @!p0 $0x0  }
0x107: {  	[sflag:s0] =	ssyncadd.s32 @!p0 s1  }
0x108: {  	[bflag:$0x3] =	sbarrier.arrive $0xFFFF  }
0x109: {  	_ =	shalt  }

// kernel: kernel.7.cloned.1.call-start
scs
__scs_entry_jumppad:
0x0: {  	(pc) =	sbr.rel $0x88, $3  }
0x1: {  	(tag) =	ssettag $0x0;
	lr =	simm.s32 $0x1  }
0x2: {  	[smem:$0x3F99] =	sst lr;
	_ =	strace $0xD0000000  }
0x3: {  	_ = 	snop  }
0x4: {  	_ = 	snop  }
0x5: {  	_ = 	snop  }
0x6: {  	_ = 	snop  }
0x7: {  	_ = 	snop  }
__scs_overlays_trampoline_lowered:
0x8: {  	[smem:$0x3FA8] =	sst s0  }
0x9: {  	[smem:$0x3FA9] =	sst s1  }
0xa: {  	[smem:$0x3FAA] =	sst s2  }
0xb: {  	[smem:$0x3FAB] =	sst s3  }
0xc: {  	[smem:$0x3FAC] =	sst s4  }
0xd: {  	[smem:$0x3FAD] =	sst s5  }
0xe: {  	[smem:$0x3FAE] =	sst s6  }
0xf: {  	[smem:$0x3FAF] =	sst s7  }
0x10: {  	[smem:$0x3FB0] =	sst s8  }
0x11: {  	[smem:$0x3FB1] =	sst s9;
	s0 =	simm.s32 @!p0 $0x0  }
0x12: {  	s1 =	sld [smem:$0x3F97];
	s0 =	simm.s32 @p0 $0x1  }
0x13: {  	[smem:$0x3FB2] =	sst s0;
	s0 =	simm.s32 @!p1 $0x0  }
0x14: {  	s2 =	sld [smem:$0x3F96];
	s0 =	simm.s32 @p1 $0x1  }
0x15: {  	[smem:$0x3FB3] =	sst s0;
	s0 =	simm.s32 @!p2 $0x0  }
0x16: {  	s3 =	sld [smem:$0x3FDB];
	s0 =	simm.s32 @p2 $0x1  }
0x17: {  	s4 =	simm.s32 $0x1BF5;
	[smem:$0x3FB5] =	sst s0  }
0x18: {  	s0 =	sld [smem:$0x3F98];
	_ =	swait.ge [sflag:s4], $0x0  }
0x19: {  	s7 =	sld [smem:$0x3F99]  }
0x1a: {  	s8 =	sadd.s32 $0xFFFFE003, lr  }
0x1b: {  	s9 =	sadd.s32 $0xFFFFFEF7, lr;
	s5 =	simm.s32 $0xFFFFFFFF;
	p2 =	slt.u32 s8, $0xFFFFF086  }
0x1c: {  	p1 =	slt.u32 s9, $0xF7A;
	s5 =	simm.s32 @!p2 $0x0  }
0x1d: {  	s5 =	simm.s32 @p1 $0x1;
	p0 =	seq.s32 s7, s2  }
0x1e: {  	s7 =	smul.u32 @!p0 $0xF7A, s2;
	p2 =	seq.s32 @!p0 s5, $0x0  }
0x1f: {  	s9 =	smul.u32 $0xF7A, s1;
	s8 =	simm.s32 @!p0 $0x1BF5;
	p2 =	por !p2, p0  }
0x20: {  	[sflag:s8] =	ssyncset.s32 @!p0 $0xFFFFF086;
	s6 =	sadd.s32 @!p0 s3, s7;
	s7 =	simm.s32 @!p0 $0x108  }
0x21: {  	s3 =	sadd.s32 s3, s9;
	s6 =	sadd.s32 @!p0 $0x88, s6;
	s7 =	simm.s32 @p2 $0x1082  }
0x22: {  	[simem:s7], [sflag:s8] =	dma.local @!p0 [hbm:s6], $0xF7A  }
0x23: {  	s9 =	sor.u32 $0xD0000000, s2;
	s6 =	simm.s32 $0x108;
	_ =	swait.ge @!p0 [sflag:s8], $0x0  }
0x24: {  	s3 =	sadd.s32 $0x88, s3;
	s6 =	simm.s32 @!p1 $0x1082;
	[sflag:s4] =	ssyncset.s32 $0xFFFFF086  }
0x25: {  	[simem:s6], [sflag:s4] =	dma.local [hbm:s3], $0xF7A  }
0x26: {  	[smem:$0x3F99] =	sst s1;
	(tag) =	ssettag s2;
	_ =	strace s9  }
0x27: {  	s1 =	sld [smem:$0x3FA9]  }
0x28: {  	s2 =	sld [smem:$0x3FAA]  }
0x29: {  	s4 =	sld [smem:$0x3FAC]  }
0x2a: {  	p0 =	seq.s32 s5, $0x0;
	s5 =	sld [smem:$0x3FAD]  }
0x2b: {  	s6 =	sld [smem:$0x3FAE]  }
0x2c: {  	s7 =	sld [smem:$0x3FAF]  }
0x2d: {  	s3 =	simm.s32 $0x108;
	s8 =	sld [smem:$0x3FB0]  }
0x2e: {  	s3 =	simm.s32 @!p0 $0x1082;
	s9 =	sld [smem:$0x3FB1]  }
0x2f: {  	lr =	sadd.s32 s0, s3;
	s0 =	sld [smem:$0x3FA8]  }
0x30: {  	s3 =	sld [smem:$0x3FAB]  }
0x31: {  	[smem:$0x3FB4] =	sst s10  }
0x32: {  	s10 =	sld [smem:$0x3FB2];
	_ =	sdelay $0x3  }
0x33: {  	p0 =	seq.s32 s10, $0x1;
	s10 =	sld [smem:$0x3FB4];
	_ =	sdelay $0x3  }
0x34: {  	[smem:$0x3FB4] =	sst s10  }
0x35: {  	s10 =	sld [smem:$0x3FB3];
	_ =	sdelay $0x3  }
0x36: {  	p1 =	seq.s32 s10, $0x1;
	s10 =	sld [smem:$0x3FB4];
	_ =	sdelay $0x3  }
0x37: {  	[smem:$0x3FB4] =	sst s10  }
0x38: {  	s10 =	sld [smem:$0x3FB5]  }
0x39: {  	_ = 	snop;
	(pc) =	sbr.ind lr, $3  }
0x3a: {  	_ = 	snop  }
0x3b: {  	_ = 	snop  }
0x3c: {  	p2 =	seq.s32 s10, $0x1;
	s10 =	sld [smem:$0x3FB4]  }
0x3d: {  	_ =	shalt  }
0x3e: {  	_ =	shalt  }
0x3f: {  	_ =	shalt  }
0x40: {  	_ =	shalt  }
0x41: {  	_ =	shalt  }
0x42: {  	_ =	shalt  }
0x43: {  	_ =	shalt  }
0x44: {  	_ =	shalt  }
0x45: {  	_ =	shalt  }
0x46: {  	_ =	shalt  }
0x47: {  	_ =	shalt  }
0x48: {  	_ =	shalt  }
0x49: {  	_ =	shalt  }
0x4a: {  	_ =	shalt  }
0x4b: {  	_ =	shalt  }
0x4c: {  	_ =	shalt  }
0x4d: {  	_ =	shalt  }
0x4e: {  	_ =	shalt  }
0x4f: {  	_ =	shalt  }
0x50: {  	_ =	shalt  }
0x51: {  	_ =	shalt  }
0x52: {  	_ =	shalt  }
0x53: {  	_ =	shalt  }
0x54: {  	_ =	shalt  }
0x55: {  	_ =	shalt  }
0x56: {  	_ =	shalt  }
0x57: {  	_ =	shalt  }
0x58: {  	_ =	shalt  }
0x59: {  	_ =	shalt  }
0x5a: {  	_ =	shalt  }
0x5b: {  	_ =	shalt  }
0x5c: {  	_ =	shalt  }
0x5d: {  	_ =	shalt  }
0x5e: {  	_ =	shalt  }
0x5f: {  	_ =	shalt  }
0x60: {  	_ =	shalt  }
0x61: {  	_ =	shalt  }
0x62: {  	_ =	shalt  }
0x63: {  	_ =	shalt  }
0x64: {  	_ =	shalt  }
0x65: {  	_ =	shalt  }
0x66: {  	_ =	shalt  }
0x67: {  	_ =	shalt  }
0x68: {  	_ =	shalt  }
0x69: {  	_ =	shalt  }
0x6a: {  	_ =	shalt  }
0x6b: {  	_ =	shalt  }
0x6c: {  	_ =	shalt  }
0x6d: {  	_ =	shalt  }
0x6e: {  	_ =	shalt  }
0x6f: {  	_ =	shalt  }
0x70: {  	_ =	shalt  }
0x71: {  	_ =	shalt  }
0x72: {  	_ =	shalt  }
0x73: {  	_ =	shalt  }
0x74: {  	_ =	shalt  }
0x75: {  	_ =	shalt  }
0x76: {  	_ =	shalt  }
0x77: {  	_ =	shalt  }
0x78: {  	_ =	shalt  }
0x79: {  	_ =	shalt  }
0x7a: {  	_ =	shalt  }
0x7b: {  	_ =	shalt  }
0x7c: {  	_ =	shalt  }
0x7d: {  	_ =	shalt  }
0x7e: {  	_ =	shalt  }
0x7f: {  	_ =	shalt  }
0x80: {  	_ =	shalt  }
0x81: {  	_ =	shalt  }
0x82: {  	_ =	shalt  }
0x83: {  	_ =	shalt  }
0x84: {  	_ =	shalt  }
0x85: {  	_ =	shalt  }
0x86: {  	_ =	shalt  }
0x87: {  	_ =	shalt  }
.Lfunc_end0:
.L_simem_size_0:
called_computation_lowered:
.L_overlay_start_0:
0x88: {  	s2 =	sld [smem:$0x3FD9]  }
0x89: {  	s3 =	sld [smem:$0x3FFE];
	_ =	sdelay $0x1  }
0x8a: {  	s1 =	srdreg.scid  }
0x8b: {  	s0 =	sand.u32 $0x1, s1  }
0x8c: {  	s17 =	sshll.u32 s0, $0xA;
	s2 =	sadd.s32 s3, s2  }
0x8d: {  	s2 =	sadd.s32 s2, s17  }
0x8e: {  	[smem:$0x3FC0] =	sst s2  }
0x8f: {  	_ = 	snop  }
0x90: {  	s2 =	sld [smem:$0x3FD0];
	(tm) =	ssettm $0x1  }
0x91: {  	s18 =	sld [smem:$0x3FFB];
	_ =	sdelay $0x3  }
0x92: {  	_ =	strace s18  }
0x93: {  	s3 =	sld [smem:$0x3FFC];
	_ =	sdelay $0x3  }
0x94: {  	_ =	strace s3  }
0x95: {  	s3 =	sld [smem:$0x3FFD];
	_ =	sdelay $0x3  }
0x96: {  	_ =	strace s3  }
0x97: {  	_ =	strace $0x8FFFFFFF  }
0x98: {  	s19 =	sld [smem:$0x3FDB];
	_ =	sdelay $0x1  }
0x99: {  	s4 =	simm.s32 $_scs_section_size  }
0x9a: {  	s5 =	simm.s32 $_size__tile_overlayer_lowered;
	s6 =	simm.s32 $_tile_overlayer_lowered  }
0x9b: {  	s22 =	simm.s32 $0x1BFF;
	s21 =	sshll.u32 s6, $0x1;
	s3 =	sadd.s32 s4, s19  }
0x9c: {  	s7 =	simm.s32 $0x0;
	s20 =	sshll.u32 s5, $0x1;
	s5 =	sadd.s32 s21, s3  }
0x9d: {  	[timem:s7], [sflag:s22] =	dma.local [hbm:s5], s20  }
0x9e: {  	_ =	swait.ge [sflag:s22], s20  }
0x9f: {  	s4 =	ssub.s32 $0x0, s20;
	[sflag:s22] =	ssyncset.done $0x0  }
0xa0: {  	[sflag:s22] =	ssyncadd.s32 s4;
	_ =	sdelay $0x1  }
0xa1: {  	s23 =	simm.s32 $0x1B8B  }
0xa2: {  	_ =	swait.ge [sflag:s23], $0x1  }
0xa3: {  	[sflag:s23] =	ssyncset.done $0x0  }
0xa4: {  	s25 =	simm.s32 $0x1B8E;
	s24 =	sld [smem:$0x3FFE];
	[sflag:s23] =	ssyncadd.s32 $0xFFFFFFFF  }
0xa5: {  	s26 =	simm.s32 $execute0_lowered;
	[smem:$0x3FD2] =	sst s25  }
0xa6: {  	s5 =	sshll.u32 s26, $0x1;
	_ =	strace $0x80000046;
	[dreg:$0x1] =	wrdreg $0xFFFFFFFF  }
0xa7: {  	s28 =	simm.s32 $_size_execute0_lowered;
	s3 =	sadd.s32 s3, s5;
	[dreg:$0x0] =	wrdreg $0x0  }
0xa8: {  	s5 =	sshll.u32 s28, $0x1;
	[dreg:$0x2] =	wrdreg s3  }
0xa9: {  	[dreg:$0x3] =	wrdreg s5  }
0xaa: {  	[dreg:$0x4] =	wrdreg $0xC0  }
0xab: {  	_ =	task [dreg:s7], $0x5FFFF  }
0xac: {  	[dreg:$0x1] =	wrdreg $0xFFFFFFFF  }
0xad: {  	[dreg:$0x0] =	wrdreg $0x60  }
0xae: {  	[dreg:$0x2] =	wrdreg s24  }
0xaf: {  	[dreg:$0x3] =	wrdreg s2  }
0xb0: {  	[dreg:$0x4] =	wrdreg $0x9  }
0xb1: {  	_ =	task.clear_ibuf [dreg:s7], $0x5FFFF;
	_ =	strace $0x90000046  }
0xb2: {  	s29 =	simm.s32 $0x9;
	_ =	strace $0x80000048  }
0xb3: {  	_ =	swait.ge [sflag:s29], $0x1  }
0xb4: {  	[sflag:s29] =	ssyncadd.s32 $0xFFFFFFFF  }
0xb5: {  	_ =	strace $0x90000048  }
0xb6: {  	_ =	sfence  }
0xb7: {  	s30 =	sld [smem:$0x0];
	_ =	sdelay $0x2  }
0xb8: {  	s31 =	sshll.u32 s1, $0xD;
	s1 =	sshrl.u32 s1, $0x2  }
0xb9: {  	s3 =	sand.u32 $0x4000, s31;
	s1 =	sadd.s32 s1, s30  }
0xba: {  	s0 =	sor.u32 s3, s0;
	s1 =	sshll.u32 s1, $0x11  }
0xbb: {  	s0 =	sor.u32 s1, s0  }
0xbc: {  	s0 =	sadd.s32 $0x8F2B, s0  }
0xbd: {  	[sflag:s0] =	ssyncadd.remote.s32 $0x1  }
0xbe: {  	_ =	sfence.sel $0xFFFF  }
0xbf: {  	[dreg:$0x0] =	wrdreg $0xFFFFFFFF;
	(pc) =	sbr.abs _section_cstart, $3  }
0xc0: {  	[dreg:$0x1] =	wrdreg $0xFFFFFFFF  }
0xc1: {  	_ =	task.clear_ibuf [dreg:s7], $0x2FFFF;
	_ =	strace $0x9FFFFFFF  }
0xc2: {  	(tm) =	ssettm $0x7FFFFFFF  }
0xc3: {  	_ =	shalt  }
tec
execute0_lowered:
.L_overlay_start_1:
0x0: {  	(tag) =	ssettag $0x1  }
0x1: {  	s3 =	rddreg [dreg:$0x0]  }
0x2: {  	s1 =	srdreg.scid;
	s0 =	stileid.u32  }
0x3: {  	s6 =	rddreg [dreg:$0x1];
	s2 =	simm.s32 $0x0;
	s13 =	simm.s32 $0x4E00  }
0x4: {  	s4 =	sand.u32 $0x1, s1;
	s5 =	sshll.u32 s0, $0x1;
	s1 =	rddreg [dreg:$0x2]  }
0x5: {  	s14 =	simm.s32 $0x0;
	[smem:$0x7FF] =	sst s2;
	s5 =	sor.u32 s4, s5  }
0x6: {  	s10 =	sadd.s32 $0x2600, s3;
	s4 =	ssub.s32 $0x2, s4;
	s7 =	smul.u32 $0x4E0, s5  }
0x7: {  	s9 =	smul.u32 $0x500, s5;
	s11 =	sshrl.u32 s4, $0x1;
	s5 =	sshll.u32 s5, $0x1  }
0x8: {  	_ =	strace $0x80000047;
	s11 =	ssub.s32 s4, s11;
	s5 =	sadd.s32 s5, s10  }
0x9: {  	s8 =	sadd.s32 s7, s3;
	s12 =	sadd.s32 s9, s3;
	s4 =	sadd.s32 s10, s7  }
0xa: {  	s5 =	sadd.s32 $0x9C00, s5;
	s6 =	sadd.s32 s6, s9;
	s9 =	simm.s32 $0x1  }
0xb: {  	s10 =	simm.s32 $0x2700;
	s3 =	sadd.s32 $0xC400, s8;
	s7 =	sadd.s32 $0x16200, s12  }
0xc: {  	v0 =	vimm.f32 $0.0e+00;
	v1 =	vimm.f32 $1.000000000e+00;
	s8 =	smax.u32 s11, $0x1;
	s11 =	simm.s32 $0x7600;
	s12 =	simm.s32 $0x7680  }
.LBB2_1:
0xd: {  	[tilespmem:s2], [sflag:$0x1] =	stream.linear.gather [hbm4b:s3+s2], $0x2700, $0x38;
	[tilespmem:$0x9E80] =	vst v63  }
0xe: {  	_ =	swait.ge [sflag:s9], $0x2700  }
0xf: {  	[sflag:s9] =	ssyncset.done $0x0  }
0x10: {  	[sflag:s9] =	ssyncadd.s32 $0xFFFFD900  }
0x11: {  	[tilespmem:s10], [sflag:$0x1] =	stream.linear.gather [hbm4b:s4+s2], $0x2700, $0x38;
	[tilespmem:$0x9E80] =	vst v63  }
0x12: {  	_ =	swait.ge [sflag:s9], $0x2700  }
0x13: {  	[sflag:s9] =	ssyncset.done $0x0  }
0x14: {  	[sflag:s9] =	ssyncadd.s32 $0xFFFFD900  }
0x15: {  	[tilespmem:s11], [sflag:$0x1] =	stream.linear.gather [hbm4b:s5+s2], $0x10, $0x38;
	[tilespmem:$0x9E80] =	vst v63  }
0x16: {  	_ =	swait.ge [sflag:s9], $0x10  }
0x17: {  	[sflag:s9] =	ssyncset.done $0x0  }
0x18: {  	s15 =	simm.s32 $0x0;
	[sflag:s9] =	ssyncadd.s32 $0xFFFFFFF0  }
.LBB2_2:
0x19: {  	p0 =	sne.s32 s15, $0x9FC0  }
.Ltmp0:
0x1a: {  	_ = 	snop;
	(pc) =	sbr.rel @p0 .LBB2_2-.Ltmp0, $3  }
0x1b: {  	_ =	sdelay $0x1  }
0x1c: {  	s16 =	sshra.s32 s15, $0x2  }
0x1d: {  	s15 =	sadd.s32 $0x40, s15;
	[tilespmem:s16+$0x7680] =	vst v0  }
0x1e: {  	s15 =	simm.s32 $0x0  }
.LBB2_4:
0x1f: {  	s16 =	sshra.s32 s15, $0x2  }
0x20: {  	v2 =	vld [tilespmem:s16+$0x0]  }
0x21: {  	v3 =	vld [tilespmem:s16+$0x2700];
	_ =	sdelay $0x4  }
0x22: {  	v2 =	vshll.u32 v2, $0x10  }
0x23: {  	v2 =	vor.u32 v3, v2  }
0x24: {  	[tilespmem:s16+$0x4E00] =	vst v2  }
0x25: {  	[tilespmem:v3+s12+$0x0] =	vst.idx.add.f32.msk $0xffff, v1  }
0x26: {  	v2 =	vld [tilespmem:s16+$0x10]  }
0x27: {  	v3 =	vld [tilespmem:s16+$0x2710];
	_ =	sdelay $0x4  }
0x28: {  	v2 =	vshll.u32 v2, $0x10  }
0x29: {  	v2 =	vor.u32 v3, v2  }
0x2a: {  	[tilespmem:s16+$0x4E10] =	vst v2  }
0x2b: {  	[tilespmem:v3+s12+$0x0] =	vst.idx.add.f32.msk $0xffff, v1  }
0x2c: {  	v2 =	vld [tilespmem:s16+$0x20]  }
0x2d: {  	v3 =	vld [tilespmem:s16+$0x2720];
	_ =	sdelay $0x4  }
0x2e: {  	v2 =	vshll.u32 v2, $0x10  }
0x2f: {  	v2 =	vor.u32 v3, v2  }
0x30: {  	[tilespmem:s16+$0x4E20] =	vst v2  }
0x31: {  	[tilespmem:v3+s12+$0x0] =	vst.idx.add.f32.msk $0xffff, v1  }
0x32: {  	v2 =	vld [tilespmem:s16+$0x30]  }
0x33: {  	v3 =	vld [tilespmem:s16+$0x2730];
	_ =	sdelay $0x4  }
0x34: {  	v2 =	vshll.u32 v2, $0x10  }
0x35: {  	v2 =	vor.u32 v3, v2  }
0x36: {  	[tilespmem:s16+$0x4E30] =	vst v2  }
0x37: {  	[tilespmem:v3+s12+$0x0] =	vst.idx.add.f32.msk $0xffff, v1  }
0x38: {  	v2 =	vld [tilespmem:s16+$0x40]  }
0x39: {  	v3 =	vld [tilespmem:s16+$0x2740];
	_ =	sdelay $0x4  }
0x3a: {  	v2 =	vshll.u32 v2, $0x10  }
0x3b: {  	v2 =	vor.u32 v3, v2  }
0x3c: {  	[tilespmem:s16+$0x4E40] =	vst v2  }
0x3d: {  	[tilespmem:v3+s12+$0x0] =	vst.idx.add.f32.msk $0xffff, v1  }
0x3e: {  	v2 =	vld [tilespmem:s16+$0x50]  }
0x3f: {  	v3 =	vld [tilespmem:s16+$0x2750];
	_ =	sdelay $0x4  }
0x40: {  	v2 =	vshll.u32 v2, $0x10  }
0x41: {  	v2 =	vor.u32 v3, v2  }
0x42: {  	[tilespmem:s16+$0x4E50] =	vst v2  }
0x43: {  	[tilespmem:v3+s12+$0x0] =	vst.idx.add.f32.msk $0xffff, v1  }
0x44: {  	v2 =	vld [tilespmem:s16+$0x60]  }
0x45: {  	v3 =	vld [tilespmem:s16+$0x2760];
	_ =	sdelay $0x4  }
0x46: {  	v2 =	vshll.u32 v2, $0x10  }
0x47: {  	v2 =	vor.u32 v3, v2  }
0x48: {  	[tilespmem:s16+$0x4E60] =	vst v2  }
0x49: {  	[tilespmem:v3+s12+$0x0] =	vst.idx.add.f32.msk $0xffff, v1  }
0x4a: {  	v2 =	vld [tilespmem:s16+$0x70]  }
0x4b: {  	v3 =	vld [tilespmem:s16+$0x2770];
	_ =	sdelay $0x2  }
0x4c: {  	p0 =	sne.s32 s15, $0x9A00  }
.Ltmp1:
0x4d: {  	_ = 	snop;
	(pc) =	sbr.rel @p0 .LBB2_4-.Ltmp1, $4  }
0x4e: {  	v2 =	vshll.u32 v2, $0x10  }
0x4f: {  	v2 =	vor.u32 v3, v2  }
0x50: {  	[tilespmem:s16+$0x4E70] =	vst v2  }
0x51: {  	s15 =	sadd.s32 $0x200, s15;
	[tilespmem:v3+s12+$0x0] =	vst.idx.add.f32.msk $0xffff, v1  }
0x52: {  	v2 =	vld [tilespmem:$0x7600];
	_ =	sdelay $0x7  }
0x53: {  	[tilespmem:v2+s12+$0x0] =	vst.idx.add.f32.msk $0xffff, v1  }
0x54: {  	[hbm4b:s6+s2] =	stream.linear.scatter [tilespmem:s12], [sflag:$0x1], $0x2800, $0x38;
	[tilespmem:$0x9E80] =	vst v63  }
0x55: {  	s14 =	sadd.s32 $0x1, s14;
	_ =	swait.ge [sflag:s9], $0x2800  }
0x56: {  	p0 =	sne.s32 s14, s8;
	[sflag:s9] =	ssyncset.done $0x0  }
.Ltmp2:
0x57: {  	[sflag:s9] =	ssyncadd.s32 $0xFFFFD800;
	(pc) =	sbr.rel @p0 .LBB2_1-.Ltmp2, $4  }
0x58: {  	[hbm4b:s7+s2] =	stream.linear.scatter [tilespmem:s13], [sflag:$0x1], $0x2700, $0x38;
	[tilespmem:$0x9E80] =	vst v63  }
0x59: {  	_ =	swait.ge [sflag:s9], $0x2700  }
0x5a: {  	[sflag:s9] =	ssyncset.done $0x0  }
0x5b: {  	[sflag:s9] =	ssyncadd.s32 $0xFFFFD900  }
0x5c: {  	_ =	sfence.sel $0x180000  }
0x5d: {  	[bflag:$0x0] =	sbarrier.arrive $0xFFFF  }
0x5e: {  	p0 =	sne.s32 s0, $0x0;
	_ =	strace $0x90000047  }
0x5f: {  	s0 =	sadd.s32 @!p0 $0x100000, s1;
	[bflag:$0x2] =	sbarrier.arrive $0xFFFF  }
0x60: {  	[sflag:s0] =	ssyncadd.tile.s32 @!p0 $0x1;
	_ =	shalt  }
.Lfunc_end2:
_tile_overlayer_lowered:
.L_overlay_start_2:
0x61: {  	(tag) =	ssettag $0x2  }
0x62: {  	s0 =	rddreg [dreg:$0x0];
	s2 =	stileid.u32  }
0x63: {  	s1 =	rddreg [dreg:$0x1];
	p0 =	sne.s32 s2, $0x0  }
0x64: {  	s3 =	rddreg [dreg:$0x2];
	[bflag:$0x3] =	sbarrier.arrive $0xFFFF;
	s2 =	simm.s32 @!p0 $0x1C01  }
0x65: {  	[timem:s3], [sflag:s2] =	dma.local @!p0 [hbm:s0], s1  }
0x66: {  	s0 =	simm.s32 @!p0 $0x1  }
0x67: {  	_ =	swait.ge @!p0 [sflag:s0], s1  }
0x68: {  	s1 =	ssub.s32 @!p0 $0x0, s1;
	[sflag:s0] =	ssyncset.done @!p0 $0x0  }
0x69: {  	[sflag:s0] =	ssyncadd.s32 @!p0 s1  }
0x6a: {  	[bflag:$0x3] =	sbarrier.arrive $0xFFFF  }
0x6b: {  	_ =	shalt  }

</sc_bundles>
